<compile_context>
chip_gen: v7x
topology: tpu7x:2x2x1
jax: 0.10.2.dev20260603
libtpu: 0.0.44.dev20260713+nightly
codegen_flags: <defaults>
</compile_context>

<pallas_src>
import functools

import jax
import jax.numpy as jnp
from jax import lax
from jax.experimental import pallas as pl
from jax.experimental.pallas import tpu as pltpu
from jax.experimental.pallas import tpu_sc as plsc

N_NODES = 10000
N_EDGES = 320000
D = 128
N_GRAPHS = 64
D_OUT = 100

NC = 2
NS = 16
NW = NC * NS
EW = N_EDGES // NW
K = 80
CH = 624
TAIL = N_NODES - NS * CH

R = 2000
GRID = N_NODES // R



@functools.cache
def _sc_kernels():
    mesh = plsc.VectorSubcoreMesh(core_axis_name="c", subcore_axis_name="s",
                                  num_cores=NC, num_subcores=NS)

    @functools.partial(
        pl.kernel,
        out_type=jax.ShapeDtypeStruct((NW, N_NODES), jnp.float32),
        mesh=mesh,
        compiler_params=pltpu.CompilerParams(needs_layout_passes=False),
        scratch_types=[
            pltpu.VMEM((K,), jnp.int32),
            pltpu.VMEM((K,), jnp.int32),
            pltpu.VMEM((16,), jnp.float32),
            pltpu.VMEM((N_NODES,), jnp.float32),
            pltpu.SemaphoreType.DMA,
            pltpu.SemaphoreType.DMA,
        ],
    )
    def deg_kernel(dst_hbm, out_hbm, didx_a, didx_b, ones_v, tab, ja, jb):
        c = lax.axis_index("c")
        s = lax.axis_index("s")
        wid = s * NC + c
        ones_v[...] = jnp.full((16,), 1.0, jnp.float32)
        zv = ones_v[...] * 0.0

        def zbody(i, carry):
            tab[pl.ds(i * 16, 16)] = zv
            return carry

        lax.fori_loop(0, N_NODES // 16, zbody, 0)
        base = wid * EW
        idummy = dst_hbm.at[pl.ds(0, K)]
        NCHD = EW // K

        def scat(buf):
            ov = ones_v[...]
            for j in range(K // 16):
                dvec = buf[pl.ds(j * 16, 16)]
                plsc.addupdate_scatter(tab, [dvec], ov)

        pltpu.sync_copy(dst_hbm.at[pl.ds(base, K)], didx_a)
        pltpu.async_copy(dst_hbm.at[pl.ds(base + K, K)], didx_b, jb)

        def body(i, carry):
            n = 2 * i
            scat(didx_a)
            pltpu.async_copy(dst_hbm.at[pl.ds(base + (n + 2) * K, K)], didx_a, ja)
            pltpu.make_async_copy(idummy, didx_b, jb).wait()
            scat(didx_b)
            nn = jnp.minimum(n + 3, NCHD - 1)
            pltpu.async_copy(dst_hbm.at[pl.ds(base + nn * K, K)], didx_b, jb)
            pltpu.make_async_copy(idummy, didx_a, ja).wait()
            return carry

        lax.fori_loop(0, (NCHD - 1) // 2, body, 0)
        pltpu.make_async_copy(idummy, didx_b, jb).wait()
        scat(didx_a)
        pltpu.sync_copy(tab, out_hbm.at[wid])

    NCHUNK = EW // K

    @functools.partial(
        pl.kernel,
        out_type=jax.ShapeDtypeStruct((NC, N_NODES, D), jnp.float32),
        mesh=mesh,
        scratch_types=[
            pltpu.VMEM((K,), jnp.int32), pltpu.VMEM((K,), jnp.int32),
            pltpu.VMEM((K,), jnp.int32), pltpu.VMEM((K,), jnp.int32),
            pltpu.VMEM((K,), jnp.int32), pltpu.VMEM((K,), jnp.int32),
            pltpu.VMEM((K,), jnp.int32), pltpu.VMEM((K,), jnp.int32),
            pltpu.VMEM((K, D), jnp.float32), pltpu.VMEM((K, D), jnp.float32),
            pltpu.VMEM((K, D), jnp.float32), pltpu.VMEM((K, D), jnp.float32),
            pltpu.VMEM_SHARED((N_NODES, D), jnp.float32),
            pltpu.SemaphoreType.DMA, pltpu.SemaphoreType.DMA,
            pltpu.SemaphoreType.DMA, pltpu.SemaphoreType.DMA,
            pltpu.SemaphoreType.DMA, pltpu.SemaphoreType.DMA,
            pltpu.SemaphoreType.DMA, pltpu.SemaphoreType.DMA,
            pltpu.SemaphoreType.DMA, pltpu.SemaphoreType.DMA,
            pltpu.SemaphoreType.DMA, pltpu.SemaphoreType.DMA,
        ],
    )
    def agg_kernel(hw_hbm, src_hbm, dst_hbm, zeros_hbm, out_hbm,
                   si0, di0, si1, di1, si2, di2, si3, di3,
                   r0, r1, r2, r3, acc,
                   m0, m1, m2, m3, s0, s1, s2, s3, j0, j1, j2, j3):
        c = lax.axis_index("c")
        s = lax.axis_index("s")
        wid = s * NC + c
        pltpu.sync_copy(zeros_hbm.at[pl.ds(0, CH)], acc.at[pl.ds(s * CH, CH)])

        @pl.when(s == NS - 1)
        def _():
            pltpu.sync_copy(zeros_hbm.at[pl.ds(0, TAIL)],
                            acc.at[pl.ds(NS * CH, TAIL)])

        plsc.subcore_barrier()

        base = wid * EW
        dummy = hw_hbm.at[pl.ds(0, K)]
        idummy = src_hbm.at[pl.ds(0, K)]
        sis = (si0, si1, si2, si3)
        dis = (di0, di1, di2, di3)
        rows = (r0, r1, r2, r3)
        ms = (m0, m1, m2, m3)
        ss = (s0, s1, s2, s3)
        js = (j0, j1, j2, j3)

        for k in range(4):
            pltpu.sync_copy(src_hbm.at[pl.ds(base + k * K, K)], sis[k])
            pltpu.sync_copy(dst_hbm.at[pl.ds(base + k * K, K)], dis[k])
            pltpu.async_copy(hw_hbm.at[sis[k]], rows[k], ms[k])

        def body(i, carry):
            n = 4 * i
            for k in range(4):
                pltpu.make_async_copy(dummy, rows[k], ms[k]).wait()
                pltpu.async_copy(rows[k], acc.at[dis[k]], ss[k], add=True)
            for k in range(4):
                pltpu.make_async_copy(dummy, rows[k], ss[k]).wait()
                off = base + (n + 4 + k) * K
                pltpu.async_copy(src_hbm.at[pl.ds(off, K)], sis[k], js[k])
                pltpu.async_copy(dst_hbm.at[pl.ds(off, K)], dis[k], js[k])
                pltpu.make_async_copy(idummy, sis[k], js[k]).wait()
                pltpu.make_async_copy(idummy, dis[k], js[k]).wait()
                pltpu.async_copy(hw_hbm.at[sis[k]], rows[k], ms[k])
            return carry

        lax.fori_loop(0, (NCHUNK - 5) // 4, body, 0)
        for k in range(4):
            pltpu.make_async_copy(dummy, rows[k], ms[k]).wait()
            pltpu.async_copy(rows[k], acc.at[dis[k]], ss[k], add=True)
        pltpu.make_async_copy(dummy, rows[0], ss[0]).wait()
        pltpu.sync_copy(src_hbm.at[pl.ds(base + (NCHUNK - 1) * K, K)], si0)
        pltpu.sync_copy(dst_hbm.at[pl.ds(base + (NCHUNK - 1) * K, K)], di0)
        pltpu.async_copy(hw_hbm.at[si0], r0, m0)
        pltpu.make_async_copy(dummy, r0, m0).wait()
        pltpu.async_copy(r0, acc.at[di0], s0, add=True)
        for k in range(4):
            pltpu.make_async_copy(dummy, rows[k], ss[k]).wait()

        plsc.subcore_barrier()
        pltpu.sync_copy(acc.at[pl.ds(s * CH, CH)],
                        out_hbm.at[c, pl.ds(s * CH, CH)])

        @pl.when(s == NS - 1)
        def _():
            pltpu.sync_copy(acc.at[pl.ds(NS * CH, TAIL)],
                            out_hbm.at[c, pl.ds(NS * CH, TAIL)])

    return deg_kernel, agg_kernel



def _dinv_block(degw_ref):
    ones_col = jnp.ones((NW, 1), jnp.float32)
    deg = jnp.dot(degw_ref[...], ones_col,
                  preferred_element_type=jnp.float32) + 1.0
    return lax.rsqrt(deg)


def _enc_body(x_ref, W1_ref, b1_ref, W2_ref, b2_ref, Wc1_ref, out_ref):
    h = jnp.maximum(jnp.dot(x_ref[...], W1_ref[...],
                            preferred_element_type=jnp.float32) + b1_ref[...], 0.0)
    h = jnp.dot(h, W2_ref[...], preferred_element_type=jnp.float32) + b2_ref[...]
    out_ref[...] = jnp.dot(h, Wc1_ref[...], preferred_element_type=jnp.float32)


def _scale_body(hw_ref, degw_ref, out_ref):
    out_ref[...] = hw_ref[...] * _dinv_block(degw_ref)


def _mid_body(accp_ref, hws_ref, degw_ref, bc1_ref, Wc2_ref, out_ref):
    dinv = _dinv_block(degw_ref)
    out1 = (accp_ref[0] + accp_ref[1] + hws_ref[...]) * dinv + bc1_ref[...]
    out_ref[...] = jnp.dot(out1, Wc2_ref[...],
                           preferred_element_type=jnp.float32) * dinv


def _fin_body(accp_ref, hws_ref, degw_ref, bc2_ref, batch_ref, Wcls_ref, bcls_ref,
              h_ref, logits_ref, seg_acc, cnt_acc):
    i = pl.program_id(0)
    dinv = _dinv_block(degw_ref)
    h = (accp_ref[0] + accp_ref[1] + hws_ref[...]) * dinv + bc2_ref[...]
    h_ref[...] = h
    gids = lax.broadcasted_iota(jnp.int32, (N_GRAPHS, R), 0)
    onehot = (batch_ref[0] == gids).astype(jnp.float32)
    part = jnp.dot(onehot, h, preferred_element_type=jnp.float32)
    cnt = jnp.broadcast_to(jnp.sum(onehot, axis=1, keepdims=True), (N_GRAPHS, D))

    @pl.when(i == 0)
    def _():
        seg_acc[...] = part
        cnt_acc[...] = cnt

    @pl.when(i > 0)
    def _():
        seg_acc[...] += part
        cnt_acc[...] += cnt

    @pl.when(i == pl.num_programs(0) - 1)
    def _():
        hg = seg_acc[...] / jnp.maximum(cnt_acc[...], 1.0)
        logits_ref[...] = jnp.dot(hg, Wcls_ref[...],
                                  preferred_element_type=jnp.float32) + bcls_ref[...]


def _row_spec(width):
    return pl.BlockSpec((R, width), lambda i: (i, 0))


def _degw_spec():
    return pl.BlockSpec((R, NW), lambda i: (i, 0))


def _part_spec(width):
    return pl.BlockSpec((NC, R, width), lambda i: (0, i, 0))


def _full_spec(shape):
    nd = len(shape)
    return pl.BlockSpec(shape, lambda i, _nd=nd: (0,) * _nd)


_enc_call = pl.pallas_call(
    _enc_body,
    grid=(GRID,),
    in_specs=[
        _row_spec(D),
        _full_spec((D, D)), _full_spec((1, D)),
        _full_spec((D, D)), _full_spec((1, D)),
        _full_spec((D, D)),
    ],
    out_specs=_row_spec(D),
    out_shape=jax.ShapeDtypeStruct((N_NODES, D), jnp.float32),
)

_scale_call = pl.pallas_call(
    _scale_body,
    grid=(GRID,),
    in_specs=[_row_spec(D), _degw_spec()],
    out_specs=_row_spec(D),
    out_shape=jax.ShapeDtypeStruct((N_NODES, D), jnp.float32),
)

_mid_call = pl.pallas_call(
    _mid_body,
    grid=(GRID,),
    in_specs=[
        _part_spec(D), _row_spec(D), _degw_spec(),
        _full_spec((1, D)), _full_spec((D, D)),
    ],
    out_specs=_row_spec(D),
    out_shape=jax.ShapeDtypeStruct((N_NODES, D), jnp.float32),
)

_fin_call = pl.pallas_call(
    _fin_body,
    grid=(GRID,),
    in_specs=[
        _part_spec(D), _row_spec(D), _degw_spec(),
        _full_spec((1, D)),
        pl.BlockSpec((1, 1, R), lambda i: (i, 0, 0)),
        _full_spec((D, D)), _full_spec((1, D)),
    ],
    out_specs=[_row_spec(D), _full_spec((N_GRAPHS, D))],
    out_shape=[
        jax.ShapeDtypeStruct((N_NODES, D), jnp.float32),
        jax.ShapeDtypeStruct((N_GRAPHS, D), jnp.float32),
    ],
    scratch_shapes=[
        pltpu.VMEM((N_GRAPHS, D), jnp.float32),
        pltpu.VMEM((N_GRAPHS, D), jnp.float32),
    ],
)


def kernel(x, edge_index, batch, W1, b1, W2, b2, Wc1, bc1, Wc2, bc2, Wcls, bcls):
    src = edge_index[0]
    dst = edge_index[1]

    zeros128 = jnp.zeros((CH, D), jnp.float32)

    _deg_kernel, _agg_kernel = _sc_kernels()
    degw = _deg_kernel(dst).T

    hw1 = _enc_call(x, W1, b1.reshape(1, D), W2, b2.reshape(1, D), Wc1)
    hw1s = _scale_call(hw1, degw)
    acc1 = _agg_kernel(hw1s, src, dst, zeros128)
    hw2s = _mid_call(acc1, hw1s, degw, bc1.reshape(1, D), Wc2)
    acc2 = _agg_kernel(hw2s, src, dst, zeros128)

    Wcls_p = jnp.pad(Wcls, ((0, 0), (0, D - D_OUT)))
    bcls_p = jnp.pad(bcls, (0, D - D_OUT)).reshape(1, D)
    batch_r = batch.reshape(GRID, 1, R)
    h_out, logits_p = _fin_call(acc2, hw2s, degw, bc2.reshape(1, D),
                                batch_r, Wcls_p, bcls_p)
    return (logits_p[:, :D_OUT], h_out)

# --- scband reference (transcript-rebuilt; emitter-appended) ---
"""Pipeline reference for scband-pythagoras-model-34617436405985 (READ-ONLY COPY).

The authoritative reference and input builder live on the scoring server;
editing this copy changes nothing except your own understanding.
"""

import jax, jax.numpy as jnp
import numpy as np

N = 10000
E = 320000
D_IN = 128
D_H = 128
D_OUT = 100
N_GRAPHS = 64


def setup_inputs(seed: int = 0) -> dict:
    key = jax.random.key(seed)
    ks = jax.random.split(key, 16)
    x = jax.random.normal(ks[0], (N, D_IN), dtype=jnp.float32)
    edge_index = jax.random.randint(ks[1], (2, E), 0, N, dtype=jnp.int32)
    batch = jnp.sort(jax.random.randint(ks[2], (N,), 0, N_GRAPHS, dtype=jnp.int32))
    s = 0.02
    W1 = jax.random.normal(ks[3], (D_IN, D_H), dtype=jnp.float32) * s
    b1 = jnp.zeros((D_H,), dtype=jnp.float32)
    W2 = jax.random.normal(ks[4], (D_H, D_H), dtype=jnp.float32) * s
    b2 = jnp.zeros((D_H,), dtype=jnp.float32)
    Wc1 = jax.random.normal(ks[5], (D_H, D_H), dtype=jnp.float32) * s
    bc1 = jnp.zeros((D_H,), dtype=jnp.float32)
    Wc2 = jax.random.normal(ks[6], (D_H, D_H), dtype=jnp.float32) * s
    bc2 = jnp.zeros((D_H,), dtype=jnp.float32)
    Wcls = jax.random.normal(ks[7], (D_H, D_OUT), dtype=jnp.float32) * s
    bcls = jnp.zeros((D_OUT,), dtype=jnp.float32)
    return {"x": x, "edge_index": edge_index, "batch": batch, "W1": W1, "b1": b1,
            "W2": W2, "b2": b2, "Wc1": Wc1, "bc1": bc1, "Wc2": Wc2, "bc2": bc2,
            "Wcls": Wcls, "bcls": bcls}


def _gcn_conv(h, src, dst, W, b, num_nodes):
    # PyG GCNConv with add_self_loops=True and symmetric normalization
    loop = jnp.arange(num_nodes, dtype=src.dtype)
    s = jnp.concatenate([src, loop])
    d = jnp.concatenate([dst, loop])
    deg = jax.ops.segment_sum(jnp.ones_like(d, dtype=h.dtype), d, num_segments=num_nodes)
    dinv = jnp.where(deg > 0, deg ** -0.5, 0.0)
    norm = dinv[s] * dinv[d]
    hw = h @ W
    msg = hw[s] * norm[:, None]
    out = jax.ops.segment_sum(msg, d, num_segments=num_nodes)
    return out + b


def reference(x, edge_index, batch, W1, b1, W2, b2, Wc1, bc1, Wc2, bc2, Wcls, bcls):
    src = edge_index[0]
    dst = edge_index[1]
    # feature encoder: Linear -> ReLU -> Linear
    h = jax.nn.relu(x @ W1 + b1)
    h = h @ W2 + b2
    # two GCN layers (no activation between, matching the torch forward)
    h = _gcn_conv(h, src, dst, Wc1, bc1, N)
    h = _gcn_conv(h, src, dst, Wc2, bc2, N)
    # global mean pool over batch ids
    seg_sum = jax.ops.segment_sum(h, batch, num_segments=N_GRAPHS)
    cnt = jax.ops.segment_sum(jnp.ones((h.shape[0],), dtype=h.dtype), batch, num_segments=N_GRAPHS)
    hg = seg_sum / jnp.maximum(cnt, 1.0)[:, None]
    logits = hg @ Wcls + bcls
    return (logits, h)

if __name__ == "__main__":
    import jax
    _d = setup_inputs()
    print(jax.jit(kernel)(*tuple(_d.values())))

</pallas_src>

<mosaic_0001>
#map = affine_map<(d0, d1) -> (0)>
#map1 = affine_map<(d0, d1) -> (0, 0)>
module attributes {stable_mosaic.version = 14 : i64} {
  func.func @deg_kernel(%arg0: i32, %arg1: i32, %arg2: memref<320000xi32, #tpu.memory_space<hbm>>, %arg3: memref<32x10000xf32, #tpu.memory_space<hbm>>, %arg4: memref<80xi32, #tpu.memory_space<vmem>>, %arg5: memref<80xi32, #tpu.memory_space<vmem>>, %arg6: memref<16xf32, #tpu.memory_space<vmem>>, %arg7: memref<10000xf32, #tpu.memory_space<vmem>>, %arg8: memref<!tpu.dma_semaphore, #tpu.memory_space<semaphore_mem>>, %arg9: memref<!tpu.dma_semaphore, #tpu.memory_space<semaphore_mem>>) attributes {dimension_semantics = [#tpu.dimension_semantics<core_parallel>, #tpu.dimension_semantics<subcore_parallel>], iteration_bounds = array<i64: 2, 16>, scalar_prefetch = 0 : i64, scratch_operands = 6 : i64, tpu.core_type = #tpu.core_type<sc_vector_subcore>, window_params = [{transform_indices = #map}, {transform_indices = #map1}]} {
    %mul3A = arith.constant 2 : i32
    %mul3A_0 = arith.muli %arg1, %mul3A : i32
    %add3A = arith.addi %mul3A_0, %arg0 : i32
    %broadcast_in_dim3A = arith.constant 1.000000e+00 : f32
    %broadcast_in_dim3A_1 = vector.broadcast %broadcast_in_dim3A : f32 to vector<16xf32>
    %swap3A = arith.constant 0 : index
    %swap3A_2 = tpu.vector_load %arg6[%swap3A] {strides = array<i32>} : memref<16xf32, #tpu.memory_space<vmem>>, vector<16xf32>,
    tpu.vector_store %arg6[%swap3A], %broadcast_in_dim3A_1 {strides = array<i32>} : memref<16xf32, #tpu.memory_space<vmem>>, vector<16xf32>,
    %get3A = arith.constant 0 : index
    %get3A_3 = tpu.vector_load %arg6[%get3A] {strides = array<i32>} : memref<16xf32, #tpu.memory_space<vmem>>, vector<16xf32>,
    %mul3A_4 = arith.constant 0.000000e+00 : f32
    %mul3A_5 = vector.broadcast %mul3A_4 : f32 to vector<16xf32>
    %mul3A_6 = arith.mulf %get3A_3, %mul3A_5 : vector<16xf32>
    %scan3A = arith.constant 0 : i32
    %scan3A_7 = arith.constant 0 : i32
    %scan3A_8 = arith.constant 625 : i32
    %scan3A_9 = arith.addi %scan3A_7, %scan3A_8 : i32
    %scan3A_10 = arith.constant 1 : i32
    scf.for %scan3A_38 = %scan3A_7 to %scan3A_9 step %scan3A_10  : i32 {
      %mul3A_39 = arith.constant 16 : i32
      %mul3A_40 = arith.muli %scan3A_38, %mul3A_39 : i32
      %swap3A_41 = arith.index_cast %mul3A_40 : i32 to index
      %swap3A_42 = tpu.vector_load %arg7[%swap3A_41] {strides = array<i32>} : memref<10000xf32, #tpu.memory_space<vmem>>, vector<16xf32>,
      tpu.vector_store %arg7[%swap3A_41], %mul3A_6 {strides = array<i32>} : memref<10000xf32, #tpu.memory_space<vmem>>, vector<16xf32>,
    }
    %scan3A_11 = arith.constant 625 : i32
    %mul3A_12 = arith.constant 10000 : i32
    %mul3A_13 = arith.muli %add3A, %mul3A_12 : i32
    "tpu.region"() ({
      %run_scoped3A = tpu.sem_alloc : memref<!tpu.dma_semaphore, #tpu.memory_space<semaphore_mem>>
      %dma_start3A_38 = tpu.memref_slice %arg2[%mul3A_13] : memref<320000xi32, #tpu.memory_space<hbm>> -> memref<80xi32, #tpu.memory_space<hbm>>
      %dma_start3A_39 = tpu.memref_slice %arg2[%mul3A_13] : memref<320000xi32, #tpu.memory_space<hbm>> -> memref<80xi32, #tpu.memory_space<hbm>>
      tpu.enqueue_dma source(%dma_start3A_39 : memref<80xi32, #tpu.memory_space<hbm>>) target(%arg4 : memref<80xi32, #tpu.memory_space<vmem>>) target_semaphore(%run_scoped3A : memref<!tpu.dma_semaphore, #tpu.memory_space<semaphore_mem>>)
      %dma_wait3A_40 = tpu.memref_slice %arg2[%mul3A_13] : memref<320000xi32, #tpu.memory_space<hbm>> -> memref<80xi32, #tpu.memory_space<hbm>>
      %dma_wait3A_41 = tpu.memref_slice %arg2[%mul3A_13] : memref<320000xi32, #tpu.memory_space<hbm>> -> memref<80xi32, #tpu.memory_space<hbm>>
      tpu.wait_dma2 semaphore(%run_scoped3A : memref<!tpu.dma_semaphore, #tpu.memory_space<semaphore_mem>>) src(%dma_wait3A_41 : memref<80xi32, #tpu.memory_space<hbm>>) dst(%arg4 : memref<80xi32, #tpu.memory_space<vmem>>)
      tpu.yield
    }) : () -> ()
    %add3A_14 = arith.constant 80 : i32
    %add3A_15 = arith.addi %mul3A_13, %add3A_14 : i32
    %dma_start3A = tpu.memref_slice %arg2[%add3A_15] : memref<320000xi32, #tpu.memory_space<hbm>> -> memref<80xi32, #tpu.memory_space<hbm>>
    %dma_start3A_16 = tpu.memref_slice %arg2[%add3A_15] : memref<320000xi32, #tpu.memory_space<hbm>> -> memref<80xi32, #tpu.memory_space<hbm>>
    tpu.enqueue_dma source(%dma_start3A_16 : memref<80xi32, #tpu.memory_space<hbm>>) target(%arg5 : memref<80xi32, #tpu.memory_space<vmem>>) target_semaphore(%arg9 : memref<!tpu.dma_semaphore, #tpu.memory_space<semaphore_mem>>)
    %scan3A_17 = arith.constant 0 : i32
    %scan3A_18 = arith.constant 0 : i32
    %scan3A_19 = arith.constant 62 : i32
    %scan3A_20 = arith.addi %scan3A_18, %scan3A_19 : i32
    %scan3A_21 = arith.constant 1 : i32
    scf.for %scan3A_38 = %scan3A_18 to %scan3A_20 step %scan3A_21  : i32 {
      %mul3A_39 = arith.constant 2 : i32
      %mul3A_40 = arith.muli %mul3A_39, %scan3A_38 : i32
      %get3A_41 = arith.constant 0 : index
      %get3A_42 = tpu.vector_load %arg6[%get3A_41] {strides = array<i32>} : memref<16xf32, #tpu.memory_space<vmem>>, vector<16xf32>,
      %get3A_43 = arith.constant 0 : index
      %get3A_44 = tpu.vector_load %arg4[%get3A_43] {strides = array<i32>} : memref<80xi32, #tpu.memory_space<vmem>>, vector<16xi32>,
      tpu.vector_store_idx %arg7[%get3A_44], %get3A_42 {add = true} : memref<10000xf32, #tpu.memory_space<vmem>>[vector<16xi32>], vector<16xf32>,
      %get3A_45 = arith.constant 16 : index
      %get3A_46 = tpu.vector_load %arg4[%get3A_45] {strides = array<i32>} : memref<80xi32, #tpu.memory_space<vmem>>, vector<16xi32>,
      tpu.vector_store_idx %arg7[%get3A_46], %get3A_42 {add = true} : memref<10000xf32, #tpu.memory_space<vmem>>[vector<16xi32>], vector<16xf32>,
      %get3A_47 = arith.constant 32 : index
      %get3A_48 = tpu.vector_load %arg4[%get3A_47] {strides = array<i32>} : memref<80xi32, #tpu.memory_space<vmem>>, vector<16xi32>,
      tpu.vector_store_idx %arg7[%get3A_48], %get3A_42 {add = true} : memref<10000xf32, #tpu.memory_space<vmem>>[vector<16xi32>], vector<16xf32>,
      %get3A_49 = arith.constant 48 : index
      %get3A_50 = tpu.vector_load %arg4[%get3A_49] {strides = array<i32>} : memref<80xi32, #tpu.memory_space<vmem>>, vector<16xi32>,
      tpu.vector_store_idx %arg7[%get3A_50], %get3A_42 {add = true} : memref<10000xf32, #tpu.memory_space<vmem>>[vector<16xi32>], vector<16xf32>,
      %get3A_51 = arith.constant 64 : index
      %get3A_52 = tpu.vector_load %arg4[%get3A_51] {strides = array<i32>} : memref<80xi32, #tpu.memory_space<vmem>>, vector<16xi32>,
      tpu.vector_store_idx %arg7[%get3A_52], %get3A_42 {add = true} : memref<10000xf32, #tpu.memory_space<vmem>>[vector<16xi32>], vector<16xf32>,
      %add3A_53 = arith.constant 2 : i32
      %add3A_54 = arith.addi %mul3A_40, %add3A_53 : i32
      %mul3A_55 = arith.constant 80 : i32
      %mul3A_56 = arith.muli %add3A_54, %mul3A_55 : i32
      %add3A_57 = arith.addi %mul3A_13, %mul3A_56 : i32
      %dma_start3A_58 = tpu.memref_slice %arg2[%add3A_57] : memref<320000xi32, #tpu.memory_space<hbm>> -> memref<80xi32, #tpu.memory_space<hbm>>
      %dma_start3A_59 = tpu.memref_slice %arg2[%add3A_57] : memref<320000xi32, #tpu.memory_space<hbm>> -> memref<80xi32, #tpu.memory_space<hbm>>
      tpu.enqueue_dma source(%dma_start3A_59 : memref<80xi32, #tpu.memory_space<hbm>>) target(%arg4 : memref<80xi32, #tpu.memory_space<vmem>>) target_semaphore(%arg8 : memref<!tpu.dma_semaphore, #tpu.memory_space<semaphore_mem>>)
      %dma_wait3A_60 = arith.constant 0 : i32
      %dma_wait3A_61 = tpu.memref_slice %arg2[%dma_wait3A_60] : memref<320000xi32, #tpu.memory_space<hbm>> -> memref<80xi32, #tpu.memory_space<hbm>>
      %dma_wait3A_62 = arith.constant 0 : i32
      %dma_wait3A_63 = tpu.memref_slice %arg2[%dma_wait3A_62] : memref<320000xi32, #tpu.memory_space<hbm>> -> memref<80xi32, #tpu.memory_space<hbm>>
      tpu.wait_dma2 semaphore(%arg9 : memref<!tpu.dma_semaphore, #tpu.memory_space<semaphore_mem>>) src(%dma_wait3A_63 : memref<80xi32, #tpu.memory_space<hbm>>) dst(%arg5 : memref<80xi32, #tpu.memory_space<vmem>>)
      %get3A_64 = arith.constant 0 : index
      %get3A_65 = tpu.vector_load %arg6[%get3A_64] {strides = array<i32>} : memref<16xf32, #tpu.memory_space<vmem>>, vector<16xf32>,
      %get3A_66 = arith.constant 0 : index
      %get3A_67 = tpu.vector_load %arg5[%get3A_66] {strides = array<i32>} : memref<80xi32, #tpu.memory_space<vmem>>, vector<16xi32>,
      tpu.vector_store_idx %arg7[%get3A_67], %get3A_65 {add = true} : memref<10000xf32, #tpu.memory_space<vmem>>[vector<16xi32>], vector<16xf32>,
      %get3A_68 = arith.constant 16 : index
      %get3A_69 = tpu.vector_load %arg5[%get3A_68] {strides = array<i32>} : memref<80xi32, #tpu.memory_space<vmem>>, vector<16xi32>,
      tpu.vector_store_idx %arg7[%get3A_69], %get3A_65 {add = true} : memref<10000xf32, #tpu.memory_space<vmem>>[vector<16xi32>], vector<16xf32>,
      %get3A_70 = arith.constant 32 : index
      %get3A_71 = tpu.vector_load %arg5[%get3A_70] {strides = array<i32>} : memref<80xi32, #tpu.memory_space<vmem>>, vector<16xi32>,
      tpu.vector_store_idx %arg7[%get3A_71], %get3A_65 {add = true} : memref<10000xf32, #tpu.memory_space<vmem>>[vector<16xi32>], vector<16xf32>,
      %get3A_72 = arith.constant 48 : index
      %get3A_73 = tpu.vector_load %arg5[%get3A_72] {strides = array<i32>} : memref<80xi32, #tpu.memory_space<vmem>>, vector<16xi32>,
      tpu.vector_store_idx %arg7[%get3A_73], %get3A_65 {add = true} : memref<10000xf32, #tpu.memory_space<vmem>>[vector<16xi32>], vector<16xf32>,
      %get3A_74 = arith.constant 64 : index
      %get3A_75 = tpu.vector_load %arg5[%get3A_74] {strides = array<i32>} : memref<80xi32, #tpu.memory_space<vmem>>, vector<16xi32>,
      tpu.vector_store_idx %arg7[%get3A_75], %get3A_65 {add = true} : memref<10000xf32, #tpu.memory_space<vmem>>[vector<16xi32>], vector<16xf32>,
      %add3A_76 = arith.constant 3 : i32
      %add3A_77 = arith.addi %mul3A_40, %add3A_76 : i32
      %min3A = arith.constant 124 : i32
      %min3A_78 = arith.minsi %add3A_77, %min3A : i32
      %mul3A_79 = arith.constant 80 : i32
      %mul3A_80 = arith.muli %min3A_78, %mul3A_79 : i32
      %add3A_81 = arith.addi %mul3A_13, %mul3A_80 : i32
      %dma_start3A_82 = tpu.memref_slice %arg2[%add3A_81] : memref<320000xi32, #tpu.memory_space<hbm>> -> memref<80xi32, #tpu.memory_space<hbm>>
      %dma_start3A_83 = tpu.memref_slice %arg2[%add3A_81] : memref<320000xi32, #tpu.memory_space<hbm>> -> memref<80xi32, #tpu.memory_space<hbm>>
      tpu.enqueue_dma source(%dma_start3A_83 : memref<80xi32, #tpu.memory_space<hbm>>) target(%arg5 : memref<80xi32, #tpu.memory_space<vmem>>) target_semaphore(%arg9 : memref<!tpu.dma_semaphore, #tpu.memory_space<semaphore_mem>>)
      %dma_wait3A_84 = arith.constant 0 : i32
      %dma_wait3A_85 = tpu.memref_slice %arg2[%dma_wait3A_84] : memref<320000xi32, #tpu.memory_space<hbm>> -> memref<80xi32, #tpu.memory_space<hbm>>
      %dma_wait3A_86 = arith.constant 0 : i32
      %dma_wait3A_87 = tpu.memref_slice %arg2[%dma_wait3A_86] : memref<320000xi32, #tpu.memory_space<hbm>> -> memref<80xi32, #tpu.memory_space<hbm>>
      tpu.wait_dma2 semaphore(%arg8 : memref<!tpu.dma_semaphore, #tpu.memory_space<semaphore_mem>>) src(%dma_wait3A_87 : memref<80xi32, #tpu.memory_space<hbm>>) dst(%arg4 : memref<80xi32, #tpu.memory_space<vmem>>)
    }
    %scan3A_22 = arith.constant 62 : i32
    %dma_wait3A = arith.constant 0 : i32
    %dma_wait3A_23 = tpu.memref_slice %arg2[%dma_wait3A] : memref<320000xi32, #tpu.memory_space<hbm>> -> memref<80xi32, #tpu.memory_space<hbm>>
    %dma_wait3A_24 = arith.constant 0 : i32
    %dma_wait3A_25 = tpu.memref_slice %arg2[%dma_wait3A_24] : memref<320000xi32, #tpu.memory_space<hbm>> -> memref<80xi32, #tpu.memory_space<hbm>>
    tpu.wait_dma2 semaphore(%arg9 : memref<!tpu.dma_semaphore, #tpu.memory_space<semaphore_mem>>) src(%dma_wait3A_25 : memref<80xi32, #tpu.memory_space<hbm>>) dst(%arg5 : memref<80xi32, #tpu.memory_space<vmem>>)
    %get3A_26 = arith.constant 0 : index
    %get3A_27 = tpu.vector_load %arg6[%get3A_26] {strides = array<i32>} : memref<16xf32, #tpu.memory_space<vmem>>, vector<16xf32>,
    %get3A_28 = arith.constant 0 : index
    %get3A_29 = tpu.vector_load %arg4[%get3A_28] {strides = array<i32>} : memref<80xi32, #tpu.memory_space<vmem>>, vector<16xi32>,
    tpu.vector_store_idx %arg7[%get3A_29], %get3A_27 {add = true} : memref<10000xf32, #tpu.memory_space<vmem>>[vector<16xi32>], vector<16xf32>,
    %get3A_30 = arith.constant 16 : index
    %get3A_31 = tpu.vector_load %arg4[%get3A_30] {strides = array<i32>} : memref<80xi32, #tpu.memory_space<vmem>>, vector<16xi32>,
    tpu.vector_store_idx %arg7[%get3A_31], %get3A_27 {add = true} : memref<10000xf32, #tpu.memory_space<vmem>>[vector<16xi32>], vector<16xf32>,
    %get3A_32 = arith.constant 32 : index
    %get3A_33 = tpu.vector_load %arg4[%get3A_32] {strides = array<i32>} : memref<80xi32, #tpu.memory_space<vmem>>, vector<16xi32>,
    tpu.vector_store_idx %arg7[%get3A_33], %get3A_27 {add = true} : memref<10000xf32, #tpu.memory_space<vmem>>[vector<16xi32>], vector<16xf32>,
    %get3A_34 = arith.constant 48 : index
    %get3A_35 = tpu.vector_load %arg4[%get3A_34] {strides = array<i32>} : memref<80xi32, #tpu.memory_space<vmem>>, vector<16xi32>,
    tpu.vector_store_idx %arg7[%get3A_35], %get3A_27 {add = true} : memref<10000xf32, #tpu.memory_space<vmem>>[vector<16xi32>], vector<16xf32>,
    %get3A_36 = arith.constant 64 : index
    %get3A_37 = tpu.vector_load %arg4[%get3A_36] {strides = array<i32>} : memref<80xi32, #tpu.memory_space<vmem>>, vector<16xi32>,
    tpu.vector_store_idx %arg7[%get3A_37], %get3A_27 {add = true} : memref<10000xf32, #tpu.memory_space<vmem>>[vector<16xi32>], vector<16xf32>,
    "tpu.region"() ({
      %run_scoped3A = tpu.sem_alloc : memref<!tpu.dma_semaphore, #tpu.memory_space<semaphore_mem>>
      %dma_start3A_38 = arith.constant 0 : i32
      %dma_start3A_39 = tpu.memref_slice %arg3[%add3A, %dma_start3A_38] : memref<32x10000xf32, #tpu.memory_space<hbm>> -> memref<1x10000xf32, #tpu.memory_space<hbm>>
      %dma_start3A_40 = tpu.memref_squeeze %dma_start3A_39 : memref<1x10000xf32, #tpu.memory_space<hbm>> -> memref<10000xf32, #tpu.memory_space<hbm>>
      %dma_start3A_41 = arith.constant 0 : i32
      %dma_start3A_42 = tpu.memref_slice %arg3[%add3A, %dma_start3A_41] : memref<32x10000xf32, #tpu.memory_space<hbm>> -> memref<1x10000xf32, #tpu.memory_space<hbm>>
      %dma_start3A_43 = tpu.memref_squeeze %dma_start3A_42 : memref<1x10000xf32, #tpu.memory_space<hbm>> -> memref<10000xf32, #tpu.memory_space<hbm>>
      tpu.enqueue_dma source(%arg7 : memref<10000xf32, #tpu.memory_space<vmem>>) target(%dma_start3A_43 : memref<10000xf32, #tpu.memory_space<hbm>>) target_semaphore(%run_scoped3A : memref<!tpu.dma_semaphore, #tpu.memory_space<semaphore_mem>>)
      %dma_wait3A_44 = arith.constant 0 : i32
      %dma_wait3A_45 = tpu.memref_slice %arg3[%add3A, %dma_wait3A_44] : memref<32x10000xf32, #tpu.memory_space<hbm>> -> memref<1x10000xf32, #tpu.memory_space<hbm>>
      %dma_wait3A_46 = tpu.memref_squeeze %dma_wait3A_45 : memref<1x10000xf32, #tpu.memory_space<hbm>> -> memref<10000xf32, #tpu.memory_space<hbm>>
      %dma_wait3A_47 = arith.constant 0 : i32
      %dma_wait3A_48 = tpu.memref_slice %arg3[%add3A, %dma_wait3A_47] : memref<32x10000xf32, #tpu.memory_space<hbm>> -> memref<1x10000xf32, #tpu.memory_space<hbm>>
      %dma_wait3A_49 = tpu.memref_squeeze %dma_wait3A_48 : memref<1x10000xf32, #tpu.memory_space<hbm>> -> memref<10000xf32, #tpu.memory_space<hbm>>
      tpu.wait_dma2 semaphore(%run_scoped3A : memref<!tpu.dma_semaphore, #tpu.memory_space<semaphore_mem>>) src(%arg7 : memref<10000xf32, #tpu.memory_space<vmem>>) dst(%dma_wait3A_49 : memref<10000xf32, #tpu.memory_space<hbm>>)
      tpu.yield
    }) : () -> ()
    return
  }
}

#map = affine_map<(d0, d1) -> (0, 0)>
#map1 = affine_map<(d0, d1) -> (0)>
#map2 = affine_map<(d0, d1) -> (0, 0, 0)>
module attributes {stable_mosaic.version = 14 : i64} {
  func.func @agg_kernel(%arg0: i32, %arg1: i32, %arg2: memref<10000x128xf32, #tpu.memory_space<hbm>>, %arg3: memref<320000xi32, #tpu.memory_space<hbm>>, %arg4: memref<320000xi32, #tpu.memory_space<hbm>>, %arg5: memref<624x128xf32, #tpu.memory_space<hbm>>, %arg6: memref<2x10000x128xf32, #tpu.memory_space<hbm>>, %arg7: memref<80xi32, #tpu.memory_space<vmem>>, %arg8: memref<80xi32, #tpu.memory_space<vmem>>, %arg9: memref<80xi32, #tpu.memory_space<vmem>>, %arg10: memref<80xi32, #tpu.memory_space<vmem>>, %arg11: memref<80xi32, #tpu.memory_space<vmem>>, %arg12: memref<80xi32, #tpu.memory_space<vmem>>, %arg13: memref<80xi32, #tpu.memory_space<vmem>>, %arg14: memref<80xi32, #tpu.memory_space<vmem>>, %arg15: memref<80x128xf32, #tpu.memory_space<vmem>>, %arg16: memref<80x128xf32, #tpu.memory_space<vmem>>, %arg17: memref<80x128xf32, #tpu.memory_space<vmem>>, %arg18: memref<80x128xf32, #tpu.memory_space<vmem>>, %arg19: memref<10000x128xf32, #tpu.memory_space<vmem_shared>>, %arg20: memref<!tpu.dma_semaphore, #tpu.memory_space<semaphore_mem>>, %arg21: memref<!tpu.dma_semaphore, #tpu.memory_space<semaphore_mem>>, %arg22: memref<!tpu.dma_semaphore, #tpu.memory_space<semaphore_mem>>, %arg23: memref<!tpu.dma_semaphore, #tpu.memory_space<semaphore_mem>>, %arg24: memref<!tpu.dma_semaphore, #tpu.memory_space<semaphore_mem>>, %arg25: memref<!tpu.dma_semaphore, #tpu.memory_space<semaphore_mem>>, %arg26: memref<!tpu.dma_semaphore, #tpu.memory_space<semaphore_mem>>, %arg27: memref<!tpu.dma_semaphore, #tpu.memory_space<semaphore_mem>>, %arg28: memref<!tpu.dma_semaphore, #tpu.memory_space<semaphore_mem>>, %arg29: memref<!tpu.dma_semaphore, #tpu.memory_space<semaphore_mem>>, %arg30: memref<!tpu.dma_semaphore, #tpu.memory_space<semaphore_mem>>, %arg31: memref<!tpu.dma_semaphore, #tpu.memory_space<semaphore_mem>>) attributes {dimension_semantics = [#tpu.dimension_semantics<core_parallel>, #tpu.dimension_semantics<subcore_parallel>], iteration_bounds = array<i64: 2, 16>, scalar_prefetch = 0 : i64, scratch_operands = 25 : i64, tpu.core_type = #tpu.core_type<sc_vector_subcore>, window_params = [{transform_indices = #map}, {transform_indices = #map1}, {transform_indices = #map1}, {transform_indices = #map}, {transform_indices = #map2}]} {
    %mul3A = arith.constant 2 : i32
    %mul3A_0 = arith.muli %arg1, %mul3A : i32
    %add3A = arith.addi %mul3A_0, %arg0 : i32
    %mul3A_1 = arith.constant 624 : i32
    %mul3A_2 = arith.muli %arg1, %mul3A_1 : i32
    "tpu.region"() ({
      %run_scoped3A = tpu.sem_alloc : memref<!tpu.dma_semaphore, #tpu.memory_space<semaphore_mem>>
      %dma_start3A_130 = arith.constant 0 : i32
      %dma_start3A_131 = tpu.memref_slice %arg19[%mul3A_2, %dma_start3A_130] : memref<10000x128xf32, #tpu.memory_space<vmem_shared>> -> memref<624x128xf32, #tpu.memory_space<vmem_shared>>
      %dma_start3A_132 = arith.constant 0 : i32
      %dma_start3A_133 = arith.constant 0 : i32
      %dma_start3A_134 = tpu.memref_slice %arg5[%dma_start3A_132, %dma_start3A_133] : memref<624x128xf32, #tpu.memory_space<hbm>> -> memref<624x128xf32, #tpu.memory_space<hbm>>
      tpu.enqueue_dma source(%dma_start3A_134 : memref<624x128xf32, #tpu.memory_space<hbm>>) target(%dma_start3A_131 : memref<624x128xf32, #tpu.memory_space<vmem_shared>>) target_semaphore(%run_scoped3A : memref<!tpu.dma_semaphore, #tpu.memory_space<semaphore_mem>>)
      %dma_wait3A_135 = arith.constant 0 : i32
      %dma_wait3A_136 = tpu.memref_slice %arg19[%mul3A_2, %dma_wait3A_135] : memref<10000x128xf32, #tpu.memory_space<vmem_shared>> -> memref<624x128xf32, #tpu.memory_space<vmem_shared>>
      %dma_wait3A_137 = arith.constant 0 : i32
      %dma_wait3A_138 = arith.constant 0 : i32
      %dma_wait3A_139 = tpu.memref_slice %arg5[%dma_wait3A_137, %dma_wait3A_138] : memref<624x128xf32, #tpu.memory_space<hbm>> -> memref<624x128xf32, #tpu.memory_space<hbm>>
      tpu.wait_dma2 semaphore(%run_scoped3A : memref<!tpu.dma_semaphore, #tpu.memory_space<semaphore_mem>>) src(%dma_wait3A_139 : memref<624x128xf32, #tpu.memory_space<hbm>>) dst(%dma_wait3A_136 : memref<624x128xf32, #tpu.memory_space<vmem_shared>>)
      tpu.yield
    }) : () -> ()
    %eq3A = arith.constant 15 : i32
    %eq3A_3 = arith.cmpi eq, %arg1, %eq3A : i32
    %convert_element_type3A = arith.extui %eq3A_3 : i1 to i32
    %cond3A = arith.constant 0 : i32
    %cond3A_4 = arith.cmpi ne, %convert_element_type3A, %cond3A : i32
    scf.if %cond3A_4 {
      "tpu.region"() ({
        %run_scoped3A = tpu.sem_alloc : memref<!tpu.dma_semaphore, #tpu.memory_space<semaphore_mem>>
        %dma_start3A_130 = arith.constant 9984 : i32
        %dma_start3A_131 = arith.constant 0 : i32
        %dma_start3A_132 = tpu.memref_slice %arg19[%dma_start3A_130, %dma_start3A_131] : memref<10000x128xf32, #tpu.memory_space<vmem_shared>> -> memref<16x128xf32, #tpu.memory_space<vmem_shared>>
        %dma_start3A_133 = arith.constant 0 : i32
        %dma_start3A_134 = arith.constant 0 : i32
        %dma_start3A_135 = tpu.memref_slice %arg5[%dma_start3A_133, %dma_start3A_134] : memref<624x128xf32, #tpu.memory_space<hbm>> -> memref<16x128xf32, #tpu.memory_space<hbm>>
        tpu.enqueue_dma source(%dma_start3A_135 : memref<16x128xf32, #tpu.memory_space<hbm>>) target(%dma_start3A_132 : memref<16x128xf32, #tpu.memory_space<vmem_shared>>) target_semaphore(%run_scoped3A : memref<!tpu.dma_semaphore, #tpu.memory_space<semaphore_mem>>)
        %dma_wait3A_136 = arith.constant 9984 : i32
        %dma_wait3A_137 = arith.constant 0 : i32
        %dma_wait3A_138 = tpu.memref_slice %arg19[%dma_wait3A_136, %dma_wait3A_137] : memref<10000x128xf32, #tpu.memory_space<vmem_shared>> -> memref<16x128xf32, #tpu.memory_space<vmem_shared>>
        %dma_wait3A_139 = arith.constant 0 : i32
        %dma_wait3A_140 = arith.constant 0 : i32
        %dma_wait3A_141 = tpu.memref_slice %arg5[%dma_wait3A_139, %dma_wait3A_140] : memref<624x128xf32, #tpu.memory_space<hbm>> -> memref<16x128xf32, #tpu.memory_space<hbm>>
        tpu.wait_dma2 semaphore(%run_scoped3A : memref<!tpu.dma_semaphore, #tpu.memory_space<semaphore_mem>>) src(%dma_wait3A_141 : memref<16x128xf32, #tpu.memory_space<hbm>>) dst(%dma_wait3A_138 : memref<16x128xf32, #tpu.memory_space<vmem_shared>>)
        tpu.yield
      }) : () -> ()
    } else {
    }
    %barrier3A = arith.constant 0 : index
    tpu.barrier barrier_id(%barrier3A)
    %mul3A_5 = arith.constant 10000 : i32
    %mul3A_6 = arith.muli %add3A, %mul3A_5 : i32
    %add3A_7 = arith.constant 0 : i32
    %add3A_8 = arith.addi %mul3A_6, %add3A_7 : i32
    "tpu.region"() ({
      %run_scoped3A = tpu.sem_alloc : memref<!tpu.dma_semaphore, #tpu.memory_space<semaphore_mem>>
      %dma_start3A_130 = tpu.memref_slice %arg3[%add3A_8] : memref<320000xi32, #tpu.memory_space<hbm>> -> memref<80xi32, #tpu.memory_space<hbm>>
      %dma_start3A_131 = tpu.memref_slice %arg3[%add3A_8] : memref<320000xi32, #tpu.memory_space<hbm>> -> memref<80xi32, #tpu.memory_space<hbm>>
      tpu.enqueue_dma source(%dma_start3A_131 : memref<80xi32, #tpu.memory_space<hbm>>) target(%arg7 : memref<80xi32, #tpu.memory_space<vmem>>) target_semaphore(%run_scoped3A : memref<!tpu.dma_semaphore, #tpu.memory_space<semaphore_mem>>)
      %dma_wait3A_132 = tpu.memref_slice %arg3[%add3A_8] : memref<320000xi32, #tpu.memory_space<hbm>> -> memref<80xi32, #tpu.memory_space<hbm>>
      %dma_wait3A_133 = tpu.memref_slice %arg3[%add3A_8] : memref<320000xi32, #tpu.memory_space<hbm>> -> memref<80xi32, #tpu.memory_space<hbm>>
      tpu.wait_dma2 semaphore(%run_scoped3A : memref<!tpu.dma_semaphore, #tpu.memory_space<semaphore_mem>>) src(%dma_wait3A_133 : memref<80xi32, #tpu.memory_space<hbm>>) dst(%arg7 : memref<80xi32, #tpu.memory_space<vmem>>)
      tpu.yield
    }) : () -> ()
    %add3A_9 = arith.constant 0 : i32
    %add3A_10 = arith.addi %mul3A_6, %add3A_9 : i32
    "tpu.region"() ({
      %run_scoped3A = tpu.sem_alloc : memref<!tpu.dma_semaphore, #tpu.memory_space<semaphore_mem>>
      %dma_start3A_130 = tpu.memref_slice %arg4[%add3A_10] : memref<320000xi32, #tpu.memory_space<hbm>> -> memref<80xi32, #tpu.memory_space<hbm>>
      %dma_start3A_131 = tpu.memref_slice %arg4[%add3A_10] : memref<320000xi32, #tpu.memory_space<hbm>> -> memref<80xi32, #tpu.memory_space<hbm>>
      tpu.enqueue_dma source(%dma_start3A_131 : memref<80xi32, #tpu.memory_space<hbm>>) target(%arg8 : memref<80xi32, #tpu.memory_space<vmem>>) target_semaphore(%run_scoped3A : memref<!tpu.dma_semaphore, #tpu.memory_space<semaphore_mem>>)
      %dma_wait3A_132 = tpu.memref_slice %arg4[%add3A_10] : memref<320000xi32, #tpu.memory_space<hbm>> -> memref<80xi32, #tpu.memory_space<hbm>>
      %dma_wait3A_133 = tpu.memref_slice %arg4[%add3A_10] : memref<320000xi32, #tpu.memory_space<hbm>> -> memref<80xi32, #tpu.memory_space<hbm>>
      tpu.wait_dma2 semaphore(%run_scoped3A : memref<!tpu.dma_semaphore, #tpu.memory_space<semaphore_mem>>) src(%dma_wait3A_133 : memref<80xi32, #tpu.memory_space<hbm>>) dst(%arg8 : memref<80xi32, #tpu.memory_space<vmem>>)
      tpu.yield
    }) : () -> ()
    %dma_start3A = arith.constant 0 : i32
    %dma_start3A_11 = arith.constant 0 : i32
    %dma_start3A_12 = tpu.memref_slice %arg2[%dma_start3A, %dma_start3A_11] : memref<10000x128xf32, #tpu.memory_space<hbm>> -> memref<10000x128xf32, #tpu.memory_space<hbm>>
    tpu.enqueue_indirect_dma source(%dma_start3A_12 : memref<10000x128xf32, #tpu.memory_space<hbm>>) target(%arg15 : memref<80x128xf32, #tpu.memory_space<vmem>>) offsets(%arg7 : memref<80xi32, #tpu.memory_space<vmem>>) semaphore(%arg20 : memref<!tpu.dma_semaphore, #tpu.memory_space<semaphore_mem>>)
    %add3A_13 = arith.constant 80 : i32
    %add3A_14 = arith.addi %mul3A_6, %add3A_13 : i32
    "tpu.region"() ({
      %run_scoped3A = tpu.sem_alloc : memref<!tpu.dma_semaphore, #tpu.memory_space<semaphore_mem>>
      %dma_start3A_130 = tpu.memref_slice %arg3[%add3A_14] : memref<320000xi32, #tpu.memory_space<hbm>> -> memref<80xi32, #tpu.memory_space<hbm>>
      %dma_start3A_131 = tpu.memref_slice %arg3[%add3A_14] : memref<320000xi32, #tpu.memory_space<hbm>> -> memref<80xi32, #tpu.memory_space<hbm>>
      tpu.enqueue_dma source(%dma_start3A_131 : memref<80xi32, #tpu.memory_space<hbm>>) target(%arg9 : memref<80xi32, #tpu.memory_space<vmem>>) target_semaphore(%run_scoped3A : memref<!tpu.dma_semaphore, #tpu.memory_space<semaphore_mem>>)
      %dma_wait3A_132 = tpu.memref_slice %arg3[%add3A_14] : memref<320000xi32, #tpu.memory_space<hbm>> -> memref<80xi32, #tpu.memory_space<hbm>>
      %dma_wait3A_133 = tpu.memref_slice %arg3[%add3A_14] : memref<320000xi32, #tpu.memory_space<hbm>> -> memref<80xi32, #tpu.memory_space<hbm>>
      tpu.wait_dma2 semaphore(%run_scoped3A : memref<!tpu.dma_semaphore, #tpu.memory_space<semaphore_mem>>) src(%dma_wait3A_133 : memref<80xi32, #tpu.memory_space<hbm>>) dst(%arg9 : memref<80xi32, #tpu.memory_space<vmem>>)
      tpu.yield
    }) : () -> ()
    %add3A_15 = arith.constant 80 : i32
    %add3A_16 = arith.addi %mul3A_6, %add3A_15 : i32
    "tpu.region"() ({
      %run_scoped3A = tpu.sem_alloc : memref<!tpu.dma_semaphore, #tpu.memory_space<semaphore_mem>>
      %dma_start3A_130 = tpu.memref_slice %arg4[%add3A_16] : memref<320000xi32, #tpu.memory_space<hbm>> -> memref<80xi32, #tpu.memory_space<hbm>>
      %dma_start3A_131 = tpu.memref_slice %arg4[%add3A_16] : memref<320000xi32, #tpu.memory_space<hbm>> -> memref<80xi32, #tpu.memory_space<hbm>>
      tpu.enqueue_dma source(%dma_start3A_131 : memref<80xi32, #tpu.memory_space<hbm>>) target(%arg10 : memref<80xi32, #tpu.memory_space<vmem>>) target_semaphore(%run_scoped3A : memref<!tpu.dma_semaphore, #tpu.memory_space<semaphore_mem>>)
      %dma_wait3A_132 = tpu.memref_slice %arg4[%add3A_16] : memref<320000xi32, #tpu.memory_space<hbm>> -> memref<80xi32, #tpu.memory_space<hbm>>
      %dma_wait3A_133 = tpu.memref_slice %arg4[%add3A_16] : memref<320000xi32, #tpu.memory_space<hbm>> -> memref<80xi32, #tpu.memory_space<hbm>>
      tpu.wait_dma2 semaphore(%run_scoped3A : memref<!tpu.dma_semaphore, #tpu.memory_space<semaphore_mem>>) src(%dma_wait3A_133 : memref<80xi32, #tpu.memory_space<hbm>>) dst(%arg10 : memref<80xi32, #tpu.memory_space<vmem>>)
      tpu.yield
    }) : () -> ()
    %dma_start3A_17 = arith.constant 0 : i32
    %dma_start3A_18 = arith.constant 0 : i32
    %dma_start3A_19 = tpu.memref_slice %arg2[%dma_start3A_17, %dma_start3A_18] : memref<10000x128xf32, #tpu.memory_space<hbm>> -> memref<10000x128xf32, #tpu.memory_space<hbm>>
    tpu.enqueue_indirect_dma source(%dma_start3A_19 : memref<10000x128xf32, #tpu.memory_space<hbm>>) target(%arg16 : memref<80x128xf32, #tpu.memory_space<vmem>>) offsets(%arg9 : memref<80xi32, #tpu.memory_space<vmem>>) semaphore(%arg21 : memref<!tpu.dma_semaphore, #tpu.memory_space<semaphore_mem>>)
    %add3A_20 = arith.constant 160 : i32
    %add3A_21 = arith.addi %mul3A_6, %add3A_20 : i32
    "tpu.region"() ({
      %run_scoped3A = tpu.sem_alloc : memref<!tpu.dma_semaphore, #tpu.memory_space<semaphore_mem>>
      %dma_start3A_130 = tpu.memref_slice %arg3[%add3A_21] : memref<320000xi32, #tpu.memory_space<hbm>> -> memref<80xi32, #tpu.memory_space<hbm>>
      %dma_start3A_131 = tpu.memref_slice %arg3[%add3A_21] : memref<320000xi32, #tpu.memory_space<hbm>> -> memref<80xi32, #tpu.memory_space<hbm>>
      tpu.enqueue_dma source(%dma_start3A_131 : memref<80xi32, #tpu.memory_space<hbm>>) target(%arg11 : memref<80xi32, #tpu.memory_space<vmem>>) target_semaphore(%run_scoped3A : memref<!tpu.dma_semaphore, #tpu.memory_space<semaphore_mem>>)
      %dma_wait3A_132 = tpu.memref_slice %arg3[%add3A_21] : memref<320000xi32, #tpu.memory_space<hbm>> -> memref<80xi32, #tpu.memory_space<hbm>>
      %dma_wait3A_133 = tpu.memref_slice %arg3[%add3A_21] : memref<320000xi32, #tpu.memory_space<hbm>> -> memref<80xi32, #tpu.memory_space<hbm>>
      tpu.wait_dma2 semaphore(%run_scoped3A : memref<!tpu.dma_semaphore, #tpu.memory_space<semaphore_mem>>) src(%dma_wait3A_133 : memref<80xi32, #tpu.memory_space<hbm>>) dst(%arg11 : memref<80xi32, #tpu.memory_space<vmem>>)
      tpu.yield
    }) : () -> ()
    %add3A_22 = arith.constant 160 : i32
    %add3A_23 = arith.addi %mul3A_6, %add3A_22 : i32
    "tpu.region"() ({
      %run_scoped3A = tpu.sem_alloc : memref<!tpu.dma_semaphore, #tpu.memory_space<semaphore_mem>>
      %dma_start3A_130 = tpu.memref_slice %arg4[%add3A_23] : memref<320000xi32, #tpu.memory_space<hbm>> -> memref<80xi32, #tpu.memory_space<hbm>>
      %dma_start3A_131 = tpu.memref_slice %arg4[%add3A_23] : memref<320000xi32, #tpu.memory_space<hbm>> -> memref<80xi32, #tpu.memory_space<hbm>>
      tpu.enqueue_dma source(%dma_start3A_131 : memref<80xi32, #tpu.memory_space<hbm>>) target(%arg12 : memref<80xi32, #tpu.memory_space<vmem>>) target_semaphore(%run_scoped3A : memref<!tpu.dma_semaphore, #tpu.memory_space<semaphore_mem>>)
      %dma_wait3A_132 = tpu.memref_slice %arg4[%add3A_23] : memref<320000xi32, #tpu.memory_space<hbm>> -> memref<80xi32, #tpu.memory_space<hbm>>
      %dma_wait3A_133 = tpu.memref_slice %arg4[%add3A_23] : memref<320000xi32, #tpu.memory_space<hbm>> -> memref<80xi32, #tpu.memory_space<hbm>>
      tpu.wait_dma2 semaphore(%run_scoped3A : memref<!tpu.dma_semaphore, #tpu.memory_space<semaphore_mem>>) src(%dma_wait3A_133 : memref<80xi32, #tpu.memory_space<hbm>>) dst(%arg12 : memref<80xi32, #tpu.memory_space<vmem>>)
      tpu.yield
    }) : () -> ()
    %dma_start3A_24 = arith.constant 0 : i32
    %dma_start3A_25 = arith.constant 0 : i32
    %dma_start3A_26 = tpu.memref_slice %arg2[%dma_start3A_24, %dma_start3A_25] : memref<10000x128xf32, #tpu.memory_space<hbm>> -> memref<10000x128xf32, #tpu.memory_space<hbm>>
    tpu.enqueue_indirect_dma source(%dma_start3A_26 : memref<10000x128xf32, #tpu.memory_space<hbm>>) target(%arg17 : memref<80x128xf32, #tpu.memory_space<vmem>>) offsets(%arg11 : memref<80xi32, #tpu.memory_space<vmem>>) semaphore(%arg22 : memref<!tpu.dma_semaphore, #tpu.memory_space<semaphore_mem>>)
    %add3A_27 = arith.constant 240 : i32
    %add3A_28 = arith.addi %mul3A_6, %add3A_27 : i32
    "tpu.region"() ({
      %run_scoped3A = tpu.sem_alloc : memref<!tpu.dma_semaphore, #tpu.memory_space<semaphore_mem>>
      %dma_start3A_130 = tpu.memref_slice %arg3[%add3A_28] : memref<320000xi32, #tpu.memory_space<hbm>> -> memref<80xi32, #tpu.memory_space<hbm>>
      %dma_start3A_131 = tpu.memref_slice %arg3[%add3A_28] : memref<320000xi32, #tpu.memory_space<hbm>> -> memref<80xi32, #tpu.memory_space<hbm>>
      tpu.enqueue_dma source(%dma_start3A_131 : memref<80xi32, #tpu.memory_space<hbm>>) target(%arg13 : memref<80xi32, #tpu.memory_space<vmem>>) target_semaphore(%run_scoped3A : memref<!tpu.dma_semaphore, #tpu.memory_space<semaphore_mem>>)
      %dma_wait3A_132 = tpu.memref_slice %arg3[%add3A_28] : memref<320000xi32, #tpu.memory_space<hbm>> -> memref<80xi32, #tpu.memory_space<hbm>>
      %dma_wait3A_133 = tpu.memref_slice %arg3[%add3A_28] : memref<320000xi32, #tpu.memory_space<hbm>> -> memref<80xi32, #tpu.memory_space<hbm>>
      tpu.wait_dma2 semaphore(%run_scoped3A : memref<!tpu.dma_semaphore, #tpu.memory_space<semaphore_mem>>) src(%dma_wait3A_133 : memref<80xi32, #tpu.memory_space<hbm>>) dst(%arg13 : memref<80xi32, #tpu.memory_space<vmem>>)
      tpu.yield
    }) : () -> ()
    %add3A_29 = arith.constant 240 : i32
    %add3A_30 = arith.addi %mul3A_6, %add3A_29 : i32
    "tpu.region"() ({
      %run_scoped3A = tpu.sem_alloc : memref<!tpu.dma_semaphore, #tpu.memory_space<semaphore_mem>>
      %dma_start3A_130 = tpu.memref_slice %arg4[%add3A_30] : memref<320000xi32, #tpu.memory_space<hbm>> -> memref<80xi32, #tpu.memory_space<hbm>>
      %dma_start3A_131 = tpu.memref_slice %arg4[%add3A_30] : memref<320000xi32, #tpu.memory_space<hbm>> -> memref<80xi32, #tpu.memory_space<hbm>>
      tpu.enqueue_dma source(%dma_start3A_131 : memref<80xi32, #tpu.memory_space<hbm>>) target(%arg14 : memref<80xi32, #tpu.memory_space<vmem>>) target_semaphore(%run_scoped3A : memref<!tpu.dma_semaphore, #tpu.memory_space<semaphore_mem>>)
      %dma_wait3A_132 = tpu.memref_slice %arg4[%add3A_30] : memref<320000xi32, #tpu.memory_space<hbm>> -> memref<80xi32, #tpu.memory_space<hbm>>
      %dma_wait3A_133 = tpu.memref_slice %arg4[%add3A_30] : memref<320000xi32, #tpu.memory_space<hbm>> -> memref<80xi32, #tpu.memory_space<hbm>>
      tpu.wait_dma2 semaphore(%run_scoped3A : memref<!tpu.dma_semaphore, #tpu.memory_space<semaphore_mem>>) src(%dma_wait3A_133 : memref<80xi32, #tpu.memory_space<hbm>>) dst(%arg14 : memref<80xi32, #tpu.memory_space<vmem>>)
      tpu.yield
    }) : () -> ()
    %dma_start3A_31 = arith.constant 0 : i32
    %dma_start3A_32 = arith.constant 0 : i32
    %dma_start3A_33 = tpu.memref_slice %arg2[%dma_start3A_31, %dma_start3A_32] : memref<10000x128xf32, #tpu.memory_space<hbm>> -> memref<10000x128xf32, #tpu.memory_space<hbm>>
    tpu.enqueue_indirect_dma source(%dma_start3A_33 : memref<10000x128xf32, #tpu.memory_space<hbm>>) target(%arg18 : memref<80x128xf32, #tpu.memory_space<vmem>>) offsets(%arg13 : memref<80xi32, #tpu.memory_space<vmem>>) semaphore(%arg23 : memref<!tpu.dma_semaphore, #tpu.memory_space<semaphore_mem>>)
    %scan3A = arith.constant 0 : i32
    %scan3A_34 = arith.constant 0 : i32
    %scan3A_35 = arith.constant 30 : i32
    %scan3A_36 = arith.addi %scan3A_34, %scan3A_35 : i32
    %scan3A_37 = arith.constant 1 : i32
    scf.for %scan3A_130 = %scan3A_34 to %scan3A_36 step %scan3A_37  : i32 {
      %mul3A_131 = arith.constant 4 : i32
      %mul3A_132 = arith.muli %mul3A_131, %scan3A_130 : i32
      %dma_wait3A_133 = arith.constant 0 : i32
      %dma_wait3A_134 = arith.constant 0 : i32
      %dma_wait3A_135 = tpu.memref_slice %arg2[%dma_wait3A_133, %dma_wait3A_134] : memref<10000x128xf32, #tpu.memory_space<hbm>> -> memref<80x128xf32, #tpu.memory_space<hbm>>
      %dma_wait3A_136 = arith.constant 0 : i32
      %dma_wait3A_137 = arith.constant 0 : i32
      %dma_wait3A_138 = tpu.memref_slice %arg2[%dma_wait3A_136, %dma_wait3A_137] : memref<10000x128xf32, #tpu.memory_space<hbm>> -> memref<80x128xf32, #tpu.memory_space<hbm>>
      tpu.wait_dma2 semaphore(%arg20 : memref<!tpu.dma_semaphore, #tpu.memory_space<semaphore_mem>>) src(%dma_wait3A_138 : memref<80x128xf32, #tpu.memory_space<hbm>>) dst(%arg15 : memref<80x128xf32, #tpu.memory_space<vmem>>)
      %dma_start3A_139 = arith.constant 0 : i32
      %dma_start3A_140 = arith.constant 0 : i32
      %dma_start3A_141 = tpu.memref_slice %arg19[%dma_start3A_139, %dma_start3A_140] : memref<10000x128xf32, #tpu.memory_space<vmem_shared>> -> memref<10000x128xf32, #tpu.memory_space<vmem_shared>>
      tpu.enqueue_indirect_dma source(%arg15 : memref<80x128xf32, #tpu.memory_space<vmem>>) target(%dma_start3A_141 : memref<10000x128xf32, #tpu.memory_space<vmem_shared>>) offsets(%arg8 : memref<80xi32, #tpu.memory_space<vmem>>) semaphore(%arg24 : memref<!tpu.dma_semaphore, #tpu.memory_space<semaphore_mem>>) {add = true}
      %dma_wait3A_142 = arith.constant 0 : i32
      %dma_wait3A_143 = arith.constant 0 : i32
      %dma_wait3A_144 = tpu.memref_slice %arg2[%dma_wait3A_142, %dma_wait3A_143] : memref<10000x128xf32, #tpu.memory_space<hbm>> -> memref<80x128xf32, #tpu.memory_space<hbm>>
      %dma_wait3A_145 = arith.constant 0 : i32
      %dma_wait3A_146 = arith.constant 0 : i32
      %dma_wait3A_147 = tpu.memref_slice %arg2[%dma_wait3A_145, %dma_wait3A_146] : memref<10000x128xf32, #tpu.memory_space<hbm>> -> memref<80x128xf32, #tpu.memory_space<hbm>>
      tpu.wait_dma2 semaphore(%arg21 : memref<!tpu.dma_semaphore, #tpu.memory_space<semaphore_mem>>) src(%dma_wait3A_147 : memref<80x128xf32, #tpu.memory_space<hbm>>) dst(%arg16 : memref<80x128xf32, #tpu.memory_space<vmem>>)
      %dma_start3A_148 = arith.constant 0 : i32
      %dma_start3A_149 = arith.constant 0 : i32
      %dma_start3A_150 = tpu.memref_slice %arg19[%dma_start3A_148, %dma_start3A_149] : memref<10000x128xf32, #tpu.memory_space<vmem_shared>> -> memref<10000x128xf32, #tpu.memory_space<vmem_shared>>
      tpu.enqueue_indirect_dma source(%arg16 : memref<80x128xf32, #tpu.memory_space<vmem>>) target(%dma_start3A_150 : memref<10000x128xf32, #tpu.memory_space<vmem_shared>>) offsets(%arg10 : memref<80xi32, #tpu.memory_space<vmem>>) semaphore(%arg25 : memref<!tpu.dma_semaphore, #tpu.memory_space<semaphore_mem>>) {add = true}
      %dma_wait3A_151 = arith.constant 0 : i32
      %dma_wait3A_152 = arith.constant 0 : i32
      %dma_wait3A_153 = tpu.memref_slice %arg2[%dma_wait3A_151, %dma_wait3A_152] : memref<10000x128xf32, #tpu.memory_space<hbm>> -> memref<80x128xf32, #tpu.memory_space<hbm>>
      %dma_wait3A_154 = arith.constant 0 : i32
      %dma_wait3A_155 = arith.constant 0 : i32
      %dma_wait3A_156 = tpu.memref_slice %arg2[%dma_wait3A_154, %dma_wait3A_155] : memref<10000x128xf32, #tpu.memory_space<hbm>> -> memref<80x128xf32, #tpu.memory_space<hbm>>
      tpu.wait_dma2 semaphore(%arg22 : memref<!tpu.dma_semaphore, #tpu.memory_space<semaphore_mem>>) src(%dma_wait3A_156 : memref<80x128xf32, #tpu.memory_space<hbm>>) dst(%arg17 : memref<80x128xf32, #tpu.memory_space<vmem>>)
      %dma_start3A_157 = arith.constant 0 : i32
      %dma_start3A_158 = arith.constant 0 : i32
      %dma_start3A_159 = tpu.memref_slice %arg19[%dma_start3A_157, %dma_start3A_158] : memref<10000x128xf32, #tpu.memory_space<vmem_shared>> -> memref<10000x128xf32, #tpu.memory_space<vmem_shared>>
      tpu.enqueue_indirect_dma source(%arg17 : memref<80x128xf32, #tpu.memory_space<vmem>>) target(%dma_start3A_159 : memref<10000x128xf32, #tpu.memory_space<vmem_shared>>) offsets(%arg12 : memref<80xi32, #tpu.memory_space<vmem>>) semaphore(%arg26 : memref<!tpu.dma_semaphore, #tpu.memory_space<semaphore_mem>>) {add = true}
      %dma_wait3A_160 = arith.constant 0 : i32
      %dma_wait3A_161 = arith.constant 0 : i32
      %dma_wait3A_162 = tpu.memref_slice %arg2[%dma_wait3A_160, %dma_wait3A_161] : memref<10000x128xf32, #tpu.memory_space<hbm>> -> memref<80x128xf32, #tpu.memory_space<hbm>>
      %dma_wait3A_163 = arith.constant 0 : i32
      %dma_wait3A_164 = arith.constant 0 : i32
      %dma_wait3A_165 = tpu.memref_slice %arg2[%dma_wait3A_163, %dma_wait3A_164] : memref<10000x128xf32, #tpu.memory_space<hbm>> -> memref<80x128xf32, #tpu.memory_space<hbm>>
      tpu.wait_dma2 semaphore(%arg23 : memref<!tpu.dma_semaphore, #tpu.memory_space<semaphore_mem>>) src(%dma_wait3A_165 : memref<80x128xf32, #tpu.memory_space<hbm>>) dst(%arg18 : memref<80x128xf32, #tpu.memory_space<vmem>>)
      %dma_start3A_166 = arith.constant 0 : i32
      %dma_start3A_167 = arith.constant 0 : i32
      %dma_start3A_168 = tpu.memref_slice %arg19[%dma_start3A_166, %dma_start3A_167] : memref<10000x128xf32, #tpu.memory_space<vmem_shared>> -> memref<10000x128xf32, #tpu.memory_space<vmem_shared>>
      tpu.enqueue_indirect_dma source(%arg18 : memref<80x128xf32, #tpu.memory_space<vmem>>) target(%dma_start3A_168 : memref<10000x128xf32, #tpu.memory_space<vmem_shared>>) offsets(%arg14 : memref<80xi32, #tpu.memory_space<vmem>>) semaphore(%arg27 : memref<!tpu.dma_semaphore, #tpu.memory_space<semaphore_mem>>) {add = true}
      %dma_wait3A_169 = arith.constant 0 : i32
      %dma_wait3A_170 = arith.constant 0 : i32
      %dma_wait3A_171 = tpu.memref_slice %arg2[%dma_wait3A_169, %dma_wait3A_170] : memref<10000x128xf32, #tpu.memory_space<hbm>> -> memref<80x128xf32, #tpu.memory_space<hbm>>
      %dma_wait3A_172 = arith.constant 0 : i32
      %dma_wait3A_173 = arith.constant 0 : i32
      %dma_wait3A_174 = tpu.memref_slice %arg2[%dma_wait3A_172, %dma_wait3A_173] : memref<10000x128xf32, #tpu.memory_space<hbm>> -> memref<80x128xf32, #tpu.memory_space<hbm>>
      tpu.wait_dma2 semaphore(%arg24 : memref<!tpu.dma_semaphore, #tpu.memory_space<semaphore_mem>>) src(%dma_wait3A_174 : memref<80x128xf32, #tpu.memory_space<hbm>>) dst(%arg15 : memref<80x128xf32, #tpu.memory_space<vmem>>)
      %add3A_175 = arith.constant 4 : i32
      %add3A_176 = arith.addi %mul3A_132, %add3A_175 : i32
      %add3A_177 = arith.constant 0 : i32
      %add3A_178 = arith.addi %add3A_176, %add3A_177 : i32
      %mul3A_179 = arith.constant 80 : i32
      %mul3A_180 = arith.muli %add3A_178, %mul3A_179 : i32
      %add3A_181 = arith.addi %mul3A_6, %mul3A_180 : i32
      %dma_start3A_182 = tpu.memref_slice %arg3[%add3A_181] : memref<320000xi32, #tpu.memory_space<hbm>> -> memref<80xi32, #tpu.memory_space<hbm>>
      %dma_start3A_183 = tpu.memref_slice %arg3[%add3A_181] : memref<320000xi32, #tpu.memory_space<hbm>> -> memref<80xi32, #tpu.memory_space<hbm>>
      tpu.enqueue_dma source(%dma_start3A_183 : memref<80xi32, #tpu.memory_space<hbm>>) target(%arg7 : memref<80xi32, #tpu.memory_space<vmem>>) target_semaphore(%arg28 : memref<!tpu.dma_semaphore, #tpu.memory_space<semaphore_mem>>)
      %dma_start3A_184 = tpu.memref_slice %arg4[%add3A_181] : memref<320000xi32, #tpu.memory_space<hbm>> -> memref<80xi32, #tpu.memory_space<hbm>>
      %dma_start3A_185 = tpu.memref_slice %arg4[%add3A_181] : memref<320000xi32, #tpu.memory_space<hbm>> -> memref<80xi32, #tpu.memory_space<hbm>>
      tpu.enqueue_dma source(%dma_start3A_185 : memref<80xi32, #tpu.memory_space<hbm>>) target(%arg8 : memref<80xi32, #tpu.memory_space<vmem>>) target_semaphore(%arg28 : memref<!tpu.dma_semaphore, #tpu.memory_space<semaphore_mem>>)
      %dma_wait3A_186 = arith.constant 0 : i32
      %dma_wait3A_187 = tpu.memref_slice %arg3[%dma_wait3A_186] : memref<320000xi32, #tpu.memory_space<hbm>> -> memref<80xi32, #tpu.memory_space<hbm>>
      %dma_wait3A_188 = arith.constant 0 : i32
      %dma_wait3A_189 = tpu.memref_slice %arg3[%dma_wait3A_188] : memref<320000xi32, #tpu.memory_space<hbm>> -> memref<80xi32, #tpu.memory_space<hbm>>
      tpu.wait_dma2 semaphore(%arg28 : memref<!tpu.dma_semaphore, #tpu.memory_space<semaphore_mem>>) src(%dma_wait3A_189 : memref<80xi32, #tpu.memory_space<hbm>>) dst(%arg7 : memref<80xi32, #tpu.memory_space<vmem>>)
      %dma_wait3A_190 = arith.constant 0 : i32
      %dma_wait3A_191 = tpu.memref_slice %arg3[%dma_wait3A_190] : memref<320000xi32, #tpu.memory_space<hbm>> -> memref<80xi32, #tpu.memory_space<hbm>>
      %dma_wait3A_192 = arith.constant 0 : i32
      %dma_wait3A_193 = tpu.memref_slice %arg3[%dma_wait3A_192] : memref<320000xi32, #tpu.memory_space<hbm>> -> memref<80xi32, #tpu.memory_space<hbm>>
      tpu.wait_dma2 semaphore(%arg28 : memref<!tpu.dma_semaphore, #tpu.memory_space<semaphore_mem>>) src(%dma_wait3A_193 : memref<80xi32, #tpu.memory_space<hbm>>) dst(%arg8 : memref<80xi32, #tpu.memory_space<vmem>>)
      %dma_start3A_194 = arith.constant 0 : i32
      %dma_start3A_195 = arith.constant 0 : i32
      %dma_start3A_196 = tpu.memref_slice %arg2[%dma_start3A_194, %dma_start3A_195] : memref<10000x128xf32, #tpu.memory_space<hbm>> -> memref<10000x128xf32, #tpu.memory_space<hbm>>
      tpu.enqueue_indirect_dma source(%dma_start3A_196 : memref<10000x128xf32, #tpu.memory_space<hbm>>) target(%arg15 : memref<80x128xf32, #tpu.memory_space<vmem>>) offsets(%arg7 : memref<80xi32, #tpu.memory_space<vmem>>) semaphore(%arg20 : memref<!tpu.dma_semaphore, #tpu.memory_space<semaphore_mem>>)
      %dma_wait3A_197 = arith.constant 0 : i32
      %dma_wait3A_198 = arith.constant 0 : i32
      %dma_wait3A_199 = tpu.memref_slice %arg2[%dma_wait3A_197, %dma_wait3A_198] : memref<10000x128xf32, #tpu.memory_space<hbm>> -> memref<80x128xf32, #tpu.memory_space<hbm>>
      %dma_wait3A_200 = arith.constant 0 : i32
      %dma_wait3A_201 = arith.constant 0 : i32
      %dma_wait3A_202 = tpu.memref_slice %arg2[%dma_wait3A_200, %dma_wait3A_201] : memref<10000x128xf32, #tpu.memory_space<hbm>> -> memref<80x128xf32, #tpu.memory_space<hbm>>
      tpu.wait_dma2 semaphore(%arg25 : memref<!tpu.dma_semaphore, #tpu.memory_space<semaphore_mem>>) src(%dma_wait3A_202 : memref<80x128xf32, #tpu.memory_space<hbm>>) dst(%arg16 : memref<80x128xf32, #tpu.memory_space<vmem>>)
      %add3A_203 = arith.constant 4 : i32
      %add3A_204 = arith.addi %mul3A_132, %add3A_203 : i32
      %add3A_205 = arith.constant 1 : i32
      %add3A_206 = arith.addi %add3A_204, %add3A_205 : i32
      %mul3A_207 = arith.constant 80 : i32
      %mul3A_208 = arith.muli %add3A_206, %mul3A_207 : i32
      %add3A_209 = arith.addi %mul3A_6, %mul3A_208 : i32
      %dma_start3A_210 = tpu.memref_slice %arg3[%add3A_209] : memref<320000xi32, #tpu.memory_space<hbm>> -> memref<80xi32, #tpu.memory_space<hbm>>
      %dma_start3A_211 = tpu.memref_slice %arg3[%add3A_209] : memref<320000xi32, #tpu.memory_space<hbm>> -> memref<80xi32, #tpu.memory_space<hbm>>
      tpu.enqueue_dma source(%dma_start3A_211 : memref<80xi32, #tpu.memory_space<hbm>>) target(%arg9 : memref<80xi32, #tpu.memory_space<vmem>>) target_semaphore(%arg29 : memref<!tpu.dma_semaphore, #tpu.memory_space<semaphore_mem>>)
      %dma_start3A_212 = tpu.memref_slice %arg4[%add3A_209] : memref<320000xi32, #tpu.memory_space<hbm>> -> memref<80xi32, #tpu.memory_space<hbm>>
      %dma_start3A_213 = tpu.memref_slice %arg4[%add3A_209] : memref<320000xi32, #tpu.memory_space<hbm>> -> memref<80xi32, #tpu.memory_space<hbm>>
      tpu.enqueue_dma source(%dma_start3A_213 : memref<80xi32, #tpu.memory_space<hbm>>) target(%arg10 : memref<80xi32, #tpu.memory_space<vmem>>) target_semaphore(%arg29 : memref<!tpu.dma_semaphore, #tpu.memory_space<semaphore_mem>>)
      %dma_wait3A_214 = arith.constant 0 : i32
      %dma_wait3A_215 = tpu.memref_slice %arg3[%dma_wait3A_214] : memref<320000xi32, #tpu.memory_space<hbm>> -> memref<80xi32, #tpu.memory_space<hbm>>
      %dma_wait3A_216 = arith.constant 0 : i32
      %dma_wait3A_217 = tpu.memref_slice %arg3[%dma_wait3A_216] : memref<320000xi32, #tpu.memory_space<hbm>> -> memref<80xi32, #tpu.memory_space<hbm>>
      tpu.wait_dma2 semaphore(%arg29 : memref<!tpu.dma_semaphore, #tpu.memory_space<semaphore_mem>>) src(%dma_wait3A_217 : memref<80xi32, #tpu.memory_space<hbm>>) dst(%arg9 : memref<80xi32, #tpu.memory_space<vmem>>)
      %dma_wait3A_218 = arith.constant 0 : i32
      %dma_wait3A_219 = tpu.memref_slice %arg3[%dma_wait3A_218] : memref<320000xi32, #tpu.memory_space<hbm>> -> memref<80xi32, #tpu.memory_space<hbm>>
      %dma_wait3A_220 = arith.constant 0 : i32
      %dma_wait3A_221 = tpu.memref_slice %arg3[%dma_wait3A_220] : memref<320000xi32, #tpu.memory_space<hbm>> -> memref<80xi32, #tpu.memory_space<hbm>>
      tpu.wait_dma2 semaphore(%arg29 : memref<!tpu.dma_semaphore, #tpu.memory_space<semaphore_mem>>) src(%dma_wait3A_221 : memref<80xi32, #tpu.memory_space<hbm>>) dst(%arg10 : memref<80xi32, #tpu.memory_space<vmem>>)
      %dma_start3A_222 = arith.constant 0 : i32
      %dma_start3A_223 = arith.constant 0 : i32
      %dma_start3A_224 = tpu.memref_slice %arg2[%dma_start3A_222, %dma_start3A_223] : memref<10000x128xf32, #tpu.memory_space<hbm>> -> memref<10000x128xf32, #tpu.memory_space<hbm>>
      tpu.enqueue_indirect_dma source(%dma_start3A_224 : memref<10000x128xf32, #tpu.memory_space<hbm>>) target(%arg16 : memref<80x128xf32, #tpu.memory_space<vmem>>) offsets(%arg9 : memref<80xi32, #tpu.memory_space<vmem>>) semaphore(%arg21 : memref<!tpu.dma_semaphore, #tpu.memory_space<semaphore_mem>>)
      %dma_wait3A_225 = arith.constant 0 : i32
      %dma_wait3A_226 = arith.constant 0 : i32
      %dma_wait3A_227 = tpu.memref_slice %arg2[%dma_wait3A_225, %dma_wait3A_226] : memref<10000x128xf32, #tpu.memory_space<hbm>> -> memref<80x128xf32, #tpu.memory_space<hbm>>
      %dma_wait3A_228 = arith.constant 0 : i32
      %dma_wait3A_229 = arith.constant 0 : i32
      %dma_wait3A_230 = tpu.memref_slice %arg2[%dma_wait3A_228, %dma_wait3A_229] : memref<10000x128xf32, #tpu.memory_space<hbm>> -> memref<80x128xf32, #tpu.memory_space<hbm>>
      tpu.wait_dma2 semaphore(%arg26 : memref<!tpu.dma_semaphore, #tpu.memory_space<semaphore_mem>>) src(%dma_wait3A_230 : memref<80x128xf32, #tpu.memory_space<hbm>>) dst(%arg17 : memref<80x128xf32, #tpu.memory_space<vmem>>)
      %add3A_231 = arith.constant 4 : i32
      %add3A_232 = arith.addi %mul3A_132, %add3A_231 : i32
      %add3A_233 = arith.constant 2 : i32
      %add3A_234 = arith.addi %add3A_232, %add3A_233 : i32
      %mul3A_235 = arith.constant 80 : i32
      %mul3A_236 = arith.muli %add3A_234, %mul3A_235 : i32
      %add3A_237 = arith.addi %mul3A_6, %mul3A_236 : i32
      %dma_start3A_238 = tpu.memref_slice %arg3[%add3A_237] : memref<320000xi32, #tpu.memory_space<hbm>> -> memref<80xi32, #tpu.memory_space<hbm>>
      %dma_start3A_239 = tpu.memref_slice %arg3[%add3A_237] : memref<320000xi32, #tpu.memory_space<hbm>> -> memref<80xi32, #tpu.memory_space<hbm>>
      tpu.enqueue_dma source(%dma_start3A_239 : memref<80xi32, #tpu.memory_space<hbm>>) target(%arg11 : memref<80xi32, #tpu.memory_space<vmem>>) target_semaphore(%arg30 : memref<!tpu.dma_semaphore, #tpu.memory_space<semaphore_mem>>)
      %dma_start3A_240 = tpu.memref_slice %arg4[%add3A_237] : memref<320000xi32, #tpu.memory_space<hbm>> -> memref<80xi32, #tpu.memory_space<hbm>>
      %dma_start3A_241 = tpu.memref_slice %arg4[%add3A_237] : memref<320000xi32, #tpu.memory_space<hbm>> -> memref<80xi32, #tpu.memory_space<hbm>>
      tpu.enqueue_dma source(%dma_start3A_241 : memref<80xi32, #tpu.memory_space<hbm>>) target(%arg12 : memref<80xi32, #tpu.memory_space<vmem>>) target_semaphore(%arg30 : memref<!tpu.dma_semaphore, #tpu.memory_space<semaphore_mem>>)
      %dma_wait3A_242 = arith.constant 0 : i32
      %dma_wait3A_243 = tpu.memref_slice %arg3[%dma_wait3A_242] : memref<320000xi32, #tpu.memory_space<hbm>> -> memref<80xi32, #tpu.memory_space<hbm>>
      %dma_wait3A_244 = arith.constant 0 : i32
      %dma_wait3A_245 = tpu.memref_slice %arg3[%dma_wait3A_244] : memref<320000xi32, #tpu.memory_space<hbm>> -> memref<80xi32, #tpu.memory_space<hbm>>
      tpu.wait_dma2 semaphore(%arg30 : memref<!tpu.dma_semaphore, #tpu.memory_space<semaphore_mem>>) src(%dma_wait3A_245 : memref<80xi32, #tpu.memory_space<hbm>>) dst(%arg11 : memref<80xi32, #tpu.memory_space<vmem>>)
      %dma_wait3A_246 = arith.constant 0 : i32
      %dma_wait3A_247 = tpu.memref_slice %arg3[%dma_wait3A_246] : memref<320000xi32, #tpu.memory_space<hbm>> -> memref<80xi32, #tpu.memory_space<hbm>>
      %dma_wait3A_248 = arith.constant 0 : i32
      %dma_wait3A_249 = tpu.memref_slice %arg3[%dma_wait3A_248] : memref<320000xi32, #tpu.memory_space<hbm>> -> memref<80xi32, #tpu.memory_space<hbm>>
      tpu.wait_dma2 semaphore(%arg30 : memref<!tpu.dma_semaphore, #tpu.memory_space<semaphore_mem>>) src(%dma_wait3A_249 : memref<80xi32, #tpu.memory_space<hbm>>) dst(%arg12 : memref<80xi32, #tpu.memory_space<vmem>>)
      %dma_start3A_250 = arith.constant 0 : i32
      %dma_start3A_251 = arith.constant 0 : i32
      %dma_start3A_252 = tpu.memref_slice %arg2[%dma_start3A_250, %dma_start3A_251] : memref<10000x128xf32, #tpu.memory_space<hbm>> -> memref<10000x128xf32, #tpu.memory_space<hbm>>
      tpu.enqueue_indirect_dma source(%dma_start3A_252 : memref<10000x128xf32, #tpu.memory_space<hbm>>) target(%arg17 : memref<80x128xf32, #tpu.memory_space<vmem>>) offsets(%arg11 : memref<80xi32, #tpu.memory_space<vmem>>) semaphore(%arg22 : memref<!tpu.dma_semaphore, #tpu.memory_space<semaphore_mem>>)
      %dma_wait3A_253 = arith.constant 0 : i32
      %dma_wait3A_254 = arith.constant 0 : i32
      %dma_wait3A_255 = tpu.memref_slice %arg2[%dma_wait3A_253, %dma_wait3A_254] : memref<10000x128xf32, #tpu.memory_space<hbm>> -> memref<80x128xf32, #tpu.memory_space<hbm>>
      %dma_wait3A_256 = arith.constant 0 : i32
      %dma_wait3A_257 = arith.constant 0 : i32
      %dma_wait3A_258 = tpu.memref_slice %arg2[%dma_wait3A_256, %dma_wait3A_257] : memref<10000x128xf32, #tpu.memory_space<hbm>> -> memref<80x128xf32, #tpu.memory_space<hbm>>
      tpu.wait_dma2 semaphore(%arg27 : memref<!tpu.dma_semaphore, #tpu.memory_space<semaphore_mem>>) src(%dma_wait3A_258 : memref<80x128xf32, #tpu.memory_space<hbm>>) dst(%arg18 : memref<80x128xf32, #tpu.memory_space<vmem>>)
      %add3A_259 = arith.constant 4 : i32
      %add3A_260 = arith.addi %mul3A_132, %add3A_259 : i32
      %add3A_261 = arith.constant 3 : i32
      %add3A_262 = arith.addi %add3A_260, %add3A_261 : i32
      %mul3A_263 = arith.constant 80 : i32
      %mul3A_264 = arith.muli %add3A_262, %mul3A_263 : i32
      %add3A_265 = arith.addi %mul3A_6, %mul3A_264 : i32
      %dma_start3A_266 = tpu.memref_slice %arg3[%add3A_265] : memref<320000xi32, #tpu.memory_space<hbm>> -> memref<80xi32, #tpu.memory_space<hbm>>
      %dma_start3A_267 = tpu.memref_slice %arg3[%add3A_265] : memref<320000xi32, #tpu.memory_space<hbm>> -> memref<80xi32, #tpu.memory_space<hbm>>
      tpu.enqueue_dma source(%dma_start3A_267 : memref<80xi32, #tpu.memory_space<hbm>>) target(%arg13 : memref<80xi32, #tpu.memory_space<vmem>>) target_semaphore(%arg31 : memref<!tpu.dma_semaphore, #tpu.memory_space<semaphore_mem>>)
      %dma_start3A_268 = tpu.memref_slice %arg4[%add3A_265] : memref<320000xi32, #tpu.memory_space<hbm>> -> memref<80xi32, #tpu.memory_space<hbm>>
      %dma_start3A_269 = tpu.memref_slice %arg4[%add3A_265] : memref<320000xi32, #tpu.memory_space<hbm>> -> memref<80xi32, #tpu.memory_space<hbm>>
      tpu.enqueue_dma source(%dma_start3A_269 : memref<80xi32, #tpu.memory_space<hbm>>) target(%arg14 : memref<80xi32, #tpu.memory_space<vmem>>) target_semaphore(%arg31 : memref<!tpu.dma_semaphore, #tpu.memory_space<semaphore_mem>>)
      %dma_wait3A_270 = arith.constant 0 : i32
      %dma_wait3A_271 = tpu.memref_slice %arg3[%dma_wait3A_270] : memref<320000xi32, #tpu.memory_space<hbm>> -> memref<80xi32, #tpu.memory_space<hbm>>
      %dma_wait3A_272 = arith.constant 0 : i32
      %dma_wait3A_273 = tpu.memref_slice %arg3[%dma_wait3A_272] : memref<320000xi32, #tpu.memory_space<hbm>> -> memref<80xi32, #tpu.memory_space<hbm>>
      tpu.wait_dma2 semaphore(%arg31 : memref<!tpu.dma_semaphore, #tpu.memory_space<semaphore_mem>>) src(%dma_wait3A_273 : memref<80xi32, #tpu.memory_space<hbm>>) dst(%arg13 : memref<80xi32, #tpu.memory_space<vmem>>)
      %dma_wait3A_274 = arith.constant 0 : i32
      %dma_wait3A_275 = tpu.memref_slice %arg3[%dma_wait3A_274] : memref<320000xi32, #tpu.memory_space<hbm>> -> memref<80xi32, #tpu.memory_space<hbm>>
      %dma_wait3A_276 = arith.constant 0 : i32
      %dma_wait3A_277 = tpu.memref_slice %arg3[%dma_wait3A_276] : memref<320000xi32, #tpu.memory_space<hbm>> -> memref<80xi32, #tpu.memory_space<hbm>>
      tpu.wait_dma2 semaphore(%arg31 : memref<!tpu.dma_semaphore, #tpu.memory_space<semaphore_mem>>) src(%dma_wait3A_277 : memref<80xi32, #tpu.memory_space<hbm>>) dst(%arg14 : memref<80xi32, #tpu.memory_space<vmem>>)
      %dma_start3A_278 = arith.constant 0 : i32
      %dma_start3A_279 = arith.constant 0 : i32
      %dma_start3A_280 = tpu.memref_slice %arg2[%dma_start3A_278, %dma_start3A_279] : memref<10000x128xf32, #tpu.memory_space<hbm>> -> memref<10000x128xf32, #tpu.memory_space<hbm>>
      tpu.enqueue_indirect_dma source(%dma_start3A_280 : memref<10000x128xf32, #tpu.memory_space<hbm>>) target(%arg18 : memref<80x128xf32, #tpu.memory_space<vmem>>) offsets(%arg13 : memref<80xi32, #tpu.memory_space<vmem>>) semaphore(%arg23 : memref<!tpu.dma_semaphore, #tpu.memory_space<semaphore_mem>>)
    }
    %scan3A_38 = arith.constant 30 : i32
    %dma_wait3A = arith.constant 0 : i32
    %dma_wait3A_39 = arith.constant 0 : i32
    %dma_wait3A_40 = tpu.memref_slice %arg2[%dma_wait3A, %dma_wait3A_39] : memref<10000x128xf32, #tpu.memory_space<hbm>> -> memref<80x128xf32, #tpu.memory_space<hbm>>
    %dma_wait3A_41 = arith.constant 0 : i32
    %dma_wait3A_42 = arith.constant 0 : i32
    %dma_wait3A_43 = tpu.memref_slice %arg2[%dma_wait3A_41, %dma_wait3A_42] : memref<10000x128xf32, #tpu.memory_space<hbm>> -> memref<80x128xf32, #tpu.memory_space<hbm>>
    tpu.wait_dma2 semaphore(%arg20 : memref<!tpu.dma_semaphore, #tpu.memory_space<semaphore_mem>>) src(%dma_wait3A_43 : memref<80x128xf32, #tpu.memory_space<hbm>>) dst(%arg15 : memref<80x128xf32, #tpu.memory_space<vmem>>)
    %dma_start3A_44 = arith.constant 0 : i32
    %dma_start3A_45 = arith.constant 0 : i32
    %dma_start3A_46 = tpu.memref_slice %arg19[%dma_start3A_44, %dma_start3A_45] : memref<10000x128xf32, #tpu.memory_space<vmem_shared>> -> memref<10000x128xf32, #tpu.memory_space<vmem_shared>>
    tpu.enqueue_indirect_dma source(%arg15 : memref<80x128xf32, #tpu.memory_space<vmem>>) target(%dma_start3A_46 : memref<10000x128xf32, #tpu.memory_space<vmem_shared>>) offsets(%arg8 : memref<80xi32, #tpu.memory_space<vmem>>) semaphore(%arg24 : memref<!tpu.dma_semaphore, #tpu.memory_space<semaphore_mem>>) {add = true}
    %dma_wait3A_47 = arith.constant 0 : i32
    %dma_wait3A_48 = arith.constant 0 : i32
    %dma_wait3A_49 = tpu.memref_slice %arg2[%dma_wait3A_47, %dma_wait3A_48] : memref<10000x128xf32, #tpu.memory_space<hbm>> -> memref<80x128xf32, #tpu.memory_space<hbm>>
    %dma_wait3A_50 = arith.constant 0 : i32
    %dma_wait3A_51 = arith.constant 0 : i32
    %dma_wait3A_52 = tpu.memref_slice %arg2[%dma_wait3A_50, %dma_wait3A_51] : memref<10000x128xf32, #tpu.memory_space<hbm>> -> memref<80x128xf32, #tpu.memory_space<hbm>>
    tpu.wait_dma2 semaphore(%arg21 : memref<!tpu.dma_semaphore, #tpu.memory_space<semaphore_mem>>) src(%dma_wait3A_52 : memref<80x128xf32, #tpu.memory_space<hbm>>) dst(%arg16 : memref<80x128xf32, #tpu.memory_space<vmem>>)
    %dma_start3A_53 = arith.constant 0 : i32
    %dma_start3A_54 = arith.constant 0 : i32
    %dma_start3A_55 = tpu.memref_slice %arg19[%dma_start3A_53, %dma_start3A_54] : memref<10000x128xf32, #tpu.memory_space<vmem_shared>> -> memref<10000x128xf32, #tpu.memory_space<vmem_shared>>
    tpu.enqueue_indirect_dma source(%arg16 : memref<80x128xf32, #tpu.memory_space<vmem>>) target(%dma_start3A_55 : memref<10000x128xf32, #tpu.memory_space<vmem_shared>>) offsets(%arg10 : memref<80xi32, #tpu.memory_space<vmem>>) semaphore(%arg25 : memref<!tpu.dma_semaphore, #tpu.memory_space<semaphore_mem>>) {add = true}
    %dma_wait3A_56 = arith.constant 0 : i32
    %dma_wait3A_57 = arith.constant 0 : i32
    %dma_wait3A_58 = tpu.memref_slice %arg2[%dma_wait3A_56, %dma_wait3A_57] : memref<10000x128xf32, #tpu.memory_space<hbm>> -> memref<80x128xf32, #tpu.memory_space<hbm>>
    %dma_wait3A_59 = arith.constant 0 : i32
    %dma_wait3A_60 = arith.constant 0 : i32
    %dma_wait3A_61 = tpu.memref_slice %arg2[%dma_wait3A_59, %dma_wait3A_60] : memref<10000x128xf32, #tpu.memory_space<hbm>> -> memref<80x128xf32, #tpu.memory_space<hbm>>
    tpu.wait_dma2 semaphore(%arg22 : memref<!tpu.dma_semaphore, #tpu.memory_space<semaphore_mem>>) src(%dma_wait3A_61 : memref<80x128xf32, #tpu.memory_space<hbm>>) dst(%arg17 : memref<80x128xf32, #tpu.memory_space<vmem>>)
    %dma_start3A_62 = arith.constant 0 : i32
    %dma_start3A_63 = arith.constant 0 : i32
    %dma_start3A_64 = tpu.memref_slice %arg19[%dma_start3A_62, %dma_start3A_63] : memref<10000x128xf32, #tpu.memory_space<vmem_shared>> -> memref<10000x128xf32, #tpu.memory_space<vmem_shared>>
    tpu.enqueue_indirect_dma source(%arg17 : memref<80x128xf32, #tpu.memory_space<vmem>>) target(%dma_start3A_64 : memref<10000x128xf32, #tpu.memory_space<vmem_shared>>) offsets(%arg12 : memref<80xi32, #tpu.memory_space<vmem>>) semaphore(%arg26 : memref<!tpu.dma_semaphore, #tpu.memory_space<semaphore_mem>>) {add = true}
    %dma_wait3A_65 = arith.constant 0 : i32
    %dma_wait3A_66 = arith.constant 0 : i32
    %dma_wait3A_67 = tpu.memref_slice %arg2[%dma_wait3A_65, %dma_wait3A_66] : memref<10000x128xf32, #tpu.memory_space<hbm>> -> memref<80x128xf32, #tpu.memory_space<hbm>>
    %dma_wait3A_68 = arith.constant 0 : i32
    %dma_wait3A_69 = arith.constant 0 : i32
    %dma_wait3A_70 = tpu.memref_slice %arg2[%dma_wait3A_68, %dma_wait3A_69] : memref<10000x128xf32, #tpu.memory_space<hbm>> -> memref<80x128xf32, #tpu.memory_space<hbm>>
    tpu.wait_dma2 semaphore(%arg23 : memref<!tpu.dma_semaphore, #tpu.memory_space<semaphore_mem>>) src(%dma_wait3A_70 : memref<80x128xf32, #tpu.memory_space<hbm>>) dst(%arg18 : memref<80x128xf32, #tpu.memory_space<vmem>>)
    %dma_start3A_71 = arith.constant 0 : i32
    %dma_start3A_72 = arith.constant 0 : i32
    %dma_start3A_73 = tpu.memref_slice %arg19[%dma_start3A_71, %dma_start3A_72] : memref<10000x128xf32, #tpu.memory_space<vmem_shared>> -> memref<10000x128xf32, #tpu.memory_space<vmem_shared>>
    tpu.enqueue_indirect_dma source(%arg18 : memref<80x128xf32, #tpu.memory_space<vmem>>) target(%dma_start3A_73 : memref<10000x128xf32, #tpu.memory_space<vmem_shared>>) offsets(%arg14 : memref<80xi32, #tpu.memory_space<vmem>>) semaphore(%arg27 : memref<!tpu.dma_semaphore, #tpu.memory_space<semaphore_mem>>) {add = true}
    %dma_wait3A_74 = arith.constant 0 : i32
    %dma_wait3A_75 = arith.constant 0 : i32
    %dma_wait3A_76 = tpu.memref_slice %arg2[%dma_wait3A_74, %dma_wait3A_75] : memref<10000x128xf32, #tpu.memory_space<hbm>> -> memref<80x128xf32, #tpu.memory_space<hbm>>
    %dma_wait3A_77 = arith.constant 0 : i32
    %dma_wait3A_78 = arith.constant 0 : i32
    %dma_wait3A_79 = tpu.memref_slice %arg2[%dma_wait3A_77, %dma_wait3A_78] : memref<10000x128xf32, #tpu.memory_space<hbm>> -> memref<80x128xf32, #tpu.memory_space<hbm>>
    tpu.wait_dma2 semaphore(%arg24 : memref<!tpu.dma_semaphore, #tpu.memory_space<semaphore_mem>>) src(%dma_wait3A_79 : memref<80x128xf32, #tpu.memory_space<hbm>>) dst(%arg15 : memref<80x128xf32, #tpu.memory_space<vmem>>)
    %add3A_80 = arith.constant 9920 : i32
    %add3A_81 = arith.addi %mul3A_6, %add3A_80 : i32
    "tpu.region"() ({
      %run_scoped3A = tpu.sem_alloc : memref<!tpu.dma_semaphore, #tpu.memory_space<semaphore_mem>>
      %dma_start3A_130 = tpu.memref_slice %arg3[%add3A_81] : memref<320000xi32, #tpu.memory_space<hbm>> -> memref<80xi32, #tpu.memory_space<hbm>>
      %dma_start3A_131 = tpu.memref_slice %arg3[%add3A_81] : memref<320000xi32, #tpu.memory_space<hbm>> -> memref<80xi32, #tpu.memory_space<hbm>>
      tpu.enqueue_dma source(%dma_start3A_131 : memref<80xi32, #tpu.memory_space<hbm>>) target(%arg7 : memref<80xi32, #tpu.memory_space<vmem>>) target_semaphore(%run_scoped3A : memref<!tpu.dma_semaphore, #tpu.memory_space<semaphore_mem>>)
      %dma_wait3A_132 = tpu.memref_slice %arg3[%add3A_81] : memref<320000xi32, #tpu.memory_space<hbm>> -> memref<80xi32, #tpu.memory_space<hbm>>
      %dma_wait3A_133 = tpu.memref_slice %arg3[%add3A_81] : memref<320000xi32, #tpu.memory_space<hbm>> -> memref<80xi32, #tpu.memory_space<hbm>>
      tpu.wait_dma2 semaphore(%run_scoped3A : memref<!tpu.dma_semaphore, #tpu.memory_space<semaphore_mem>>) src(%dma_wait3A_133 : memref<80xi32, #tpu.memory_space<hbm>>) dst(%arg7 : memref<80xi32, #tpu.memory_space<vmem>>)
      tpu.yield
    }) : () -> ()
    %add3A_82 = arith.constant 9920 : i32
    %add3A_83 = arith.addi %mul3A_6, %add3A_82 : i32
    "tpu.region"() ({
      %run_scoped3A = tpu.sem_alloc : memref<!tpu.dma_semaphore, #tpu.memory_space<semaphore_mem>>
      %dma_start3A_130 = tpu.memref_slice %arg4[%add3A_83] : memref<320000xi32, #tpu.memory_space<hbm>> -> memref<80xi32, #tpu.memory_space<hbm>>
      %dma_start3A_131 = tpu.memref_slice %arg4[%add3A_83] : memref<320000xi32, #tpu.memory_space<hbm>> -> memref<80xi32, #tpu.memory_space<hbm>>
      tpu.enqueue_dma source(%dma_start3A_131 : memref<80xi32, #tpu.memory_space<hbm>>) target(%arg8 : memref<80xi32, #tpu.memory_space<vmem>>) target_semaphore(%run_scoped3A : memref<!tpu.dma_semaphore, #tpu.memory_space<semaphore_mem>>)
      %dma_wait3A_132 = tpu.memref_slice %arg4[%add3A_83] : memref<320000xi32, #tpu.memory_space<hbm>> -> memref<80xi32, #tpu.memory_space<hbm>>
      %dma_wait3A_133 = tpu.memref_slice %arg4[%add3A_83] : memref<320000xi32, #tpu.memory_space<hbm>> -> memref<80xi32, #tpu.memory_space<hbm>>
      tpu.wait_dma2 semaphore(%run_scoped3A : memref<!tpu.dma_semaphore, #tpu.memory_space<semaphore_mem>>) src(%dma_wait3A_133 : memref<80xi32, #tpu.memory_space<hbm>>) dst(%arg8 : memref<80xi32, #tpu.memory_space<vmem>>)
      tpu.yield
    }) : () -> ()
    %dma_start3A_84 = arith.constant 0 : i32
    %dma_start3A_85 = arith.constant 0 : i32
    %dma_start3A_86 = tpu.memref_slice %arg2[%dma_start3A_84, %dma_start3A_85] : memref<10000x128xf32, #tpu.memory_space<hbm>> -> memref<10000x128xf32, #tpu.memory_space<hbm>>
    tpu.enqueue_indirect_dma source(%dma_start3A_86 : memref<10000x128xf32, #tpu.memory_space<hbm>>) target(%arg15 : memref<80x128xf32, #tpu.memory_space<vmem>>) offsets(%arg7 : memref<80xi32, #tpu.memory_space<vmem>>) semaphore(%arg20 : memref<!tpu.dma_semaphore, #tpu.memory_space<semaphore_mem>>)
    %dma_wait3A_87 = arith.constant 0 : i32
    %dma_wait3A_88 = arith.constant 0 : i32
    %dma_wait3A_89 = tpu.memref_slice %arg2[%dma_wait3A_87, %dma_wait3A_88] : memref<10000x128xf32, #tpu.memory_space<hbm>> -> memref<80x128xf32, #tpu.memory_space<hbm>>
    %dma_wait3A_90 = arith.constant 0 : i32
    %dma_wait3A_91 = arith.constant 0 : i32
    %dma_wait3A_92 = tpu.memref_slice %arg2[%dma_wait3A_90, %dma_wait3A_91] : memref<10000x128xf32, #tpu.memory_space<hbm>> -> memref<80x128xf32, #tpu.memory_space<hbm>>
    tpu.wait_dma2 semaphore(%arg20 : memref<!tpu.dma_semaphore, #tpu.memory_space<semaphore_mem>>) src(%dma_wait3A_92 : memref<80x128xf32, #tpu.memory_space<hbm>>) dst(%arg15 : memref<80x128xf32, #tpu.memory_space<vmem>>)
    %dma_start3A_93 = arith.constant 0 : i32
    %dma_start3A_94 = arith.constant 0 : i32
    %dma_start3A_95 = tpu.memref_slice %arg19[%dma_start3A_93, %dma_start3A_94] : memref<10000x128xf32, #tpu.memory_space<vmem_shared>> -> memref<10000x128xf32, #tpu.memory_space<vmem_shared>>
    tpu.enqueue_indirect_dma source(%arg15 : memref<80x128xf32, #tpu.memory_space<vmem>>) target(%dma_start3A_95 : memref<10000x128xf32, #tpu.memory_space<vmem_shared>>) offsets(%arg8 : memref<80xi32, #tpu.memory_space<vmem>>) semaphore(%arg24 : memref<!tpu.dma_semaphore, #tpu.memory_space<semaphore_mem>>) {add = true}
    %dma_wait3A_96 = arith.constant 0 : i32
    %dma_wait3A_97 = arith.constant 0 : i32
    %dma_wait3A_98 = tpu.memref_slice %arg2[%dma_wait3A_96, %dma_wait3A_97] : memref<10000x128xf32, #tpu.memory_space<hbm>> -> memref<80x128xf32, #tpu.memory_space<hbm>>
    %dma_wait3A_99 = arith.constant 0 : i32
    %dma_wait3A_100 = arith.constant 0 : i32
    %dma_wait3A_101 = tpu.memref_slice %arg2[%dma_wait3A_99, %dma_wait3A_100] : memref<10000x128xf32, #tpu.memory_space<hbm>> -> memref<80x128xf32, #tpu.memory_space<hbm>>
    tpu.wait_dma2 semaphore(%arg24 : memref<!tpu.dma_semaphore, #tpu.memory_space<semaphore_mem>>) src(%dma_wait3A_101 : memref<80x128xf32, #tpu.memory_space<hbm>>) dst(%arg15 : memref<80x128xf32, #tpu.memory_space<vmem>>)
    %dma_wait3A_102 = arith.constant 0 : i32
    %dma_wait3A_103 = arith.constant 0 : i32
    %dma_wait3A_104 = tpu.memref_slice %arg2[%dma_wait3A_102, %dma_wait3A_103] : memref<10000x128xf32, #tpu.memory_space<hbm>> -> memref<80x128xf32, #tpu.memory_space<hbm>>
    %dma_wait3A_105 = arith.constant 0 : i32
    %dma_wait3A_106 = arith.constant 0 : i32
    %dma_wait3A_107 = tpu.memref_slice %arg2[%dma_wait3A_105, %dma_wait3A_106] : memref<10000x128xf32, #tpu.memory_space<hbm>> -> memref<80x128xf32, #tpu.memory_space<hbm>>
    tpu.wait_dma2 semaphore(%arg25 : memref<!tpu.dma_semaphore, #tpu.memory_space<semaphore_mem>>) src(%dma_wait3A_107 : memref<80x128xf32, #tpu.memory_space<hbm>>) dst(%arg16 : memref<80x128xf32, #tpu.memory_space<vmem>>)
    %dma_wait3A_108 = arith.constant 0 : i32
    %dma_wait3A_109 = arith.constant 0 : i32
    %dma_wait3A_110 = tpu.memref_slice %arg2[%dma_wait3A_108, %dma_wait3A_109] : memref<10000x128xf32, #tpu.memory_space<hbm>> -> memref<80x128xf32, #tpu.memory_space<hbm>>
    %dma_wait3A_111 = arith.constant 0 : i32
    %dma_wait3A_112 = arith.constant 0 : i32
    %dma_wait3A_113 = tpu.memref_slice %arg2[%dma_wait3A_111, %dma_wait3A_112] : memref<10000x128xf32, #tpu.memory_space<hbm>> -> memref<80x128xf32, #tpu.memory_space<hbm>>
    tpu.wait_dma2 semaphore(%arg26 : memref<!tpu.dma_semaphore, #tpu.memory_space<semaphore_mem>>) src(%dma_wait3A_113 : memref<80x128xf32, #tpu.memory_space<hbm>>) dst(%arg17 : memref<80x128xf32, #tpu.memory_space<vmem>>)
    %dma_wait3A_114 = arith.constant 0 : i32
    %dma_wait3A_115 = arith.constant 0 : i32
    %dma_wait3A_116 = tpu.memref_slice %arg2[%dma_wait3A_114, %dma_wait3A_115] : memref<10000x128xf32, #tpu.memory_space<hbm>> -> memref<80x128xf32, #tpu.memory_space<hbm>>
    %dma_wait3A_117 = arith.constant 0 : i32
    %dma_wait3A_118 = arith.constant 0 : i32
    %dma_wait3A_119 = tpu.memref_slice %arg2[%dma_wait3A_117, %dma_wait3A_118] : memref<10000x128xf32, #tpu.memory_space<hbm>> -> memref<80x128xf32, #tpu.memory_space<hbm>>
    tpu.wait_dma2 semaphore(%arg27 : memref<!tpu.dma_semaphore, #tpu.memory_space<semaphore_mem>>) src(%dma_wait3A_119 : memref<80x128xf32, #tpu.memory_space<hbm>>) dst(%arg18 : memref<80x128xf32, #tpu.memory_space<vmem>>)
    %barrier3A_120 = arith.constant 0 : index
    tpu.barrier barrier_id(%barrier3A_120)
    %mul3A_121 = arith.constant 624 : i32
    %mul3A_122 = arith.muli %arg1, %mul3A_121 : i32
    %mul3A_123 = arith.constant 624 : i32
    %mul3A_124 = arith.muli %arg1, %mul3A_123 : i32
    "tpu.region"() ({
      %run_scoped3A = tpu.sem_alloc : memref<!tpu.dma_semaphore, #tpu.memory_space<semaphore_mem>>
      %dma_start3A_130 = arith.constant 0 : i32
      %dma_start3A_131 = tpu.memref_slice %arg6[%arg0, %mul3A_124, %dma_start3A_130] : memref<2x10000x128xf32, #tpu.memory_space<hbm>> -> memref<1x624x128xf32, #tpu.memory_space<hbm>>
      %dma_start3A_132 = tpu.memref_squeeze %dma_start3A_131 : memref<1x624x128xf32, #tpu.memory_space<hbm>> -> memref<624x128xf32, #tpu.memory_space<hbm>>
      %dma_start3A_133 = arith.constant 0 : i32
      %dma_start3A_134 = tpu.memref_slice %arg19[%mul3A_122, %dma_start3A_133] : memref<10000x128xf32, #tpu.memory_space<vmem_shared>> -> memref<624x128xf32, #tpu.memory_space<vmem_shared>>
      tpu.enqueue_dma source(%dma_start3A_134 : memref<624x128xf32, #tpu.memory_space<vmem_shared>>) target(%dma_start3A_132 : memref<624x128xf32, #tpu.memory_space<hbm>>) target_semaphore(%run_scoped3A : memref<!tpu.dma_semaphore, #tpu.memory_space<semaphore_mem>>)
      %dma_wait3A_135 = arith.constant 0 : i32
      %dma_wait3A_136 = tpu.memref_slice %arg6[%arg0, %mul3A_124, %dma_wait3A_135] : memref<2x10000x128xf32, #tpu.memory_space<hbm>> -> memref<1x624x128xf32, #tpu.memory_space<hbm>>
      %dma_wait3A_137 = tpu.memref_squeeze %dma_wait3A_136 : memref<1x624x128xf32, #tpu.memory_space<hbm>> -> memref<624x128xf32, #tpu.memory_space<hbm>>
      %dma_wait3A_138 = arith.constant 0 : i32
      %dma_wait3A_139 = tpu.memref_slice %arg19[%mul3A_122, %dma_wait3A_138] : memref<10000x128xf32, #tpu.memory_space<vmem_shared>> -> memref<624x128xf32, #tpu.memory_space<vmem_shared>>
      tpu.wait_dma2 semaphore(%run_scoped3A : memref<!tpu.dma_semaphore, #tpu.memory_space<semaphore_mem>>) src(%dma_wait3A_139 : memref<624x128xf32, #tpu.memory_space<vmem_shared>>) dst(%dma_wait3A_137 : memref<624x128xf32, #tpu.memory_space<hbm>>)
      tpu.yield
    }) : () -> ()
    %eq3A_125 = arith.constant 15 : i32
    %eq3A_126 = arith.cmpi eq, %arg1, %eq3A_125 : i32
    %convert_element_type3A_127 = arith.extui %eq3A_126 : i1 to i32
    %cond3A_128 = arith.constant 0 : i32
    %cond3A_129 = arith.cmpi ne, %convert_element_type3A_127, %cond3A_128 : i32
    scf.if %cond3A_129 {
      "tpu.region"() ({
        %run_scoped3A = tpu.sem_alloc : memref<!tpu.dma_semaphore, #tpu.memory_space<semaphore_mem>>
        %dma_start3A_130 = arith.constant 9984 : i32
        %dma_start3A_131 = arith.constant 0 : i32
        %dma_start3A_132 = tpu.memref_slice %arg6[%arg0, %dma_start3A_130, %dma_start3A_131] : memref<2x10000x128xf32, #tpu.memory_space<hbm>> -> memref<1x16x128xf32, #tpu.memory_space<hbm>>
        %dma_start3A_133 = tpu.memref_squeeze %dma_start3A_132 : memref<1x16x128xf32, #tpu.memory_space<hbm>> -> memref<16x128xf32, #tpu.memory_space<hbm>>
        %dma_start3A_134 = arith.constant 9984 : i32
        %dma_start3A_135 = arith.constant 0 : i32
        %dma_start3A_136 = tpu.memref_slice %arg19[%dma_start3A_134, %dma_start3A_135] : memref<10000x128xf32, #tpu.memory_space<vmem_shared>> -> memref<16x128xf32, #tpu.memory_space<vmem_shared>>
        tpu.enqueue_dma source(%dma_start3A_136 : memref<16x128xf32, #tpu.memory_space<vmem_shared>>) target(%dma_start3A_133 : memref<16x128xf32, #tpu.memory_space<hbm>>) target_semaphore(%run_scoped3A : memref<!tpu.dma_semaphore, #tpu.memory_space<semaphore_mem>>)
        %dma_wait3A_137 = arith.constant 9984 : i32
        %dma_wait3A_138 = arith.constant 0 : i32
        %dma_wait3A_139 = tpu.memref_slice %arg6[%arg0, %dma_wait3A_137, %dma_wait3A_138] : memref<2x10000x128xf32, #tpu.memory_space<hbm>> -> memref<1x16x128xf32, #tpu.memory_space<hbm>>
        %dma_wait3A_140 = tpu.memref_squeeze %dma_wait3A_139 : memref<1x16x128xf32, #tpu.memory_space<hbm>> -> memref<16x128xf32, #tpu.memory_space<hbm>>
        %dma_wait3A_141 = arith.constant 9984 : i32
        %dma_wait3A_142 = arith.constant 0 : i32
        %dma_wait3A_143 = tpu.memref_slice %arg19[%dma_wait3A_141, %dma_wait3A_142] : memref<10000x128xf32, #tpu.memory_space<vmem_shared>> -> memref<16x128xf32, #tpu.memory_space<vmem_shared>>
        tpu.wait_dma2 semaphore(%run_scoped3A : memref<!tpu.dma_semaphore, #tpu.memory_space<semaphore_mem>>) src(%dma_wait3A_143 : memref<16x128xf32, #tpu.memory_space<vmem_shared>>) dst(%dma_wait3A_140 : memref<16x128xf32, #tpu.memory_space<hbm>>)
        tpu.yield
      }) : () -> ()
    } else {
    }
    return
  }
}

#map = affine_map<(d0, d1) -> (0, 0)>
#map1 = affine_map<(d0, d1) -> (0)>
#map2 = affine_map<(d0, d1) -> (0, 0, 0)>
module attributes {stable_mosaic.version = 14 : i64} {
  func.func @agg_kernel(%arg0: i32, %arg1: i32, %arg2: memref<10000x128xf32, #tpu.memory_space<hbm>>, %arg3: memref<320000xi32, #tpu.memory_space<hbm>>, %arg4: memref<320000xi32, #tpu.memory_space<hbm>>, %arg5: memref<624x128xf32, #tpu.memory_space<hbm>>, %arg6: memref<2x10000x128xf32, #tpu.memory_space<hbm>>, %arg7: memref<80xi32, #tpu.memory_space<vmem>>, %arg8: memref<80xi32, #tpu.memory_space<vmem>>, %arg9: memref<80xi32, #tpu.memory_space<vmem>>, %arg10: memref<80xi32, #tpu.memory_space<vmem>>, %arg11: memref<80xi32, #tpu.memory_space<vmem>>, %arg12: memref<80xi32, #tpu.memory_space<vmem>>, %arg13: memref<80xi32, #tpu.memory_space<vmem>>, %arg14: memref<80xi32, #tpu.memory_space<vmem>>, %arg15: memref<80x128xf32, #tpu.memory_space<vmem>>, %arg16: memref<80x128xf32, #tpu.memory_space<vmem>>, %arg17: memref<80x128xf32, #tpu.memory_space<vmem>>, %arg18: memref<80x128xf32, #tpu.memory_space<vmem>>, %arg19: memref<10000x128xf32, #tpu.memory_space<vmem_shared>>, %arg20: memref<!tpu.dma_semaphore, #tpu.memory_space<semaphore_mem>>, %arg21: memref<!tpu.dma_semaphore, #tpu.memory_space<semaphore_mem>>, %arg22: memref<!tpu.dma_semaphore, #tpu.memory_space<semaphore_mem>>, %arg23: memref<!tpu.dma_semaphore, #tpu.memory_space<semaphore_mem>>, %arg24: memref<!tpu.dma_semaphore, #tpu.memory_space<semaphore_mem>>, %arg25: memref<!tpu.dma_semaphore, #tpu.memory_space<semaphore_mem>>, %arg26: memref<!tpu.dma_semaphore, #tpu.memory_space<semaphore_mem>>, %arg27: memref<!tpu.dma_semaphore, #tpu.memory_space<semaphore_mem>>, %arg28: memref<!tpu.dma_semaphore, #tpu.memory_space<semaphore_mem>>, %arg29: memref<!tpu.dma_semaphore, #tpu.memory_space<semaphore_mem>>, %arg30: memref<!tpu.dma_semaphore, #tpu.memory_space<semaphore_mem>>, %arg31: memref<!tpu.dma_semaphore, #tpu.memory_space<semaphore_mem>>) attributes {dimension_semantics = [#tpu.dimension_semantics<core_parallel>, #tpu.dimension_semantics<subcore_parallel>], iteration_bounds = array<i64: 2, 16>, scalar_prefetch = 0 : i64, scratch_operands = 25 : i64, tpu.core_type = #tpu.core_type<sc_vector_subcore>, window_params = [{transform_indices = #map}, {transform_indices = #map1}, {transform_indices = #map1}, {transform_indices = #map}, {transform_indices = #map2}]} {
    %mul3A = arith.constant 2 : i32
    %mul3A_0 = arith.muli %arg1, %mul3A : i32
    %add3A = arith.addi %mul3A_0, %arg0 : i32
    %mul3A_1 = arith.constant 624 : i32
    %mul3A_2 = arith.muli %arg1, %mul3A_1 : i32
    "tpu.region"() ({
      %run_scoped3A = tpu.sem_alloc : memref<!tpu.dma_semaphore, #tpu.memory_space<semaphore_mem>>
      %dma_start3A_130 = arith.constant 0 : i32
      %dma_start3A_131 = tpu.memref_slice %arg19[%mul3A_2, %dma_start3A_130] : memref<10000x128xf32, #tpu.memory_space<vmem_shared>> -> memref<624x128xf32, #tpu.memory_space<vmem_shared>>
      %dma_start3A_132 = arith.constant 0 : i32
      %dma_start3A_133 = arith.constant 0 : i32
      %dma_start3A_134 = tpu.memref_slice %arg5[%dma_start3A_132, %dma_start3A_133] : memref<624x128xf32, #tpu.memory_space<hbm>> -> memref<624x128xf32, #tpu.memory_space<hbm>>
      tpu.enqueue_dma source(%dma_start3A_134 : memref<624x128xf32, #tpu.memory_space<hbm>>) target(%dma_start3A_131 : memref<624x128xf32, #tpu.memory_space<vmem_shared>>) target_semaphore(%run_scoped3A : memref<!tpu.dma_semaphore, #tpu.memory_space<semaphore_mem>>)
      %dma_wait3A_135 = arith.constant 0 : i32
      %dma_wait3A_136 = tpu.memref_slice %arg19[%mul3A_2, %dma_wait3A_135] : memref<10000x128xf32, #tpu.memory_space<vmem_shared>> -> memref<624x128xf32, #tpu.memory_space<vmem_shared>>
      %dma_wait3A_137 = arith.constant 0 : i32
      %dma_wait3A_138 = arith.constant 0 : i32
      %dma_wait3A_139 = tpu.memref_slice %arg5[%dma_wait3A_137, %dma_wait3A_138] : memref<624x128xf32, #tpu.memory_space<hbm>> -> memref<624x128xf32, #tpu.memory_space<hbm>>
      tpu.wait_dma2 semaphore(%run_scoped3A : memref<!tpu.dma_semaphore, #tpu.memory_space<semaphore_mem>>) src(%dma_wait3A_139 : memref<624x128xf32, #tpu.memory_space<hbm>>) dst(%dma_wait3A_136 : memref<624x128xf32, #tpu.memory_space<vmem_shared>>)
      tpu.yield
    }) : () -> ()
    %eq3A = arith.constant 15 : i32
    %eq3A_3 = arith.cmpi eq, %arg1, %eq3A : i32
    %convert_element_type3A = arith.extui %eq3A_3 : i1 to i32
    %cond3A = arith.constant 0 : i32
    %cond3A_4 = arith.cmpi ne, %convert_element_type3A, %cond3A : i32
    scf.if %cond3A_4 {
      "tpu.region"() ({
        %run_scoped3A = tpu.sem_alloc : memref<!tpu.dma_semaphore, #tpu.memory_space<semaphore_mem>>
        %dma_start3A_130 = arith.constant 9984 : i32
        %dma_start3A_131 = arith.constant 0 : i32
        %dma_start3A_132 = tpu.memref_slice %arg19[%dma_start3A_130, %dma_start3A_131] : memref<10000x128xf32, #tpu.memory_space<vmem_shared>> -> memref<16x128xf32, #tpu.memory_space<vmem_shared>>
        %dma_start3A_133 = arith.constant 0 : i32
        %dma_start3A_134 = arith.constant 0 : i32
        %dma_start3A_135 = tpu.memref_slice %arg5[%dma_start3A_133, %dma_start3A_134] : memref<624x128xf32, #tpu.memory_space<hbm>> -> memref<16x128xf32, #tpu.memory_space<hbm>>
        tpu.enqueue_dma source(%dma_start3A_135 : memref<16x128xf32, #tpu.memory_space<hbm>>) target(%dma_start3A_132 : memref<16x128xf32, #tpu.memory_space<vmem_shared>>) target_semaphore(%run_scoped3A : memref<!tpu.dma_semaphore, #tpu.memory_space<semaphore_mem>>)
        %dma_wait3A_136 = arith.constant 9984 : i32
        %dma_wait3A_137 = arith.constant 0 : i32
        %dma_wait3A_138 = tpu.memref_slice %arg19[%dma_wait3A_136, %dma_wait3A_137] : memref<10000x128xf32, #tpu.memory_space<vmem_shared>> -> memref<16x128xf32, #tpu.memory_space<vmem_shared>>
        %dma_wait3A_139 = arith.constant 0 : i32
        %dma_wait3A_140 = arith.constant 0 : i32
        %dma_wait3A_141 = tpu.memref_slice %arg5[%dma_wait3A_139, %dma_wait3A_140] : memref<624x128xf32, #tpu.memory_space<hbm>> -> memref<16x128xf32, #tpu.memory_space<hbm>>
        tpu.wait_dma2 semaphore(%run_scoped3A : memref<!tpu.dma_semaphore, #tpu.memory_space<semaphore_mem>>) src(%dma_wait3A_141 : memref<16x128xf32, #tpu.memory_space<hbm>>) dst(%dma_wait3A_138 : memref<16x128xf32, #tpu.memory_space<vmem_shared>>)
        tpu.yield
      }) : () -> ()
    } else {
    }
    %barrier3A = arith.constant 0 : index
    tpu.barrier barrier_id(%barrier3A)
    %mul3A_5 = arith.constant 10000 : i32
    %mul3A_6 = arith.muli %add3A, %mul3A_5 : i32
    %add3A_7 = arith.constant 0 : i32
    %add3A_8 = arith.addi %mul3A_6, %add3A_7 : i32
    "tpu.region"() ({
      %run_scoped3A = tpu.sem_alloc : memref<!tpu.dma_semaphore, #tpu.memory_space<semaphore_mem>>
      %dma_start3A_130 = tpu.memref_slice %arg3[%add3A_8] : memref<320000xi32, #tpu.memory_space<hbm>> -> memref<80xi32, #tpu.memory_space<hbm>>
      %dma_start3A_131 = tpu.memref_slice %arg3[%add3A_8] : memref<320000xi32, #tpu.memory_space<hbm>> -> memref<80xi32, #tpu.memory_space<hbm>>
      tpu.enqueue_dma source(%dma_start3A_131 : memref<80xi32, #tpu.memory_space<hbm>>) target(%arg7 : memref<80xi32, #tpu.memory_space<vmem>>) target_semaphore(%run_scoped3A : memref<!tpu.dma_semaphore, #tpu.memory_space<semaphore_mem>>)
      %dma_wait3A_132 = tpu.memref_slice %arg3[%add3A_8] : memref<320000xi32, #tpu.memory_space<hbm>> -> memref<80xi32, #tpu.memory_space<hbm>>
      %dma_wait3A_133 = tpu.memref_slice %arg3[%add3A_8] : memref<320000xi32, #tpu.memory_space<hbm>> -> memref<80xi32, #tpu.memory_space<hbm>>
      tpu.wait_dma2 semaphore(%run_scoped3A : memref<!tpu.dma_semaphore, #tpu.memory_space<semaphore_mem>>) src(%dma_wait3A_133 : memref<80xi32, #tpu.memory_space<hbm>>) dst(%arg7 : memref<80xi32, #tpu.memory_space<vmem>>)
      tpu.yield
    }) : () -> ()
    %add3A_9 = arith.constant 0 : i32
    %add3A_10 = arith.addi %mul3A_6, %add3A_9 : i32
    "tpu.region"() ({
      %run_scoped3A = tpu.sem_alloc : memref<!tpu.dma_semaphore, #tpu.memory_space<semaphore_mem>>
      %dma_start3A_130 = tpu.memref_slice %arg4[%add3A_10] : memref<320000xi32, #tpu.memory_space<hbm>> -> memref<80xi32, #tpu.memory_space<hbm>>
      %dma_start3A_131 = tpu.memref_slice %arg4[%add3A_10] : memref<320000xi32, #tpu.memory_space<hbm>> -> memref<80xi32, #tpu.memory_space<hbm>>
      tpu.enqueue_dma source(%dma_start3A_131 : memref<80xi32, #tpu.memory_space<hbm>>) target(%arg8 : memref<80xi32, #tpu.memory_space<vmem>>) target_semaphore(%run_scoped3A : memref<!tpu.dma_semaphore, #tpu.memory_space<semaphore_mem>>)
      %dma_wait3A_132 = tpu.memref_slice %arg4[%add3A_10] : memref<320000xi32, #tpu.memory_space<hbm>> -> memref<80xi32, #tpu.memory_space<hbm>>
      %dma_wait3A_133 = tpu.memref_slice %arg4[%add3A_10] : memref<320000xi32, #tpu.memory_space<hbm>> -> memref<80xi32, #tpu.memory_space<hbm>>
      tpu.wait_dma2 semaphore(%run_scoped3A : memref<!tpu.dma_semaphore, #tpu.memory_space<semaphore_mem>>) src(%dma_wait3A_133 : memref<80xi32, #tpu.memory_space<hbm>>) dst(%arg8 : memref<80xi32, #tpu.memory_space<vmem>>)
      tpu.yield
    }) : () -> ()
    %dma_start3A = arith.constant 0 : i32
    %dma_start3A_11 = arith.constant 0 : i32
    %dma_start3A_12 = tpu.memref_slice %arg2[%dma_start3A, %dma_start3A_11] : memref<10000x128xf32, #tpu.memory_space<hbm>> -> memref<10000x128xf32, #tpu.memory_space<hbm>>
    tpu.enqueue_indirect_dma source(%dma_start3A_12 : memref<10000x128xf32, #tpu.memory_space<hbm>>) target(%arg15 : memref<80x128xf32, #tpu.memory_space<vmem>>) offsets(%arg7 : memref<80xi32, #tpu.memory_space<vmem>>) semaphore(%arg20 : memref<!tpu.dma_semaphore, #tpu.memory_space<semaphore_mem>>)
    %add3A_13 = arith.constant 80 : i32
    %add3A_14 = arith.addi %mul3A_6, %add3A_13 : i32
    "tpu.region"() ({
      %run_scoped3A = tpu.sem_alloc : memref<!tpu.dma_semaphore, #tpu.memory_space<semaphore_mem>>
      %dma_start3A_130 = tpu.memref_slice %arg3[%add3A_14] : memref<320000xi32, #tpu.memory_space<hbm>> -> memref<80xi32, #tpu.memory_space<hbm>>
      %dma_start3A_131 = tpu.memref_slice %arg3[%add3A_14] : memref<320000xi32, #tpu.memory_space<hbm>> -> memref<80xi32, #tpu.memory_space<hbm>>
      tpu.enqueue_dma source(%dma_start3A_131 : memref<80xi32, #tpu.memory_space<hbm>>) target(%arg9 : memref<80xi32, #tpu.memory_space<vmem>>) target_semaphore(%run_scoped3A : memref<!tpu.dma_semaphore, #tpu.memory_space<semaphore_mem>>)
      %dma_wait3A_132 = tpu.memref_slice %arg3[%add3A_14] : memref<320000xi32, #tpu.memory_space<hbm>> -> memref<80xi32, #tpu.memory_space<hbm>>
      %dma_wait3A_133 = tpu.memref_slice %arg3[%add3A_14] : memref<320000xi32, #tpu.memory_space<hbm>> -> memref<80xi32, #tpu.memory_space<hbm>>
      tpu.wait_dma2 semaphore(%run_scoped3A : memref<!tpu.dma_semaphore, #tpu.memory_space<semaphore_mem>>) src(%dma_wait3A_133 : memref<80xi32, #tpu.memory_space<hbm>>) dst(%arg9 : memref<80xi32, #tpu.memory_space<vmem>>)
      tpu.yield
    }) : () -> ()
    %add3A_15 = arith.constant 80 : i32
    %add3A_16 = arith.addi %mul3A_6, %add3A_15 : i32
    "tpu.region"() ({
      %run_scoped3A = tpu.sem_alloc : memref<!tpu.dma_semaphore, #tpu.memory_space<semaphore_mem>>
      %dma_start3A_130 = tpu.memref_slice %arg4[%add3A_16] : memref<320000xi32, #tpu.memory_space<hbm>> -> memref<80xi32, #tpu.memory_space<hbm>>
      %dma_start3A_131 = tpu.memref_slice %arg4[%add3A_16] : memref<320000xi32, #tpu.memory_space<hbm>> -> memref<80xi32, #tpu.memory_space<hbm>>
      tpu.enqueue_dma source(%dma_start3A_131 : memref<80xi32, #tpu.memory_space<hbm>>) target(%arg10 : memref<80xi32, #tpu.memory_space<vmem>>) target_semaphore(%run_scoped3A : memref<!tpu.dma_semaphore, #tpu.memory_space<semaphore_mem>>)
      %dma_wait3A_132 = tpu.memref_slice %arg4[%add3A_16] : memref<320000xi32, #tpu.memory_space<hbm>> -> memref<80xi32, #tpu.memory_space<hbm>>
      %dma_wait3A_133 = tpu.memref_slice %arg4[%add3A_16] : memref<320000xi32, #tpu.memory_space<hbm>> -> memref<80xi32, #tpu.memory_space<hbm>>
      tpu.wait_dma2 semaphore(%run_scoped3A : memref<!tpu.dma_semaphore, #tpu.memory_space<semaphore_mem>>) src(%dma_wait3A_133 : memref<80xi32, #tpu.memory_space<hbm>>) dst(%arg10 : memref<80xi32, #tpu.memory_space<vmem>>)
      tpu.yield
    }) : () -> ()
    %dma_start3A_17 = arith.constant 0 : i32
    %dma_start3A_18 = arith.constant 0 : i32
    %dma_start3A_19 = tpu.memref_slice %arg2[%dma_start3A_17, %dma_start3A_18] : memref<10000x128xf32, #tpu.memory_space<hbm>> -> memref<10000x128xf32, #tpu.memory_space<hbm>>
    tpu.enqueue_indirect_dma source(%dma_start3A_19 : memref<10000x128xf32, #tpu.memory_space<hbm>>) target(%arg16 : memref<80x128xf32, #tpu.memory_space<vmem>>) offsets(%arg9 : memref<80xi32, #tpu.memory_space<vmem>>) semaphore(%arg21 : memref<!tpu.dma_semaphore, #tpu.memory_space<semaphore_mem>>)
    %add3A_20 = arith.constant 160 : i32
    %add3A_21 = arith.addi %mul3A_6, %add3A_20 : i32
    "tpu.region"() ({
      %run_scoped3A = tpu.sem_alloc : memref<!tpu.dma_semaphore, #tpu.memory_space<semaphore_mem>>
      %dma_start3A_130 = tpu.memref_slice %arg3[%add3A_21] : memref<320000xi32, #tpu.memory_space<hbm>> -> memref<80xi32, #tpu.memory_space<hbm>>
      %dma_start3A_131 = tpu.memref_slice %arg3[%add3A_21] : memref<320000xi32, #tpu.memory_space<hbm>> -> memref<80xi32, #tpu.memory_space<hbm>>
      tpu.enqueue_dma source(%dma_start3A_131 : memref<80xi32, #tpu.memory_space<hbm>>) target(%arg11 : memref<80xi32, #tpu.memory_space<vmem>>) target_semaphore(%run_scoped3A : memref<!tpu.dma_semaphore, #tpu.memory_space<semaphore_mem>>)
      %dma_wait3A_132 = tpu.memref_slice %arg3[%add3A_21] : memref<320000xi32, #tpu.memory_space<hbm>> -> memref<80xi32, #tpu.memory_space<hbm>>
      %dma_wait3A_133 = tpu.memref_slice %arg3[%add3A_21] : memref<320000xi32, #tpu.memory_space<hbm>> -> memref<80xi32, #tpu.memory_space<hbm>>
      tpu.wait_dma2 semaphore(%run_scoped3A : memref<!tpu.dma_semaphore, #tpu.memory_space<semaphore_mem>>) src(%dma_wait3A_133 : memref<80xi32, #tpu.memory_space<hbm>>) dst(%arg11 : memref<80xi32, #tpu.memory_space<vmem>>)
      tpu.yield
    }) : () -> ()
    %add3A_22 = arith.constant 160 : i32
    %add3A_23 = arith.addi %mul3A_6, %add3A_22 : i32
    "tpu.region"() ({
      %run_scoped3A = tpu.sem_alloc : memref<!tpu.dma_semaphore, #tpu.memory_space<semaphore_mem>>
      %dma_start3A_130 = tpu.memref_slice %arg4[%add3A_23] : memref<320000xi32, #tpu.memory_space<hbm>> -> memref<80xi32, #tpu.memory_space<hbm>>
      %dma_start3A_131 = tpu.memref_slice %arg4[%add3A_23] : memref<320000xi32, #tpu.memory_space<hbm>> -> memref<80xi32, #tpu.memory_space<hbm>>
      tpu.enqueue_dma source(%dma_start3A_131 : memref<80xi32, #tpu.memory_space<hbm>>) target(%arg12 : memref<80xi32, #tpu.memory_space<vmem>>) target_semaphore(%run_scoped3A : memref<!tpu.dma_semaphore, #tpu.memory_space<semaphore_mem>>)
      %dma_wait3A_132 = tpu.memref_slice %arg4[%add3A_23] : memref<320000xi32, #tpu.memory_space<hbm>> -> memref<80xi32, #tpu.memory_space<hbm>>
      %dma_wait3A_133 = tpu.memref_slice %arg4[%add3A_23] : memref<320000xi32, #tpu.memory_space<hbm>> -> memref<80xi32, #tpu.memory_space<hbm>>
      tpu.wait_dma2 semaphore(%run_scoped3A : memref<!tpu.dma_semaphore, #tpu.memory_space<semaphore_mem>>) src(%dma_wait3A_133 : memref<80xi32, #tpu.memory_space<hbm>>) dst(%arg12 : memref<80xi32, #tpu.memory_space<vmem>>)
      tpu.yield
    }) : () -> ()
    %dma_start3A_24 = arith.constant 0 : i32
    %dma_start3A_25 = arith.constant 0 : i32
    %dma_start3A_26 = tpu.memref_slice %arg2[%dma_start3A_24, %dma_start3A_25] : memref<10000x128xf32, #tpu.memory_space<hbm>> -> memref<10000x128xf32, #tpu.memory_space<hbm>>
    tpu.enqueue_indirect_dma source(%dma_start3A_26 : memref<10000x128xf32, #tpu.memory_space<hbm>>) target(%arg17 : memref<80x128xf32, #tpu.memory_space<vmem>>) offsets(%arg11 : memref<80xi32, #tpu.memory_space<vmem>>) semaphore(%arg22 : memref<!tpu.dma_semaphore, #tpu.memory_space<semaphore_mem>>)
    %add3A_27 = arith.constant 240 : i32
    %add3A_28 = arith.addi %mul3A_6, %add3A_27 : i32
    "tpu.region"() ({
      %run_scoped3A = tpu.sem_alloc : memref<!tpu.dma_semaphore, #tpu.memory_space<semaphore_mem>>
      %dma_start3A_130 = tpu.memref_slice %arg3[%add3A_28] : memref<320000xi32, #tpu.memory_space<hbm>> -> memref<80xi32, #tpu.memory_space<hbm>>
      %dma_start3A_131 = tpu.memref_slice %arg3[%add3A_28] : memref<320000xi32, #tpu.memory_space<hbm>> -> memref<80xi32, #tpu.memory_space<hbm>>
      tpu.enqueue_dma source(%dma_start3A_131 : memref<80xi32, #tpu.memory_space<hbm>>) target(%arg13 : memref<80xi32, #tpu.memory_space<vmem>>) target_semaphore(%run_scoped3A : memref<!tpu.dma_semaphore, #tpu.memory_space<semaphore_mem>>)
      %dma_wait3A_132 = tpu.memref_slice %arg3[%add3A_28] : memref<320000xi32, #tpu.memory_space<hbm>> -> memref<80xi32, #tpu.memory_space<hbm>>
      %dma_wait3A_133 = tpu.memref_slice %arg3[%add3A_28] : memref<320000xi32, #tpu.memory_space<hbm>> -> memref<80xi32, #tpu.memory_space<hbm>>
      tpu.wait_dma2 semaphore(%run_scoped3A : memref<!tpu.dma_semaphore, #tpu.memory_space<semaphore_mem>>) src(%dma_wait3A_133 : memref<80xi32, #tpu.memory_space<hbm>>) dst(%arg13 : memref<80xi32, #tpu.memory_space<vmem>>)
      tpu.yield
    }) : () -> ()
    %add3A_29 = arith.constant 240 : i32
    %add3A_30 = arith.addi %mul3A_6, %add3A_29 : i32
    "tpu.region"() ({
      %run_scoped3A = tpu.sem_alloc : memref<!tpu.dma_semaphore, #tpu.memory_space<semaphore_mem>>
      %dma_start3A_130 = tpu.memref_slice %arg4[%add3A_30] : memref<320000xi32, #tpu.memory_space<hbm>> -> memref<80xi32, #tpu.memory_space<hbm>>
      %dma_start3A_131 = tpu.memref_slice %arg4[%add3A_30] : memref<320000xi32, #tpu.memory_space<hbm>> -> memref<80xi32, #tpu.memory_space<hbm>>
      tpu.enqueue_dma source(%dma_start3A_131 : memref<80xi32, #tpu.memory_space<hbm>>) target(%arg14 : memref<80xi32, #tpu.memory_space<vmem>>) target_semaphore(%run_scoped3A : memref<!tpu.dma_semaphore, #tpu.memory_space<semaphore_mem>>)
      %dma_wait3A_132 = tpu.memref_slice %arg4[%add3A_30] : memref<320000xi32, #tpu.memory_space<hbm>> -> memref<80xi32, #tpu.memory_space<hbm>>
      %dma_wait3A_133 = tpu.memref_slice %arg4[%add3A_30] : memref<320000xi32, #tpu.memory_space<hbm>> -> memref<80xi32, #tpu.memory_space<hbm>>
      tpu.wait_dma2 semaphore(%run_scoped3A : memref<!tpu.dma_semaphore, #tpu.memory_space<semaphore_mem>>) src(%dma_wait3A_133 : memref<80xi32, #tpu.memory_space<hbm>>) dst(%arg14 : memref<80xi32, #tpu.memory_space<vmem>>)
      tpu.yield
    }) : () -> ()
    %dma_start3A_31 = arith.constant 0 : i32
    %dma_start3A_32 = arith.constant 0 : i32
    %dma_start3A_33 = tpu.memref_slice %arg2[%dma_start3A_31, %dma_start3A_32] : memref<10000x128xf32, #tpu.memory_space<hbm>> -> memref<10000x128xf32, #tpu.memory_space<hbm>>
    tpu.enqueue_indirect_dma source(%dma_start3A_33 : memref<10000x128xf32, #tpu.memory_space<hbm>>) target(%arg18 : memref<80x128xf32, #tpu.memory_space<vmem>>) offsets(%arg13 : memref<80xi32, #tpu.memory_space<vmem>>) semaphore(%arg23 : memref<!tpu.dma_semaphore, #tpu.memory_space<semaphore_mem>>)
    %scan3A = arith.constant 0 : i32
    %scan3A_34 = arith.constant 0 : i32
    %scan3A_35 = arith.constant 30 : i32
    %scan3A_36 = arith.addi %scan3A_34, %scan3A_35 : i32
    %scan3A_37 = arith.constant 1 : i32
    scf.for %scan3A_130 = %scan3A_34 to %scan3A_36 step %scan3A_37  : i32 {
      %mul3A_131 = arith.constant 4 : i32
      %mul3A_132 = arith.muli %mul3A_131, %scan3A_130 : i32
      %dma_wait3A_133 = arith.constant 0 : i32
      %dma_wait3A_134 = arith.constant 0 : i32
      %dma_wait3A_135 = tpu.memref_slice %arg2[%dma_wait3A_133, %dma_wait3A_134] : memref<10000x128xf32, #tpu.memory_space<hbm>> -> memref<80x128xf32, #tpu.memory_space<hbm>>
      %dma_wait3A_136 = arith.constant 0 : i32
      %dma_wait3A_137 = arith.constant 0 : i32
      %dma_wait3A_138 = tpu.memref_slice %arg2[%dma_wait3A_136, %dma_wait3A_137] : memref<10000x128xf32, #tpu.memory_space<hbm>> -> memref<80x128xf32, #tpu.memory_space<hbm>>
      tpu.wait_dma2 semaphore(%arg20 : memref<!tpu.dma_semaphore, #tpu.memory_space<semaphore_mem>>) src(%dma_wait3A_138 : memref<80x128xf32, #tpu.memory_space<hbm>>) dst(%arg15 : memref<80x128xf32, #tpu.memory_space<vmem>>)
      %dma_start3A_139 = arith.constant 0 : i32
      %dma_start3A_140 = arith.constant 0 : i32
      %dma_start3A_141 = tpu.memref_slice %arg19[%dma_start3A_139, %dma_start3A_140] : memref<10000x128xf32, #tpu.memory_space<vmem_shared>> -> memref<10000x128xf32, #tpu.memory_space<vmem_shared>>
      tpu.enqueue_indirect_dma source(%arg15 : memref<80x128xf32, #tpu.memory_space<vmem>>) target(%dma_start3A_141 : memref<10000x128xf32, #tpu.memory_space<vmem_shared>>) offsets(%arg8 : memref<80xi32, #tpu.memory_space<vmem>>) semaphore(%arg24 : memref<!tpu.dma_semaphore, #tpu.memory_space<semaphore_mem>>) {add = true}
      %dma_wait3A_142 = arith.constant 0 : i32
      %dma_wait3A_143 = arith.constant 0 : i32
      %dma_wait3A_144 = tpu.memref_slice %arg2[%dma_wait3A_142, %dma_wait3A_143] : memref<10000x128xf32, #tpu.memory_space<hbm>> -> memref<80x128xf32, #tpu.memory_space<hbm>>
      %dma_wait3A_145 = arith.constant 0 : i32
      %dma_wait3A_146 = arith.constant 0 : i32
      %dma_wait3A_147 = tpu.memref_slice %arg2[%dma_wait3A_145, %dma_wait3A_146] : memref<10000x128xf32, #tpu.memory_space<hbm>> -> memref<80x128xf32, #tpu.memory_space<hbm>>
      tpu.wait_dma2 semaphore(%arg21 : memref<!tpu.dma_semaphore, #tpu.memory_space<semaphore_mem>>) src(%dma_wait3A_147 : memref<80x128xf32, #tpu.memory_space<hbm>>) dst(%arg16 : memref<80x128xf32, #tpu.memory_space<vmem>>)
      %dma_start3A_148 = arith.constant 0 : i32
      %dma_start3A_149 = arith.constant 0 : i32
      %dma_start3A_150 = tpu.memref_slice %arg19[%dma_start3A_148, %dma_start3A_149] : memref<10000x128xf32, #tpu.memory_space<vmem_shared>> -> memref<10000x128xf32, #tpu.memory_space<vmem_shared>>
      tpu.enqueue_indirect_dma source(%arg16 : memref<80x128xf32, #tpu.memory_space<vmem>>) target(%dma_start3A_150 : memref<10000x128xf32, #tpu.memory_space<vmem_shared>>) offsets(%arg10 : memref<80xi32, #tpu.memory_space<vmem>>) semaphore(%arg25 : memref<!tpu.dma_semaphore, #tpu.memory_space<semaphore_mem>>) {add = true}
      %dma_wait3A_151 = arith.constant 0 : i32
      %dma_wait3A_152 = arith.constant 0 : i32
      %dma_wait3A_153 = tpu.memref_slice %arg2[%dma_wait3A_151, %dma_wait3A_152] : memref<10000x128xf32, #tpu.memory_space<hbm>> -> memref<80x128xf32, #tpu.memory_space<hbm>>
      %dma_wait3A_154 = arith.constant 0 : i32
      %dma_wait3A_155 = arith.constant 0 : i32
      %dma_wait3A_156 = tpu.memref_slice %arg2[%dma_wait3A_154, %dma_wait3A_155] : memref<10000x128xf32, #tpu.memory_space<hbm>> -> memref<80x128xf32, #tpu.memory_space<hbm>>
      tpu.wait_dma2 semaphore(%arg22 : memref<!tpu.dma_semaphore, #tpu.memory_space<semaphore_mem>>) src(%dma_wait3A_156 : memref<80x128xf32, #tpu.memory_space<hbm>>) dst(%arg17 : memref<80x128xf32, #tpu.memory_space<vmem>>)
      %dma_start3A_157 = arith.constant 0 : i32
      %dma_start3A_158 = arith.constant 0 : i32
      %dma_start3A_159 = tpu.memref_slice %arg19[%dma_start3A_157, %dma_start3A_158] : memref<10000x128xf32, #tpu.memory_space<vmem_shared>> -> memref<10000x128xf32, #tpu.memory_space<vmem_shared>>
      tpu.enqueue_indirect_dma source(%arg17 : memref<80x128xf32, #tpu.memory_space<vmem>>) target(%dma_start3A_159 : memref<10000x128xf32, #tpu.memory_space<vmem_shared>>) offsets(%arg12 : memref<80xi32, #tpu.memory_space<vmem>>) semaphore(%arg26 : memref<!tpu.dma_semaphore, #tpu.memory_space<semaphore_mem>>) {add = true}
      %dma_wait3A_160 = arith.constant 0 : i32
      %dma_wait3A_161 = arith.constant 0 : i32
      %dma_wait3A_162 = tpu.memref_slice %arg2[%dma_wait3A_160, %dma_wait3A_161] : memref<10000x128xf32, #tpu.memory_space<hbm>> -> memref<80x128xf32, #tpu.memory_space<hbm>>
      %dma_wait3A_163 = arith.constant 0 : i32
      %dma_wait3A_164 = arith.constant 0 : i32
      %dma_wait3A_165 = tpu.memref_slice %arg2[%dma_wait3A_163, %dma_wait3A_164] : memref<10000x128xf32, #tpu.memory_space<hbm>> -> memref<80x128xf32, #tpu.memory_space<hbm>>
      tpu.wait_dma2 semaphore(%arg23 : memref<!tpu.dma_semaphore, #tpu.memory_space<semaphore_mem>>) src(%dma_wait3A_165 : memref<80x128xf32, #tpu.memory_space<hbm>>) dst(%arg18 : memref<80x128xf32, #tpu.memory_space<vmem>>)
      %dma_start3A_166 = arith.constant 0 : i32
      %dma_start3A_167 = arith.constant 0 : i32
      %dma_start3A_168 = tpu.memref_slice %arg19[%dma_start3A_166, %dma_start3A_167] : memref<10000x128xf32, #tpu.memory_space<vmem_shared>> -> memref<10000x128xf32, #tpu.memory_space<vmem_shared>>
      tpu.enqueue_indirect_dma source(%arg18 : memref<80x128xf32, #tpu.memory_space<vmem>>) target(%dma_start3A_168 : memref<10000x128xf32, #tpu.memory_space<vmem_shared>>) offsets(%arg14 : memref<80xi32, #tpu.memory_space<vmem>>) semaphore(%arg27 : memref<!tpu.dma_semaphore, #tpu.memory_space<semaphore_mem>>) {add = true}
      %dma_wait3A_169 = arith.constant 0 : i32
      %dma_wait3A_170 = arith.constant 0 : i32
      %dma_wait3A_171 = tpu.memref_slice %arg2[%dma_wait3A_169, %dma_wait3A_170] : memref<10000x128xf32, #tpu.memory_space<hbm>> -> memref<80x128xf32, #tpu.memory_space<hbm>>
      %dma_wait3A_172 = arith.constant 0 : i32
      %dma_wait3A_173 = arith.constant 0 : i32
      %dma_wait3A_174 = tpu.memref_slice %arg2[%dma_wait3A_172, %dma_wait3A_173] : memref<10000x128xf32, #tpu.memory_space<hbm>> -> memref<80x128xf32, #tpu.memory_space<hbm>>
      tpu.wait_dma2 semaphore(%arg24 : memref<!tpu.dma_semaphore, #tpu.memory_space<semaphore_mem>>) src(%dma_wait3A_174 : memref<80x128xf32, #tpu.memory_space<hbm>>) dst(%arg15 : memref<80x128xf32, #tpu.memory_space<vmem>>)
      %add3A_175 = arith.constant 4 : i32
      %add3A_176 = arith.addi %mul3A_132, %add3A_175 : i32
      %add3A_177 = arith.constant 0 : i32
      %add3A_178 = arith.addi %add3A_176, %add3A_177 : i32
      %mul3A_179 = arith.constant 80 : i32
      %mul3A_180 = arith.muli %add3A_178, %mul3A_179 : i32
      %add3A_181 = arith.addi %mul3A_6, %mul3A_180 : i32
      %dma_start3A_182 = tpu.memref_slice %arg3[%add3A_181] : memref<320000xi32, #tpu.memory_space<hbm>> -> memref<80xi32, #tpu.memory_space<hbm>>
      %dma_start3A_183 = tpu.memref_slice %arg3[%add3A_181] : memref<320000xi32, #tpu.memory_space<hbm>> -> memref<80xi32, #tpu.memory_space<hbm>>
      tpu.enqueue_dma source(%dma_start3A_183 : memref<80xi32, #tpu.memory_space<hbm>>) target(%arg7 : memref<80xi32, #tpu.memory_space<vmem>>) target_semaphore(%arg28 : memref<!tpu.dma_semaphore, #tpu.memory_space<semaphore_mem>>)
      %dma_start3A_184 = tpu.memref_slice %arg4[%add3A_181] : memref<320000xi32, #tpu.memory_space<hbm>> -> memref<80xi32, #tpu.memory_space<hbm>>
      %dma_start3A_185 = tpu.memref_slice %arg4[%add3A_181] : memref<320000xi32, #tpu.memory_space<hbm>> -> memref<80xi32, #tpu.memory_space<hbm>>
      tpu.enqueue_dma source(%dma_start3A_185 : memref<80xi32, #tpu.memory_space<hbm>>) target(%arg8 : memref<80xi32, #tpu.memory_space<vmem>>) target_semaphore(%arg28 : memref<!tpu.dma_semaphore, #tpu.memory_space<semaphore_mem>>)
      %dma_wait3A_186 = arith.constant 0 : i32
      %dma_wait3A_187 = tpu.memref_slice %arg3[%dma_wait3A_186] : memref<320000xi32, #tpu.memory_space<hbm>> -> memref<80xi32, #tpu.memory_space<hbm>>
      %dma_wait3A_188 = arith.constant 0 : i32
      %dma_wait3A_189 = tpu.memref_slice %arg3[%dma_wait3A_188] : memref<320000xi32, #tpu.memory_space<hbm>> -> memref<80xi32, #tpu.memory_space<hbm>>
      tpu.wait_dma2 semaphore(%arg28 : memref<!tpu.dma_semaphore, #tpu.memory_space<semaphore_mem>>) src(%dma_wait3A_189 : memref<80xi32, #tpu.memory_space<hbm>>) dst(%arg7 : memref<80xi32, #tpu.memory_space<vmem>>)
      %dma_wait3A_190 = arith.constant 0 : i32
      %dma_wait3A_191 = tpu.memref_slice %arg3[%dma_wait3A_190] : memref<320000xi32, #tpu.memory_space<hbm>> -> memref<80xi32, #tpu.memory_space<hbm>>
      %dma_wait3A_192 = arith.constant 0 : i32
      %dma_wait3A_193 = tpu.memref_slice %arg3[%dma_wait3A_192] : memref<320000xi32, #tpu.memory_space<hbm>> -> memref<80xi32, #tpu.memory_space<hbm>>
      tpu.wait_dma2 semaphore(%arg28 : memref<!tpu.dma_semaphore, #tpu.memory_space<semaphore_mem>>) src(%dma_wait3A_193 : memref<80xi32, #tpu.memory_space<hbm>>) dst(%arg8 : memref<80xi32, #tpu.memory_space<vmem>>)
      %dma_start3A_194 = arith.constant 0 : i32
      %dma_start3A_195 = arith.constant 0 : i32
      %dma_start3A_196 = tpu.memref_slice %arg2[%dma_start3A_194, %dma_start3A_195] : memref<10000x128xf32, #tpu.memory_space<hbm>> -> memref<10000x128xf32, #tpu.memory_space<hbm>>
      tpu.enqueue_indirect_dma source(%dma_start3A_196 : memref<10000x128xf32, #tpu.memory_space<hbm>>) target(%arg15 : memref<80x128xf32, #tpu.memory_space<vmem>>) offsets(%arg7 : memref<80xi32, #tpu.memory_space<vmem>>) semaphore(%arg20 : memref<!tpu.dma_semaphore, #tpu.memory_space<semaphore_mem>>)
      %dma_wait3A_197 = arith.constant 0 : i32
      %dma_wait3A_198 = arith.constant 0 : i32
      %dma_wait3A_199 = tpu.memref_slice %arg2[%dma_wait3A_197, %dma_wait3A_198] : memref<10000x128xf32, #tpu.memory_space<hbm>> -> memref<80x128xf32, #tpu.memory_space<hbm>>
      %dma_wait3A_200 = arith.constant 0 : i32
      %dma_wait3A_201 = arith.constant 0 : i32
      %dma_wait3A_202 = tpu.memref_slice %arg2[%dma_wait3A_200, %dma_wait3A_201] : memref<10000x128xf32, #tpu.memory_space<hbm>> -> memref<80x128xf32, #tpu.memory_space<hbm>>
      tpu.wait_dma2 semaphore(%arg25 : memref<!tpu.dma_semaphore, #tpu.memory_space<semaphore_mem>>) src(%dma_wait3A_202 : memref<80x128xf32, #tpu.memory_space<hbm>>) dst(%arg16 : memref<80x128xf32, #tpu.memory_space<vmem>>)
      %add3A_203 = arith.constant 4 : i32
      %add3A_204 = arith.addi %mul3A_132, %add3A_203 : i32
      %add3A_205 = arith.constant 1 : i32
      %add3A_206 = arith.addi %add3A_204, %add3A_205 : i32
      %mul3A_207 = arith.constant 80 : i32
      %mul3A_208 = arith.muli %add3A_206, %mul3A_207 : i32
      %add3A_209 = arith.addi %mul3A_6, %mul3A_208 : i32
      %dma_start3A_210 = tpu.memref_slice %arg3[%add3A_209] : memref<320000xi32, #tpu.memory_space<hbm>> -> memref<80xi32, #tpu.memory_space<hbm>>
      %dma_start3A_211 = tpu.memref_slice %arg3[%add3A_209] : memref<320000xi32, #tpu.memory_space<hbm>> -> memref<80xi32, #tpu.memory_space<hbm>>
      tpu.enqueue_dma source(%dma_start3A_211 : memref<80xi32, #tpu.memory_space<hbm>>) target(%arg9 : memref<80xi32, #tpu.memory_space<vmem>>) target_semaphore(%arg29 : memref<!tpu.dma_semaphore, #tpu.memory_space<semaphore_mem>>)
      %dma_start3A_212 = tpu.memref_slice %arg4[%add3A_209] : memref<320000xi32, #tpu.memory_space<hbm>> -> memref<80xi32, #tpu.memory_space<hbm>>
      %dma_start3A_213 = tpu.memref_slice %arg4[%add3A_209] : memref<320000xi32, #tpu.memory_space<hbm>> -> memref<80xi32, #tpu.memory_space<hbm>>
      tpu.enqueue_dma source(%dma_start3A_213 : memref<80xi32, #tpu.memory_space<hbm>>) target(%arg10 : memref<80xi32, #tpu.memory_space<vmem>>) target_semaphore(%arg29 : memref<!tpu.dma_semaphore, #tpu.memory_space<semaphore_mem>>)
      %dma_wait3A_214 = arith.constant 0 : i32
      %dma_wait3A_215 = tpu.memref_slice %arg3[%dma_wait3A_214] : memref<320000xi32, #tpu.memory_space<hbm>> -> memref<80xi32, #tpu.memory_space<hbm>>
      %dma_wait3A_216 = arith.constant 0 : i32
      %dma_wait3A_217 = tpu.memref_slice %arg3[%dma_wait3A_216] : memref<320000xi32, #tpu.memory_space<hbm>> -> memref<80xi32, #tpu.memory_space<hbm>>
      tpu.wait_dma2 semaphore(%arg29 : memref<!tpu.dma_semaphore, #tpu.memory_space<semaphore_mem>>) src(%dma_wait3A_217 : memref<80xi32, #tpu.memory_space<hbm>>) dst(%arg9 : memref<80xi32, #tpu.memory_space<vmem>>)
      %dma_wait3A_218 = arith.constant 0 : i32
      %dma_wait3A_219 = tpu.memref_slice %arg3[%dma_wait3A_218] : memref<320000xi32, #tpu.memory_space<hbm>> -> memref<80xi32, #tpu.memory_space<hbm>>
      %dma_wait3A_220 = arith.constant 0 : i32
      %dma_wait3A_221 = tpu.memref_slice %arg3[%dma_wait3A_220] : memref<320000xi32, #tpu.memory_space<hbm>> -> memref<80xi32, #tpu.memory_space<hbm>>
      tpu.wait_dma2 semaphore(%arg29 : memref<!tpu.dma_semaphore, #tpu.memory_space<semaphore_mem>>) src(%dma_wait3A_221 : memref<80xi32, #tpu.memory_space<hbm>>) dst(%arg10 : memref<80xi32, #tpu.memory_space<vmem>>)
      %dma_start3A_222 = arith.constant 0 : i32
      %dma_start3A_223 = arith.constant 0 : i32
      %dma_start3A_224 = tpu.memref_slice %arg2[%dma_start3A_222, %dma_start3A_223] : memref<10000x128xf32, #tpu.memory_space<hbm>> -> memref<10000x128xf32, #tpu.memory_space<hbm>>
      tpu.enqueue_indirect_dma source(%dma_start3A_224 : memref<10000x128xf32, #tpu.memory_space<hbm>>) target(%arg16 : memref<80x128xf32, #tpu.memory_space<vmem>>) offsets(%arg9 : memref<80xi32, #tpu.memory_space<vmem>>) semaphore(%arg21 : memref<!tpu.dma_semaphore, #tpu.memory_space<semaphore_mem>>)
      %dma_wait3A_225 = arith.constant 0 : i32
      %dma_wait3A_226 = arith.constant 0 : i32
      %dma_wait3A_227 = tpu.memref_slice %arg2[%dma_wait3A_225, %dma_wait3A_226] : memref<10000x128xf32, #tpu.memory_space<hbm>> -> memref<80x128xf32, #tpu.memory_space<hbm>>
      %dma_wait3A_228 = arith.constant 0 : i32
      %dma_wait3A_229 = arith.constant 0 : i32
      %dma_wait3A_230 = tpu.memref_slice %arg2[%dma_wait3A_228, %dma_wait3A_229] : memref<10000x128xf32, #tpu.memory_space<hbm>> -> memref<80x128xf32, #tpu.memory_space<hbm>>
      tpu.wait_dma2 semaphore(%arg26 : memref<!tpu.dma_semaphore, #tpu.memory_space<semaphore_mem>>) src(%dma_wait3A_230 : memref<80x128xf32, #tpu.memory_space<hbm>>) dst(%arg17 : memref<80x128xf32, #tpu.memory_space<vmem>>)
      %add3A_231 = arith.constant 4 : i32
      %add3A_232 = arith.addi %mul3A_132, %add3A_231 : i32
      %add3A_233 = arith.constant 2 : i32
      %add3A_234 = arith.addi %add3A_232, %add3A_233 : i32
      %mul3A_235 = arith.constant 80 : i32
      %mul3A_236 = arith.muli %add3A_234, %mul3A_235 : i32
      %add3A_237 = arith.addi %mul3A_6, %mul3A_236 : i32
      %dma_start3A_238 = tpu.memref_slice %arg3[%add3A_237] : memref<320000xi32, #tpu.memory_space<hbm>> -> memref<80xi32, #tpu.memory_space<hbm>>
      %dma_start3A_239 = tpu.memref_slice %arg3[%add3A_237] : memref<320000xi32, #tpu.memory_space<hbm>> -> memref<80xi32, #tpu.memory_space<hbm>>
      tpu.enqueue_dma source(%dma_start3A_239 : memref<80xi32, #tpu.memory_space<hbm>>) target(%arg11 : memref<80xi32, #tpu.memory_space<vmem>>) target_semaphore(%arg30 : memref<!tpu.dma_semaphore, #tpu.memory_space<semaphore_mem>>)
      %dma_start3A_240 = tpu.memref_slice %arg4[%add3A_237] : memref<320000xi32, #tpu.memory_space<hbm>> -> memref<80xi32, #tpu.memory_space<hbm>>
      %dma_start3A_241 = tpu.memref_slice %arg4[%add3A_237] : memref<320000xi32, #tpu.memory_space<hbm>> -> memref<80xi32, #tpu.memory_space<hbm>>
      tpu.enqueue_dma source(%dma_start3A_241 : memref<80xi32, #tpu.memory_space<hbm>>) target(%arg12 : memref<80xi32, #tpu.memory_space<vmem>>) target_semaphore(%arg30 : memref<!tpu.dma_semaphore, #tpu.memory_space<semaphore_mem>>)
      %dma_wait3A_242 = arith.constant 0 : i32
      %dma_wait3A_243 = tpu.memref_slice %arg3[%dma_wait3A_242] : memref<320000xi32, #tpu.memory_space<hbm>> -> memref<80xi32, #tpu.memory_space<hbm>>
      %dma_wait3A_244 = arith.constant 0 : i32
      %dma_wait3A_245 = tpu.memref_slice %arg3[%dma_wait3A_244] : memref<320000xi32, #tpu.memory_space<hbm>> -> memref<80xi32, #tpu.memory_space<hbm>>
      tpu.wait_dma2 semaphore(%arg30 : memref<!tpu.dma_semaphore, #tpu.memory_space<semaphore_mem>>) src(%dma_wait3A_245 : memref<80xi32, #tpu.memory_space<hbm>>) dst(%arg11 : memref<80xi32, #tpu.memory_space<vmem>>)
      %dma_wait3A_246 = arith.constant 0 : i32
      %dma_wait3A_247 = tpu.memref_slice %arg3[%dma_wait3A_246] : memref<320000xi32, #tpu.memory_space<hbm>> -> memref<80xi32, #tpu.memory_space<hbm>>
      %dma_wait3A_248 = arith.constant 0 : i32
      %dma_wait3A_249 = tpu.memref_slice %arg3[%dma_wait3A_248] : memref<320000xi32, #tpu.memory_space<hbm>> -> memref<80xi32, #tpu.memory_space<hbm>>
      tpu.wait_dma2 semaphore(%arg30 : memref<!tpu.dma_semaphore, #tpu.memory_space<semaphore_mem>>) src(%dma_wait3A_249 : memref<80xi32, #tpu.memory_space<hbm>>) dst(%arg12 : memref<80xi32, #tpu.memory_space<vmem>>)
      %dma_start3A_250 = arith.constant 0 : i32
      %dma_start3A_251 = arith.constant 0 : i32
      %dma_start3A_252 = tpu.memref_slice %arg2[%dma_start3A_250, %dma_start3A_251] : memref<10000x128xf32, #tpu.memory_space<hbm>> -> memref<10000x128xf32, #tpu.memory_space<hbm>>
      tpu.enqueue_indirect_dma source(%dma_start3A_252 : memref<10000x128xf32, #tpu.memory_space<hbm>>) target(%arg17 : memref<80x128xf32, #tpu.memory_space<vmem>>) offsets(%arg11 : memref<80xi32, #tpu.memory_space<vmem>>) semaphore(%arg22 : memref<!tpu.dma_semaphore, #tpu.memory_space<semaphore_mem>>)
      %dma_wait3A_253 = arith.constant 0 : i32
      %dma_wait3A_254 = arith.constant 0 : i32
      %dma_wait3A_255 = tpu.memref_slice %arg2[%dma_wait3A_253, %dma_wait3A_254] : memref<10000x128xf32, #tpu.memory_space<hbm>> -> memref<80x128xf32, #tpu.memory_space<hbm>>
      %dma_wait3A_256 = arith.constant 0 : i32
      %dma_wait3A_257 = arith.constant 0 : i32
      %dma_wait3A_258 = tpu.memref_slice %arg2[%dma_wait3A_256, %dma_wait3A_257] : memref<10000x128xf32, #tpu.memory_space<hbm>> -> memref<80x128xf32, #tpu.memory_space<hbm>>
      tpu.wait_dma2 semaphore(%arg27 : memref<!tpu.dma_semaphore, #tpu.memory_space<semaphore_mem>>) src(%dma_wait3A_258 : memref<80x128xf32, #tpu.memory_space<hbm>>) dst(%arg18 : memref<80x128xf32, #tpu.memory_space<vmem>>)
      %add3A_259 = arith.constant 4 : i32
      %add3A_260 = arith.addi %mul3A_132, %add3A_259 : i32
      %add3A_261 = arith.constant 3 : i32
      %add3A_262 = arith.addi %add3A_260, %add3A_261 : i32
      %mul3A_263 = arith.constant 80 : i32
      %mul3A_264 = arith.muli %add3A_262, %mul3A_263 : i32
      %add3A_265 = arith.addi %mul3A_6, %mul3A_264 : i32
      %dma_start3A_266 = tpu.memref_slice %arg3[%add3A_265] : memref<320000xi32, #tpu.memory_space<hbm>> -> memref<80xi32, #tpu.memory_space<hbm>>
      %dma_start3A_267 = tpu.memref_slice %arg3[%add3A_265] : memref<320000xi32, #tpu.memory_space<hbm>> -> memref<80xi32, #tpu.memory_space<hbm>>
      tpu.enqueue_dma source(%dma_start3A_267 : memref<80xi32, #tpu.memory_space<hbm>>) target(%arg13 : memref<80xi32, #tpu.memory_space<vmem>>) target_semaphore(%arg31 : memref<!tpu.dma_semaphore, #tpu.memory_space<semaphore_mem>>)
      %dma_start3A_268 = tpu.memref_slice %arg4[%add3A_265] : memref<320000xi32, #tpu.memory_space<hbm>> -> memref<80xi32, #tpu.memory_space<hbm>>
      %dma_start3A_269 = tpu.memref_slice %arg4[%add3A_265] : memref<320000xi32, #tpu.memory_space<hbm>> -> memref<80xi32, #tpu.memory_space<hbm>>
      tpu.enqueue_dma source(%dma_start3A_269 : memref<80xi32, #tpu.memory_space<hbm>>) target(%arg14 : memref<80xi32, #tpu.memory_space<vmem>>) target_semaphore(%arg31 : memref<!tpu.dma_semaphore, #tpu.memory_space<semaphore_mem>>)
      %dma_wait3A_270 = arith.constant 0 : i32
      %dma_wait3A_271 = tpu.memref_slice %arg3[%dma_wait3A_270] : memref<320000xi32, #tpu.memory_space<hbm>> -> memref<80xi32, #tpu.memory_space<hbm>>
      %dma_wait3A_272 = arith.constant 0 : i32
      %dma_wait3A_273 = tpu.memref_slice %arg3[%dma_wait3A_272] : memref<320000xi32, #tpu.memory_space<hbm>> -> memref<80xi32, #tpu.memory_space<hbm>>
      tpu.wait_dma2 semaphore(%arg31 : memref<!tpu.dma_semaphore, #tpu.memory_space<semaphore_mem>>) src(%dma_wait3A_273 : memref<80xi32, #tpu.memory_space<hbm>>) dst(%arg13 : memref<80xi32, #tpu.memory_space<vmem>>)
      %dma_wait3A_274 = arith.constant 0 : i32
      %dma_wait3A_275 = tpu.memref_slice %arg3[%dma_wait3A_274] : memref<320000xi32, #tpu.memory_space<hbm>> -> memref<80xi32, #tpu.memory_space<hbm>>
      %dma_wait3A_276 = arith.constant 0 : i32
      %dma_wait3A_277 = tpu.memref_slice %arg3[%dma_wait3A_276] : memref<320000xi32, #tpu.memory_space<hbm>> -> memref<80xi32, #tpu.memory_space<hbm>>
      tpu.wait_dma2 semaphore(%arg31 : memref<!tpu.dma_semaphore, #tpu.memory_space<semaphore_mem>>) src(%dma_wait3A_277 : memref<80xi32, #tpu.memory_space<hbm>>) dst(%arg14 : memref<80xi32, #tpu.memory_space<vmem>>)
      %dma_start3A_278 = arith.constant 0 : i32
      %dma_start3A_279 = arith.constant 0 : i32
      %dma_start3A_280 = tpu.memref_slice %arg2[%dma_start3A_278, %dma_start3A_279] : memref<10000x128xf32, #tpu.memory_space<hbm>> -> memref<10000x128xf32, #tpu.memory_space<hbm>>
      tpu.enqueue_indirect_dma source(%dma_start3A_280 : memref<10000x128xf32, #tpu.memory_space<hbm>>) target(%arg18 : memref<80x128xf32, #tpu.memory_space<vmem>>) offsets(%arg13 : memref<80xi32, #tpu.memory_space<vmem>>) semaphore(%arg23 : memref<!tpu.dma_semaphore, #tpu.memory_space<semaphore_mem>>)
    }
    %scan3A_38 = arith.constant 30 : i32
    %dma_wait3A = arith.constant 0 : i32
    %dma_wait3A_39 = arith.constant 0 : i32
    %dma_wait3A_40 = tpu.memref_slice %arg2[%dma_wait3A, %dma_wait3A_39] : memref<10000x128xf32, #tpu.memory_space<hbm>> -> memref<80x128xf32, #tpu.memory_space<hbm>>
    %dma_wait3A_41 = arith.constant 0 : i32
    %dma_wait3A_42 = arith.constant 0 : i32
    %dma_wait3A_43 = tpu.memref_slice %arg2[%dma_wait3A_41, %dma_wait3A_42] : memref<10000x128xf32, #tpu.memory_space<hbm>> -> memref<80x128xf32, #tpu.memory_space<hbm>>
    tpu.wait_dma2 semaphore(%arg20 : memref<!tpu.dma_semaphore, #tpu.memory_space<semaphore_mem>>) src(%dma_wait3A_43 : memref<80x128xf32, #tpu.memory_space<hbm>>) dst(%arg15 : memref<80x128xf32, #tpu.memory_space<vmem>>)
    %dma_start3A_44 = arith.constant 0 : i32
    %dma_start3A_45 = arith.constant 0 : i32
    %dma_start3A_46 = tpu.memref_slice %arg19[%dma_start3A_44, %dma_start3A_45] : memref<10000x128xf32, #tpu.memory_space<vmem_shared>> -> memref<10000x128xf32, #tpu.memory_space<vmem_shared>>
    tpu.enqueue_indirect_dma source(%arg15 : memref<80x128xf32, #tpu.memory_space<vmem>>) target(%dma_start3A_46 : memref<10000x128xf32, #tpu.memory_space<vmem_shared>>) offsets(%arg8 : memref<80xi32, #tpu.memory_space<vmem>>) semaphore(%arg24 : memref<!tpu.dma_semaphore, #tpu.memory_space<semaphore_mem>>) {add = true}
    %dma_wait3A_47 = arith.constant 0 : i32
    %dma_wait3A_48 = arith.constant 0 : i32
    %dma_wait3A_49 = tpu.memref_slice %arg2[%dma_wait3A_47, %dma_wait3A_48] : memref<10000x128xf32, #tpu.memory_space<hbm>> -> memref<80x128xf32, #tpu.memory_space<hbm>>
    %dma_wait3A_50 = arith.constant 0 : i32
    %dma_wait3A_51 = arith.constant 0 : i32
    %dma_wait3A_52 = tpu.memref_slice %arg2[%dma_wait3A_50, %dma_wait3A_51] : memref<10000x128xf32, #tpu.memory_space<hbm>> -> memref<80x128xf32, #tpu.memory_space<hbm>>
    tpu.wait_dma2 semaphore(%arg21 : memref<!tpu.dma_semaphore, #tpu.memory_space<semaphore_mem>>) src(%dma_wait3A_52 : memref<80x128xf32, #tpu.memory_space<hbm>>) dst(%arg16 : memref<80x128xf32, #tpu.memory_space<vmem>>)
    %dma_start3A_53 = arith.constant 0 : i32
    %dma_start3A_54 = arith.constant 0 : i32
    %dma_start3A_55 = tpu.memref_slice %arg19[%dma_start3A_53, %dma_start3A_54] : memref<10000x128xf32, #tpu.memory_space<vmem_shared>> -> memref<10000x128xf32, #tpu.memory_space<vmem_shared>>
    tpu.enqueue_indirect_dma source(%arg16 : memref<80x128xf32, #tpu.memory_space<vmem>>) target(%dma_start3A_55 : memref<10000x128xf32, #tpu.memory_space<vmem_shared>>) offsets(%arg10 : memref<80xi32, #tpu.memory_space<vmem>>) semaphore(%arg25 : memref<!tpu.dma_semaphore, #tpu.memory_space<semaphore_mem>>) {add = true}
    %dma_wait3A_56 = arith.constant 0 : i32
    %dma_wait3A_57 = arith.constant 0 : i32
    %dma_wait3A_58 = tpu.memref_slice %arg2[%dma_wait3A_56, %dma_wait3A_57] : memref<10000x128xf32, #tpu.memory_space<hbm>> -> memref<80x128xf32, #tpu.memory_space<hbm>>
    %dma_wait3A_59 = arith.constant 0 : i32
    %dma_wait3A_60 = arith.constant 0 : i32
    %dma_wait3A_61 = tpu.memref_slice %arg2[%dma_wait3A_59, %dma_wait3A_60] : memref<10000x128xf32, #tpu.memory_space<hbm>> -> memref<80x128xf32, #tpu.memory_space<hbm>>
    tpu.wait_dma2 semaphore(%arg22 : memref<!tpu.dma_semaphore, #tpu.memory_space<semaphore_mem>>) src(%dma_wait3A_61 : memref<80x128xf32, #tpu.memory_space<hbm>>) dst(%arg17 : memref<80x128xf32, #tpu.memory_space<vmem>>)
    %dma_start3A_62 = arith.constant 0 : i32
    %dma_start3A_63 = arith.constant 0 : i32
    %dma_start3A_64 = tpu.memref_slice %arg19[%dma_start3A_62, %dma_start3A_63] : memref<10000x128xf32, #tpu.memory_space<vmem_shared>> -> memref<10000x128xf32, #tpu.memory_space<vmem_shared>>
    tpu.enqueue_indirect_dma source(%arg17 : memref<80x128xf32, #tpu.memory_space<vmem>>) target(%dma_start3A_64 : memref<10000x128xf32, #tpu.memory_space<vmem_shared>>) offsets(%arg12 : memref<80xi32, #tpu.memory_space<vmem>>) semaphore(%arg26 : memref<!tpu.dma_semaphore, #tpu.memory_space<semaphore_mem>>) {add = true}
    %dma_wait3A_65 = arith.constant 0 : i32
    %dma_wait3A_66 = arith.constant 0 : i32
    %dma_wait3A_67 = tpu.memref_slice %arg2[%dma_wait3A_65, %dma_wait3A_66] : memref<10000x128xf32, #tpu.memory_space<hbm>> -> memref<80x128xf32, #tpu.memory_space<hbm>>
    %dma_wait3A_68 = arith.constant 0 : i32
    %dma_wait3A_69 = arith.constant 0 : i32
    %dma_wait3A_70 = tpu.memref_slice %arg2[%dma_wait3A_68, %dma_wait3A_69] : memref<10000x128xf32, #tpu.memory_space<hbm>> -> memref<80x128xf32, #tpu.memory_space<hbm>>
    tpu.wait_dma2 semaphore(%arg23 : memref<!tpu.dma_semaphore, #tpu.memory_space<semaphore_mem>>) src(%dma_wait3A_70 : memref<80x128xf32, #tpu.memory_space<hbm>>) dst(%arg18 : memref<80x128xf32, #tpu.memory_space<vmem>>)
    %dma_start3A_71 = arith.constant 0 : i32
    %dma_start3A_72 = arith.constant 0 : i32
    %dma_start3A_73 = tpu.memref_slice %arg19[%dma_start3A_71, %dma_start3A_72] : memref<10000x128xf32, #tpu.memory_space<vmem_shared>> -> memref<10000x128xf32, #tpu.memory_space<vmem_shared>>
    tpu.enqueue_indirect_dma source(%arg18 : memref<80x128xf32, #tpu.memory_space<vmem>>) target(%dma_start3A_73 : memref<10000x128xf32, #tpu.memory_space<vmem_shared>>) offsets(%arg14 : memref<80xi32, #tpu.memory_space<vmem>>) semaphore(%arg27 : memref<!tpu.dma_semaphore, #tpu.memory_space<semaphore_mem>>) {add = true}
    %dma_wait3A_74 = arith.constant 0 : i32
    %dma_wait3A_75 = arith.constant 0 : i32
    %dma_wait3A_76 = tpu.memref_slice %arg2[%dma_wait3A_74, %dma_wait3A_75] : memref<10000x128xf32, #tpu.memory_space<hbm>> -> memref<80x128xf32, #tpu.memory_space<hbm>>
    %dma_wait3A_77 = arith.constant 0 : i32
    %dma_wait3A_78 = arith.constant 0 : i32
    %dma_wait3A_79 = tpu.memref_slice %arg2[%dma_wait3A_77, %dma_wait3A_78] : memref<10000x128xf32, #tpu.memory_space<hbm>> -> memref<80x128xf32, #tpu.memory_space<hbm>>
    tpu.wait_dma2 semaphore(%arg24 : memref<!tpu.dma_semaphore, #tpu.memory_space<semaphore_mem>>) src(%dma_wait3A_79 : memref<80x128xf32, #tpu.memory_space<hbm>>) dst(%arg15 : memref<80x128xf32, #tpu.memory_space<vmem>>)
    %add3A_80 = arith.constant 9920 : i32
    %add3A_81 = arith.addi %mul3A_6, %add3A_80 : i32
    "tpu.region"() ({
      %run_scoped3A = tpu.sem_alloc : memref<!tpu.dma_semaphore, #tpu.memory_space<semaphore_mem>>
      %dma_start3A_130 = tpu.memref_slice %arg3[%add3A_81] : memref<320000xi32, #tpu.memory_space<hbm>> -> memref<80xi32, #tpu.memory_space<hbm>>
      %dma_start3A_131 = tpu.memref_slice %arg3[%add3A_81] : memref<320000xi32, #tpu.memory_space<hbm>> -> memref<80xi32, #tpu.memory_space<hbm>>
      tpu.enqueue_dma source(%dma_start3A_131 : memref<80xi32, #tpu.memory_space<hbm>>) target(%arg7 : memref<80xi32, #tpu.memory_space<vmem>>) target_semaphore(%run_scoped3A : memref<!tpu.dma_semaphore, #tpu.memory_space<semaphore_mem>>)
      %dma_wait3A_132 = tpu.memref_slice %arg3[%add3A_81] : memref<320000xi32, #tpu.memory_space<hbm>> -> memref<80xi32, #tpu.memory_space<hbm>>
      %dma_wait3A_133 = tpu.memref_slice %arg3[%add3A_81] : memref<320000xi32, #tpu.memory_space<hbm>> -> memref<80xi32, #tpu.memory_space<hbm>>
      tpu.wait_dma2 semaphore(%run_scoped3A : memref<!tpu.dma_semaphore, #tpu.memory_space<semaphore_mem>>) src(%dma_wait3A_133 : memref<80xi32, #tpu.memory_space<hbm>>) dst(%arg7 : memref<80xi32, #tpu.memory_space<vmem>>)
      tpu.yield
    }) : () -> ()
    %add3A_82 = arith.constant 9920 : i32
    %add3A_83 = arith.addi %mul3A_6, %add3A_82 : i32
    "tpu.region"() ({
      %run_scoped3A = tpu.sem_alloc : memref<!tpu.dma_semaphore, #tpu.memory_space<semaphore_mem>>
      %dma_start3A_130 = tpu.memref_slice %arg4[%add3A_83] : memref<320000xi32, #tpu.memory_space<hbm>> -> memref<80xi32, #tpu.memory_space<hbm>>
      %dma_start3A_131 = tpu.memref_slice %arg4[%add3A_83] : memref<320000xi32, #tpu.memory_space<hbm>> -> memref<80xi32, #tpu.memory_space<hbm>>
      tpu.enqueue_dma source(%dma_start3A_131 : memref<80xi32, #tpu.memory_space<hbm>>) target(%arg8 : memref<80xi32, #tpu.memory_space<vmem>>) target_semaphore(%run_scoped3A : memref<!tpu.dma_semaphore, #tpu.memory_space<semaphore_mem>>)
      %dma_wait3A_132 = tpu.memref_slice %arg4[%add3A_83] : memref<320000xi32, #tpu.memory_space<hbm>> -> memref<80xi32, #tpu.memory_space<hbm>>
      %dma_wait3A_133 = tpu.memref_slice %arg4[%add3A_83] : memref<320000xi32, #tpu.memory_space<hbm>> -> memref<80xi32, #tpu.memory_space<hbm>>
      tpu.wait_dma2 semaphore(%run_scoped3A : memref<!tpu.dma_semaphore, #tpu.memory_space<semaphore_mem>>) src(%dma_wait3A_133 : memref<80xi32, #tpu.memory_space<hbm>>) dst(%arg8 : memref<80xi32, #tpu.memory_space<vmem>>)
      tpu.yield
    }) : () -> ()
    %dma_start3A_84 = arith.constant 0 : i32
    %dma_start3A_85 = arith.constant 0 : i32
    %dma_start3A_86 = tpu.memref_slice %arg2[%dma_start3A_84, %dma_start3A_85] : memref<10000x128xf32, #tpu.memory_space<hbm>> -> memref<10000x128xf32, #tpu.memory_space<hbm>>
    tpu.enqueue_indirect_dma source(%dma_start3A_86 : memref<10000x128xf32, #tpu.memory_space<hbm>>) target(%arg15 : memref<80x128xf32, #tpu.memory_space<vmem>>) offsets(%arg7 : memref<80xi32, #tpu.memory_space<vmem>>) semaphore(%arg20 : memref<!tpu.dma_semaphore, #tpu.memory_space<semaphore_mem>>)
    %dma_wait3A_87 = arith.constant 0 : i32
    %dma_wait3A_88 = arith.constant 0 : i32
    %dma_wait3A_89 = tpu.memref_slice %arg2[%dma_wait3A_87, %dma_wait3A_88] : memref<10000x128xf32, #tpu.memory_space<hbm>> -> memref<80x128xf32, #tpu.memory_space<hbm>>
    %dma_wait3A_90 = arith.constant 0 : i32
    %dma_wait3A_91 = arith.constant 0 : i32
    %dma_wait3A_92 = tpu.memref_slice %arg2[%dma_wait3A_90, %dma_wait3A_91] : memref<10000x128xf32, #tpu.memory_space<hbm>> -> memref<80x128xf32, #tpu.memory_space<hbm>>
    tpu.wait_dma2 semaphore(%arg20 : memref<!tpu.dma_semaphore, #tpu.memory_space<semaphore_mem>>) src(%dma_wait3A_92 : memref<80x128xf32, #tpu.memory_space<hbm>>) dst(%arg15 : memref<80x128xf32, #tpu.memory_space<vmem>>)
    %dma_start3A_93 = arith.constant 0 : i32
    %dma_start3A_94 = arith.constant 0 : i32
    %dma_start3A_95 = tpu.memref_slice %arg19[%dma_start3A_93, %dma_start3A_94] : memref<10000x128xf32, #tpu.memory_space<vmem_shared>> -> memref<10000x128xf32, #tpu.memory_space<vmem_shared>>
    tpu.enqueue_indirect_dma source(%arg15 : memref<80x128xf32, #tpu.memory_space<vmem>>) target(%dma_start3A_95 : memref<10000x128xf32, #tpu.memory_space<vmem_shared>>) offsets(%arg8 : memref<80xi32, #tpu.memory_space<vmem>>) semaphore(%arg24 : memref<!tpu.dma_semaphore, #tpu.memory_space<semaphore_mem>>) {add = true}
    %dma_wait3A_96 = arith.constant 0 : i32
    %dma_wait3A_97 = arith.constant 0 : i32
    %dma_wait3A_98 = tpu.memref_slice %arg2[%dma_wait3A_96, %dma_wait3A_97] : memref<10000x128xf32, #tpu.memory_space<hbm>> -> memref<80x128xf32, #tpu.memory_space<hbm>>
    %dma_wait3A_99 = arith.constant 0 : i32
    %dma_wait3A_100 = arith.constant 0 : i32
    %dma_wait3A_101 = tpu.memref_slice %arg2[%dma_wait3A_99, %dma_wait3A_100] : memref<10000x128xf32, #tpu.memory_space<hbm>> -> memref<80x128xf32, #tpu.memory_space<hbm>>
    tpu.wait_dma2 semaphore(%arg24 : memref<!tpu.dma_semaphore, #tpu.memory_space<semaphore_mem>>) src(%dma_wait3A_101 : memref<80x128xf32, #tpu.memory_space<hbm>>) dst(%arg15 : memref<80x128xf32, #tpu.memory_space<vmem>>)
    %dma_wait3A_102 = arith.constant 0 : i32
    %dma_wait3A_103 = arith.constant 0 : i32
    %dma_wait3A_104 = tpu.memref_slice %arg2[%dma_wait3A_102, %dma_wait3A_103] : memref<10000x128xf32, #tpu.memory_space<hbm>> -> memref<80x128xf32, #tpu.memory_space<hbm>>
    %dma_wait3A_105 = arith.constant 0 : i32
    %dma_wait3A_106 = arith.constant 0 : i32
    %dma_wait3A_107 = tpu.memref_slice %arg2[%dma_wait3A_105, %dma_wait3A_106] : memref<10000x128xf32, #tpu.memory_space<hbm>> -> memref<80x128xf32, #tpu.memory_space<hbm>>
    tpu.wait_dma2 semaphore(%arg25 : memref<!tpu.dma_semaphore, #tpu.memory_space<semaphore_mem>>) src(%dma_wait3A_107 : memref<80x128xf32, #tpu.memory_space<hbm>>) dst(%arg16 : memref<80x128xf32, #tpu.memory_space<vmem>>)
    %dma_wait3A_108 = arith.constant 0 : i32
    %dma_wait3A_109 = arith.constant 0 : i32
    %dma_wait3A_110 = tpu.memref_slice %arg2[%dma_wait3A_108, %dma_wait3A_109] : memref<10000x128xf32, #tpu.memory_space<hbm>> -> memref<80x128xf32, #tpu.memory_space<hbm>>
    %dma_wait3A_111 = arith.constant 0 : i32
    %dma_wait3A_112 = arith.constant 0 : i32
    %dma_wait3A_113 = tpu.memref_slice %arg2[%dma_wait3A_111, %dma_wait3A_112] : memref<10000x128xf32, #tpu.memory_space<hbm>> -> memref<80x128xf32, #tpu.memory_space<hbm>>
    tpu.wait_dma2 semaphore(%arg26 : memref<!tpu.dma_semaphore, #tpu.memory_space<semaphore_mem>>) src(%dma_wait3A_113 : memref<80x128xf32, #tpu.memory_space<hbm>>) dst(%arg17 : memref<80x128xf32, #tpu.memory_space<vmem>>)
    %dma_wait3A_114 = arith.constant 0 : i32
    %dma_wait3A_115 = arith.constant 0 : i32
    %dma_wait3A_116 = tpu.memref_slice %arg2[%dma_wait3A_114, %dma_wait3A_115] : memref<10000x128xf32, #tpu.memory_space<hbm>> -> memref<80x128xf32, #tpu.memory_space<hbm>>
    %dma_wait3A_117 = arith.constant 0 : i32
    %dma_wait3A_118 = arith.constant 0 : i32
    %dma_wait3A_119 = tpu.memref_slice %arg2[%dma_wait3A_117, %dma_wait3A_118] : memref<10000x128xf32, #tpu.memory_space<hbm>> -> memref<80x128xf32, #tpu.memory_space<hbm>>
    tpu.wait_dma2 semaphore(%arg27 : memref<!tpu.dma_semaphore, #tpu.memory_space<semaphore_mem>>) src(%dma_wait3A_119 : memref<80x128xf32, #tpu.memory_space<hbm>>) dst(%arg18 : memref<80x128xf32, #tpu.memory_space<vmem>>)
    %barrier3A_120 = arith.constant 0 : index
    tpu.barrier barrier_id(%barrier3A_120)
    %mul3A_121 = arith.constant 624 : i32
    %mul3A_122 = arith.muli %arg1, %mul3A_121 : i32
    %mul3A_123 = arith.constant 624 : i32
    %mul3A_124 = arith.muli %arg1, %mul3A_123 : i32
    "tpu.region"() ({
      %run_scoped3A = tpu.sem_alloc : memref<!tpu.dma_semaphore, #tpu.memory_space<semaphore_mem>>
      %dma_start3A_130 = arith.constant 0 : i32
      %dma_start3A_131 = tpu.memref_slice %arg6[%arg0, %mul3A_124, %dma_start3A_130] : memref<2x10000x128xf32, #tpu.memory_space<hbm>> -> memref<1x624x128xf32, #tpu.memory_space<hbm>>
      %dma_start3A_132 = tpu.memref_squeeze %dma_start3A_131 : memref<1x624x128xf32, #tpu.memory_space<hbm>> -> memref<624x128xf32, #tpu.memory_space<hbm>>
      %dma_start3A_133 = arith.constant 0 : i32
      %dma_start3A_134 = tpu.memref_slice %arg19[%mul3A_122, %dma_start3A_133] : memref<10000x128xf32, #tpu.memory_space<vmem_shared>> -> memref<624x128xf32, #tpu.memory_space<vmem_shared>>
      tpu.enqueue_dma source(%dma_start3A_134 : memref<624x128xf32, #tpu.memory_space<vmem_shared>>) target(%dma_start3A_132 : memref<624x128xf32, #tpu.memory_space<hbm>>) target_semaphore(%run_scoped3A : memref<!tpu.dma_semaphore, #tpu.memory_space<semaphore_mem>>)
      %dma_wait3A_135 = arith.constant 0 : i32
      %dma_wait3A_136 = tpu.memref_slice %arg6[%arg0, %mul3A_124, %dma_wait3A_135] : memref<2x10000x128xf32, #tpu.memory_space<hbm>> -> memref<1x624x128xf32, #tpu.memory_space<hbm>>
      %dma_wait3A_137 = tpu.memref_squeeze %dma_wait3A_136 : memref<1x624x128xf32, #tpu.memory_space<hbm>> -> memref<624x128xf32, #tpu.memory_space<hbm>>
      %dma_wait3A_138 = arith.constant 0 : i32
      %dma_wait3A_139 = tpu.memref_slice %arg19[%mul3A_122, %dma_wait3A_138] : memref<10000x128xf32, #tpu.memory_space<vmem_shared>> -> memref<624x128xf32, #tpu.memory_space<vmem_shared>>
      tpu.wait_dma2 semaphore(%run_scoped3A : memref<!tpu.dma_semaphore, #tpu.memory_space<semaphore_mem>>) src(%dma_wait3A_139 : memref<624x128xf32, #tpu.memory_space<vmem_shared>>) dst(%dma_wait3A_137 : memref<624x128xf32, #tpu.memory_space<hbm>>)
      tpu.yield
    }) : () -> ()
    %eq3A_125 = arith.constant 15 : i32
    %eq3A_126 = arith.cmpi eq, %arg1, %eq3A_125 : i32
    %convert_element_type3A_127 = arith.extui %eq3A_126 : i1 to i32
    %cond3A_128 = arith.constant 0 : i32
    %cond3A_129 = arith.cmpi ne, %convert_element_type3A_127, %cond3A_128 : i32
    scf.if %cond3A_129 {
      "tpu.region"() ({
        %run_scoped3A = tpu.sem_alloc : memref<!tpu.dma_semaphore, #tpu.memory_space<semaphore_mem>>
        %dma_start3A_130 = arith.constant 9984 : i32
        %dma_start3A_131 = arith.constant 0 : i32
        %dma_start3A_132 = tpu.memref_slice %arg6[%arg0, %dma_start3A_130, %dma_start3A_131] : memref<2x10000x128xf32, #tpu.memory_space<hbm>> -> memref<1x16x128xf32, #tpu.memory_space<hbm>>
        %dma_start3A_133 = tpu.memref_squeeze %dma_start3A_132 : memref<1x16x128xf32, #tpu.memory_space<hbm>> -> memref<16x128xf32, #tpu.memory_space<hbm>>
        %dma_start3A_134 = arith.constant 9984 : i32
        %dma_start3A_135 = arith.constant 0 : i32
        %dma_start3A_136 = tpu.memref_slice %arg19[%dma_start3A_134, %dma_start3A_135] : memref<10000x128xf32, #tpu.memory_space<vmem_shared>> -> memref<16x128xf32, #tpu.memory_space<vmem_shared>>
        tpu.enqueue_dma source(%dma_start3A_136 : memref<16x128xf32, #tpu.memory_space<vmem_shared>>) target(%dma_start3A_133 : memref<16x128xf32, #tpu.memory_space<hbm>>) target_semaphore(%run_scoped3A : memref<!tpu.dma_semaphore, #tpu.memory_space<semaphore_mem>>)
        %dma_wait3A_137 = arith.constant 9984 : i32
        %dma_wait3A_138 = arith.constant 0 : i32
        %dma_wait3A_139 = tpu.memref_slice %arg6[%arg0, %dma_wait3A_137, %dma_wait3A_138] : memref<2x10000x128xf32, #tpu.memory_space<hbm>> -> memref<1x16x128xf32, #tpu.memory_space<hbm>>
        %dma_wait3A_140 = tpu.memref_squeeze %dma_wait3A_139 : memref<1x16x128xf32, #tpu.memory_space<hbm>> -> memref<16x128xf32, #tpu.memory_space<hbm>>
        %dma_wait3A_141 = arith.constant 9984 : i32
        %dma_wait3A_142 = arith.constant 0 : i32
        %dma_wait3A_143 = tpu.memref_slice %arg19[%dma_wait3A_141, %dma_wait3A_142] : memref<10000x128xf32, #tpu.memory_space<vmem_shared>> -> memref<16x128xf32, #tpu.memory_space<vmem_shared>>
        tpu.wait_dma2 semaphore(%run_scoped3A : memref<!tpu.dma_semaphore, #tpu.memory_space<semaphore_mem>>) src(%dma_wait3A_143 : memref<16x128xf32, #tpu.memory_space<vmem_shared>>) dst(%dma_wait3A_140 : memref<16x128xf32, #tpu.memory_space<hbm>>)
        tpu.yield
      }) : () -> ()
    } else {
    }
    return
  }
}

module attributes {stable_mosaic.version = 14 : i64} {
  func.func @_enc_body(%arg0: i32, %arg1: memref<2000x128xf32, #tpu.memory_space<vmem>>, %arg2: memref<128x128xf32, #tpu.memory_space<vmem>>, %arg3: memref<1x128xf32, #tpu.memory_space<vmem>>, %arg4: memref<128x128xf32, #tpu.memory_space<vmem>>, %arg5: memref<1x128xf32, #tpu.memory_space<vmem>>, %arg6: memref<128x128xf32, #tpu.memory_space<vmem>>, %arg7: memref<2000x128xf32, #tpu.memory_space<vmem>>) attributes {dimension_semantics = [#tpu.dimension_semantics<arbitrary>], iteration_bounds = array<i64: 5>, scalar_prefetch = 0 : i64, scratch_operands = 0 : i64, tpu.core_type = #tpu.core_type<tc>, window_params = [{transform_indices = @transform_0, window_bounds = array<i64: 2000, 128>}, {pipeline_mode = #tpu.pipeline_mode<synchronous>, transform_indices = @transform_1, window_bounds = array<i64: 128, 128>}, {pipeline_mode = #tpu.pipeline_mode<synchronous>, transform_indices = @transform_2, window_bounds = array<i64: 1, 128>}, {pipeline_mode = #tpu.pipeline_mode<synchronous>, transform_indices = @transform_3, window_bounds = array<i64: 128, 128>}, {pipeline_mode = #tpu.pipeline_mode<synchronous>, transform_indices = @transform_4, window_bounds = array<i64: 1, 128>}, {pipeline_mode = #tpu.pipeline_mode<synchronous>, transform_indices = @transform_5, window_bounds = array<i64: 128, 128>}, {transform_indices = @transform_6, window_bounds = array<i64: 2000, 128>}]} {
    %get3A = arith.constant 0 : index
    %get3A_0 = arith.constant 0 : index
    %get3A_1 = vector.load %arg1[%get3A, %get3A_0] : memref<2000x128xf32, #tpu.memory_space<vmem>>, vector<2000x128xf32>
    %get3A_2 = arith.constant 0 : index
    %get3A_3 = arith.constant 0 : index
    %get3A_4 = vector.load %arg2[%get3A_2, %get3A_3] : memref<128x128xf32, #tpu.memory_space<vmem>>, vector<128x128xf32>
    %dot_general3A = arith.constant dense<0.000000e+00> : vector<2000x128xf32>
    %dot_general3A_5 = tpu.matmul %get3A_1, %get3A_4, %dot_general3A {dimension_numbers = #tpu.dot_dimension_numbers<[1], [0], [0], [1], [0, 0, 1, 1], [], []>, transpose_lhs_hint = false} : vector<2000x128xf32>, vector<128x128xf32>, vector<2000x128xf32> -> vector<2000x128xf32>
    %get3A_6 = arith.constant 0 : index
    %get3A_7 = arith.constant 0 : index
    %get3A_8 = vector.load %arg3[%get3A_6, %get3A_7] : memref<1x128xf32, #tpu.memory_space<vmem>>, vector<1x128xf32>
    %add3A = vector.broadcast %get3A_8 : vector<1x128xf32> to vector<2000x128xf32>
    %add3A_9 = arith.addf %dot_general3A_5, %add3A : vector<2000x128xf32>
    %max3A = arith.constant 0.000000e+00 : f32
    %max3A_10 = vector.broadcast %max3A : f32 to vector<2000x128xf32>
    %max3A_11 = arith.maximumf %add3A_9, %max3A_10 : vector<2000x128xf32>
    %get3A_12 = arith.constant 0 : index
    %get3A_13 = arith.constant 0 : index
    %get3A_14 = vector.load %arg4[%get3A_12, %get3A_13] : memref<128x128xf32, #tpu.memory_space<vmem>>, vector<128x128xf32>
    %dot_general3A_15 = arith.constant dense<0.000000e+00> : vector<2000x128xf32>
    %dot_general3A_16 = tpu.matmul %max3A_11, %get3A_14, %dot_general3A_15 {dimension_numbers = #tpu.dot_dimension_numbers<[1], [0], [0], [1], [0, 0, 1, 1], [], []>, transpose_lhs_hint = false} : vector<2000x128xf32>, vector<128x128xf32>, vector<2000x128xf32> -> vector<2000x128xf32>
    %get3A_17 = arith.constant 0 : index
    %get3A_18 = arith.constant 0 : index
    %get3A_19 = vector.load %arg5[%get3A_17, %get3A_18] : memref<1x128xf32, #tpu.memory_space<vmem>>, vector<1x128xf32>
    %add3A_20 = vector.broadcast %get3A_19 : vector<1x128xf32> to vector<2000x128xf32>
    %add3A_21 = arith.addf %dot_general3A_16, %add3A_20 : vector<2000x128xf32>
    %get3A_22 = arith.constant 0 : index
    %get3A_23 = arith.constant 0 : index
    %get3A_24 = vector.load %arg6[%get3A_22, %get3A_23] : memref<128x128xf32, #tpu.memory_space<vmem>>, vector<128x128xf32>
    %dot_general3A_25 = arith.constant dense<0.000000e+00> : vector<2000x128xf32>
    %dot_general3A_26 = tpu.matmul %add3A_21, %get3A_24, %dot_general3A_25 {dimension_numbers = #tpu.dot_dimension_numbers<[1], [0], [0], [1], [0, 0, 1, 1], [], []>, transpose_lhs_hint = false} : vector<2000x128xf32>, vector<128x128xf32>, vector<2000x128xf32> -> vector<2000x128xf32>
    %swap3A = arith.constant 0 : index
    %swap3A_27 = arith.constant 0 : index
    %swap3A_28 = vector.load %arg7[%swap3A, %swap3A_27] : memref<2000x128xf32, #tpu.memory_space<vmem>>, vector<2000x128xf32>
    tpu.vector_store %arg7[%swap3A, %swap3A_27], %dot_general3A_26 {strides = array<i32>} : memref<2000x128xf32, #tpu.memory_space<vmem>>, vector<2000x128xf32>,
    return
  }
  func.func @transform_0(%arg0: i32) -> (i32, i32) {
    %c0_i32 = arith.constant 0 : i32
    %c0_i32_0 = arith.constant 0 : i32
    return %arg0, %c0_i32 : i32, i32
  }
  func.func @transform_1(%arg0: i32) -> (i32, i32) {
    %c0_i32 = arith.constant 0 : i32
    %c0_i32_0 = arith.constant 0 : i32
    %c0_i32_1 = arith.constant 0 : i32
    return %c0_i32, %c0_i32_0 : i32, i32
  }
  func.func @transform_2(%arg0: i32) -> (i32, i32) {
    %c0_i32 = arith.constant 0 : i32
    %c0_i32_0 = arith.constant 0 : i32
    %c0_i32_1 = arith.constant 0 : i32
    return %c0_i32, %c0_i32_0 : i32, i32
  }
  func.func @transform_3(%arg0: i32) -> (i32, i32) {
    %c0_i32 = arith.constant 0 : i32
    %c0_i32_0 = arith.constant 0 : i32
    %c0_i32_1 = arith.constant 0 : i32
    return %c0_i32, %c0_i32_0 : i32, i32
  }
  func.func @transform_4(%arg0: i32) -> (i32, i32) {
    %c0_i32 = arith.constant 0 : i32
    %c0_i32_0 = arith.constant 0 : i32
    %c0_i32_1 = arith.constant 0 : i32
    return %c0_i32, %c0_i32_0 : i32, i32
  }
  func.func @transform_5(%arg0: i32) -> (i32, i32) {
    %c0_i32 = arith.constant 0 : i32
    %c0_i32_0 = arith.constant 0 : i32
    %c0_i32_1 = arith.constant 0 : i32
    return %c0_i32, %c0_i32_0 : i32, i32
  }
  func.func @transform_6(%arg0: i32) -> (i32, i32) {
    %c0_i32 = arith.constant 0 : i32
    %c0_i32_0 = arith.constant 0 : i32
    return %arg0, %c0_i32 : i32, i32
  }
}

module attributes {stable_mosaic.version = 14 : i64} {
  func.func @_scale_body(%arg0: i32, %arg1: memref<2000x128xf32, #tpu.memory_space<vmem>>, %arg2: memref<2000x32xf32, #tpu.memory_space<vmem>>, %arg3: memref<2000x128xf32, #tpu.memory_space<vmem>>) attributes {dimension_semantics = [#tpu.dimension_semantics<arbitrary>], iteration_bounds = array<i64: 5>, scalar_prefetch = 0 : i64, scratch_operands = 0 : i64, tpu.core_type = #tpu.core_type<tc>, window_params = [{transform_indices = @transform_0, window_bounds = array<i64: 2000, 128>}, {transform_indices = @transform_1, window_bounds = array<i64: 2000, 32>}, {transform_indices = @transform_2, window_bounds = array<i64: 2000, 128>}]} {
    %get3A = arith.constant 0 : index
    %get3A_0 = arith.constant 0 : index
    %get3A_1 = vector.load %arg1[%get3A, %get3A_0] : memref<2000x128xf32, #tpu.memory_space<vmem>>, vector<2000x128xf32>
    %broadcast_in_dim3A = arith.constant 1.000000e+00 : f32
    %broadcast_in_dim3A_2 = vector.broadcast %broadcast_in_dim3A : f32 to vector<32x1xf32>
    %get3A_3 = arith.constant 0 : index
    %get3A_4 = arith.constant 0 : index
    %get3A_5 = vector.load %arg2[%get3A_3, %get3A_4] : memref<2000x32xf32, #tpu.memory_space<vmem>>, vector<2000x32xf32>
    %dot_general3A = arith.constant dense<0.000000e+00> : vector<2000x1xf32>
    %dot_general3A_6 = tpu.matmul %get3A_5, %broadcast_in_dim3A_2, %dot_general3A {dimension_numbers = #tpu.dot_dimension_numbers<[1], [0], [0], [1], [0, 0, 1, 1], [], []>, transpose_lhs_hint = false} : vector<2000x32xf32>, vector<32x1xf32>, vector<2000x1xf32> -> vector<2000x1xf32>
    %add3A = arith.constant 1.000000e+00 : f32
    %add3A_7 = vector.broadcast %add3A : f32 to vector<2000x1xf32>
    %add3A_8 = arith.addf %dot_general3A_6, %add3A_7 : vector<2000x1xf32>
    %rsqrt3A = math.rsqrt %add3A_8 : vector<2000x1xf32>
    %mul3A = vector.broadcast %rsqrt3A : vector<2000x1xf32> to vector<2000x128xf32>
    %mul3A_9 = arith.mulf %get3A_1, %mul3A : vector<2000x128xf32>
    %swap3A = arith.constant 0 : index
    %swap3A_10 = arith.constant 0 : index
    %swap3A_11 = vector.load %arg3[%swap3A, %swap3A_10] : memref<2000x128xf32, #tpu.memory_space<vmem>>, vector<2000x128xf32>
    tpu.vector_store %arg3[%swap3A, %swap3A_10], %mul3A_9 {strides = array<i32>} : memref<2000x128xf32, #tpu.memory_space<vmem>>, vector<2000x128xf32>,
    return
  }
  func.func @transform_0(%arg0: i32) -> (i32, i32) {
    %c0_i32 = arith.constant 0 : i32
    %c0_i32_0 = arith.constant 0 : i32
    return %arg0, %c0_i32 : i32, i32
  }
  func.func @transform_1(%arg0: i32) -> (i32, i32) {
    %c0_i32 = arith.constant 0 : i32
    %c0_i32_0 = arith.constant 0 : i32
    return %arg0, %c0_i32 : i32, i32
  }
  func.func @transform_2(%arg0: i32) -> (i32, i32) {
    %c0_i32 = arith.constant 0 : i32
    %c0_i32_0 = arith.constant 0 : i32
    return %arg0, %c0_i32 : i32, i32
  }
}

module attributes {stable_mosaic.version = 14 : i64} {
  func.func @_mid_body(%arg0: i32, %arg1: memref<2x2000x128xf32, #tpu.memory_space<vmem>>, %arg2: memref<2000x128xf32, #tpu.memory_space<vmem>>, %arg3: memref<2000x32xf32, #tpu.memory_space<vmem>>, %arg4: memref<1x128xf32, #tpu.memory_space<vmem>>, %arg5: memref<128x128xf32, #tpu.memory_space<vmem>>, %arg6: memref<2000x128xf32, #tpu.memory_space<vmem>>) attributes {dimension_semantics = [#tpu.dimension_semantics<arbitrary>], iteration_bounds = array<i64: 5>, scalar_prefetch = 0 : i64, scratch_operands = 0 : i64, tpu.core_type = #tpu.core_type<tc>, window_params = [{transform_indices = @transform_0, window_bounds = array<i64: 2, 2000, 128>}, {transform_indices = @transform_1, window_bounds = array<i64: 2000, 128>}, {transform_indices = @transform_2, window_bounds = array<i64: 2000, 32>}, {pipeline_mode = #tpu.pipeline_mode<synchronous>, transform_indices = @transform_3, window_bounds = array<i64: 1, 128>}, {pipeline_mode = #tpu.pipeline_mode<synchronous>, transform_indices = @transform_4, window_bounds = array<i64: 128, 128>}, {transform_indices = @transform_5, window_bounds = array<i64: 2000, 128>}]} {
    %broadcast_in_dim3A = arith.constant 1.000000e+00 : f32
    %broadcast_in_dim3A_0 = vector.broadcast %broadcast_in_dim3A : f32 to vector<32x1xf32>
    %get3A = arith.constant 0 : index
    %get3A_1 = arith.constant 0 : index
    %get3A_2 = vector.load %arg3[%get3A, %get3A_1] : memref<2000x32xf32, #tpu.memory_space<vmem>>, vector<2000x32xf32>
    %dot_general3A = arith.constant dense<0.000000e+00> : vector<2000x1xf32>
    %dot_general3A_3 = tpu.matmul %get3A_2, %broadcast_in_dim3A_0, %dot_general3A {dimension_numbers = #tpu.dot_dimension_numbers<[1], [0], [0], [1], [0, 0, 1, 1], [], []>, transpose_lhs_hint = false} : vector<2000x32xf32>, vector<32x1xf32>, vector<2000x1xf32> -> vector<2000x1xf32>
    %add3A = arith.constant 1.000000e+00 : f32
    %add3A_4 = vector.broadcast %add3A : f32 to vector<2000x1xf32>
    %add3A_5 = arith.addf %dot_general3A_3, %add3A_4 : vector<2000x1xf32>
    %rsqrt3A = math.rsqrt %add3A_5 : vector<2000x1xf32>
    %get3A_6 = arith.constant 0 : index
    %get3A_7 = arith.constant 0 : index
    %get3A_8 = arith.constant 0 : index
    %get3A_9 = vector.load %arg1[%get3A_6, %get3A_7, %get3A_8] : memref<2x2000x128xf32, #tpu.memory_space<vmem>>, vector<1x2000x128xf32>
    %get3A_10 = vector.shape_cast %get3A_9 : vector<1x2000x128xf32> to vector<2000x128xf32>
    %get3A_11 = arith.constant 1 : index
    %get3A_12 = arith.constant 0 : index
    %get3A_13 = arith.constant 0 : index
    %get3A_14 = vector.load %arg1[%get3A_11, %get3A_12, %get3A_13] : memref<2x2000x128xf32, #tpu.memory_space<vmem>>, vector<1x2000x128xf32>
    %get3A_15 = vector.shape_cast %get3A_14 : vector<1x2000x128xf32> to vector<2000x128xf32>
    %add3A_16 = arith.addf %get3A_10, %get3A_15 : vector<2000x128xf32>
    %get3A_17 = arith.constant 0 : index
    %get3A_18 = arith.constant 0 : index
    %get3A_19 = vector.load %arg2[%get3A_17, %get3A_18] : memref<2000x128xf32, #tpu.memory_space<vmem>>, vector<2000x128xf32>
    %add3A_20 = arith.addf %add3A_16, %get3A_19 : vector<2000x128xf32>
    %mul3A = vector.broadcast %rsqrt3A : vector<2000x1xf32> to vector<2000x128xf32>
    %mul3A_21 = arith.mulf %add3A_20, %mul3A : vector<2000x128xf32>
    %get3A_22 = arith.constant 0 : index
    %get3A_23 = arith.constant 0 : index
    %get3A_24 = vector.load %arg4[%get3A_22, %get3A_23] : memref<1x128xf32, #tpu.memory_space<vmem>>, vector<1x128xf32>
    %add3A_25 = vector.broadcast %get3A_24 : vector<1x128xf32> to vector<2000x128xf32>
    %add3A_26 = arith.addf %mul3A_21, %add3A_25 : vector<2000x128xf32>
    %get3A_27 = arith.constant 0 : index
    %get3A_28 = arith.constant 0 : index
    %get3A_29 = vector.load %arg5[%get3A_27, %get3A_28] : memref<128x128xf32, #tpu.memory_space<vmem>>, vector<128x128xf32>
    %dot_general3A_30 = arith.constant dense<0.000000e+00> : vector<2000x128xf32>
    %dot_general3A_31 = tpu.matmul %add3A_26, %get3A_29, %dot_general3A_30 {dimension_numbers = #tpu.dot_dimension_numbers<[1], [0], [0], [1], [0, 0, 1, 1], [], []>, transpose_lhs_hint = false} : vector<2000x128xf32>, vector<128x128xf32>, vector<2000x128xf32> -> vector<2000x128xf32>
    %mul3A_32 = vector.broadcast %rsqrt3A : vector<2000x1xf32> to vector<2000x128xf32>
    %mul3A_33 = arith.mulf %dot_general3A_31, %mul3A_32 : vector<2000x128xf32>
    %swap3A = arith.constant 0 : index
    %swap3A_34 = arith.constant 0 : index
    %swap3A_35 = vector.load %arg6[%swap3A, %swap3A_34] : memref<2000x128xf32, #tpu.memory_space<vmem>>, vector<2000x128xf32>
    tpu.vector_store %arg6[%swap3A, %swap3A_34], %mul3A_33 {strides = array<i32>} : memref<2000x128xf32, #tpu.memory_space<vmem>>, vector<2000x128xf32>,
    return
  }
  func.func @transform_0(%arg0: i32) -> (i32, i32, i32) {
    %c0_i32 = arith.constant 0 : i32
    %c0_i32_0 = arith.constant 0 : i32
    %c0_i32_1 = arith.constant 0 : i32
    return %c0_i32, %arg0, %c0_i32_0 : i32, i32, i32
  }
  func.func @transform_1(%arg0: i32) -> (i32, i32) {
    %c0_i32 = arith.constant 0 : i32
    %c0_i32_0 = arith.constant 0 : i32
    return %arg0, %c0_i32 : i32, i32
  }
  func.func @transform_2(%arg0: i32) -> (i32, i32) {
    %c0_i32 = arith.constant 0 : i32
    %c0_i32_0 = arith.constant 0 : i32
    return %arg0, %c0_i32 : i32, i32
  }
  func.func @transform_3(%arg0: i32) -> (i32, i32) {
    %c0_i32 = arith.constant 0 : i32
    %c0_i32_0 = arith.constant 0 : i32
    %c0_i32_1 = arith.constant 0 : i32
    return %c0_i32, %c0_i32_0 : i32, i32
  }
  func.func @transform_4(%arg0: i32) -> (i32, i32) {
    %c0_i32 = arith.constant 0 : i32
    %c0_i32_0 = arith.constant 0 : i32
    %c0_i32_1 = arith.constant 0 : i32
    return %c0_i32, %c0_i32_0 : i32, i32
  }
  func.func @transform_5(%arg0: i32) -> (i32, i32) {
    %c0_i32 = arith.constant 0 : i32
    %c0_i32_0 = arith.constant 0 : i32
    return %arg0, %c0_i32 : i32, i32
  }
}

module attributes {stable_mosaic.version = 14 : i64} {
  func.func @_fin_body(%arg0: i32, %arg1: memref<2x2000x128xf32, #tpu.memory_space<vmem>>, %arg2: memref<2000x128xf32, #tpu.memory_space<vmem>>, %arg3: memref<2000x32xf32, #tpu.memory_space<vmem>>, %arg4: memref<1x128xf32, #tpu.memory_space<vmem>>, %arg5: memref<1x1x2000xi32, #tpu.memory_space<vmem>>, %arg6: memref<128x128xf32, #tpu.memory_space<vmem>>, %arg7: memref<1x128xf32, #tpu.memory_space<vmem>>, %arg8: memref<2000x128xf32, #tpu.memory_space<vmem>>, %arg9: memref<64x128xf32, #tpu.memory_space<vmem>>, %arg10: memref<64x128xf32, #tpu.memory_space<vmem>>, %arg11: memref<64x128xf32, #tpu.memory_space<vmem>>) attributes {dimension_semantics = [#tpu.dimension_semantics<arbitrary>], iteration_bounds = array<i64: 5>, scalar_prefetch = 0 : i64, scratch_operands = 2 : i64, tpu.core_type = #tpu.core_type<tc>, window_params = [{transform_indices = @transform_0, window_bounds = array<i64: 2, 2000, 128>}, {transform_indices = @transform_1, window_bounds = array<i64: 2000, 128>}, {transform_indices = @transform_2, window_bounds = array<i64: 2000, 32>}, {pipeline_mode = #tpu.pipeline_mode<synchronous>, transform_indices = @transform_3, window_bounds = array<i64: 1, 128>}, {transform_indices = @transform_4, window_bounds = array<i64: 1, 1, 2000>}, {pipeline_mode = #tpu.pipeline_mode<synchronous>, transform_indices = @transform_5, window_bounds = array<i64: 128, 128>}, {pipeline_mode = #tpu.pipeline_mode<synchronous>, transform_indices = @transform_6, window_bounds = array<i64: 1, 128>}, {transform_indices = @transform_7, window_bounds = array<i64: 2000, 128>}, {pipeline_mode = #tpu.pipeline_mode<synchronous>, transform_indices = @transform_8, window_bounds = array<i64: 64, 128>}]} {
    %broadcast_in_dim3A = arith.constant 1.000000e+00 : f32
    %broadcast_in_dim3A_0 = vector.broadcast %broadcast_in_dim3A : f32 to vector<32x1xf32>
    %get3A = arith.constant 0 : index
    %get3A_1 = arith.constant 0 : index
    %get3A_2 = vector.load %arg3[%get3A, %get3A_1] : memref<2000x32xf32, #tpu.memory_space<vmem>>, vector<2000x32xf32>
    %dot_general3A = arith.constant dense<0.000000e+00> : vector<2000x1xf32>
    %dot_general3A_3 = tpu.matmul %get3A_2, %broadcast_in_dim3A_0, %dot_general3A {dimension_numbers = #tpu.dot_dimension_numbers<[1], [0], [0], [1], [0, 0, 1, 1], [], []>, transpose_lhs_hint = false} : vector<2000x32xf32>, vector<32x1xf32>, vector<2000x1xf32> -> vector<2000x1xf32>
    %add3A = arith.constant 1.000000e+00 : f32
    %add3A_4 = vector.broadcast %add3A : f32 to vector<2000x1xf32>
    %add3A_5 = arith.addf %dot_general3A_3, %add3A_4 : vector<2000x1xf32>
    %rsqrt3A = math.rsqrt %add3A_5 : vector<2000x1xf32>
    %get3A_6 = arith.constant 0 : index
    %get3A_7 = arith.constant 0 : index
    %get3A_8 = arith.constant 0 : index
    %get3A_9 = vector.load %arg1[%get3A_6, %get3A_7, %get3A_8] : memref<2x2000x128xf32, #tpu.memory_space<vmem>>, vector<1x2000x128xf32>
    %get3A_10 = vector.shape_cast %get3A_9 : vector<1x2000x128xf32> to vector<2000x128xf32>
    %get3A_11 = arith.constant 1 : index
    %get3A_12 = arith.constant 0 : index
    %get3A_13 = arith.constant 0 : index
    %get3A_14 = vector.load %arg1[%get3A_11, %get3A_12, %get3A_13] : memref<2x2000x128xf32, #tpu.memory_space<vmem>>, vector<1x2000x128xf32>
    %get3A_15 = vector.shape_cast %get3A_14 : vector<1x2000x128xf32> to vector<2000x128xf32>
    %add3A_16 = arith.addf %get3A_10, %get3A_15 : vector<2000x128xf32>
    %get3A_17 = arith.constant 0 : index
    %get3A_18 = arith.constant 0 : index
    %get3A_19 = vector.load %arg2[%get3A_17, %get3A_18] : memref<2000x128xf32, #tpu.memory_space<vmem>>, vector<2000x128xf32>
    %add3A_20 = arith.addf %add3A_16, %get3A_19 : vector<2000x128xf32>
    %mul3A = vector.broadcast %rsqrt3A : vector<2000x1xf32> to vector<2000x128xf32>
    %mul3A_21 = arith.mulf %add3A_20, %mul3A : vector<2000x128xf32>
    %get3A_22 = arith.constant 0 : index
    %get3A_23 = arith.constant 0 : index
    %get3A_24 = vector.load %arg4[%get3A_22, %get3A_23] : memref<1x128xf32, #tpu.memory_space<vmem>>, vector<1x128xf32>
    %add3A_25 = vector.broadcast %get3A_24 : vector<1x128xf32> to vector<2000x128xf32>
    %add3A_26 = arith.addf %mul3A_21, %add3A_25 : vector<2000x128xf32>
    %swap3A = arith.constant 0 : index
    %swap3A_27 = arith.constant 0 : index
    %swap3A_28 = vector.load %arg8[%swap3A, %swap3A_27] : memref<2000x128xf32, #tpu.memory_space<vmem>>, vector<2000x128xf32>
    tpu.vector_store %arg8[%swap3A, %swap3A_27], %add3A_26 {strides = array<i32>} : memref<2000x128xf32, #tpu.memory_space<vmem>>, vector<2000x128xf32>,
    %iota3A = tpu.iota {dimensions = array<i32: 0>} : vector<64x2000xi32>
    %get3A_29 = arith.constant 0 : index
    %get3A_30 = arith.constant 0 : index
    %get3A_31 = arith.constant 0 : index
    %get3A_32 = vector.load %arg5[%get3A_29, %get3A_30, %get3A_31] : memref<1x1x2000xi32, #tpu.memory_space<vmem>>, vector<1x1x2000xi32>
    %get3A_33 = vector.shape_cast %get3A_32 : vector<1x1x2000xi32> to vector<1x2000xi32>
    %eq3A = vector.broadcast %get3A_33 : vector<1x2000xi32> to vector<64x2000xi32>
    %eq3A_34 = arith.cmpi eq, %eq3A, %iota3A : vector<64x2000xi32>
    %convert_element_type3A = arith.extui %eq3A_34 : vector<64x2000xi1> to vector<64x2000xi32>
    %convert_element_type3A_35 = arith.sitofp %convert_element_type3A : vector<64x2000xi32> to vector<64x2000xf32>
    %dot_general3A_36 = arith.constant dense<0.000000e+00> : vector<64x128xf32>
    %dot_general3A_37 = tpu.matmul %convert_element_type3A_35, %add3A_26, %dot_general3A_36 {dimension_numbers = #tpu.dot_dimension_numbers<[1], [0], [0], [1], [0, 0, 1, 1], [], []>, transpose_lhs_hint = false} : vector<64x2000xf32>, vector<2000x128xf32>, vector<64x128xf32> -> vector<64x128xf32>
    %reduce_sum3A = arith.constant dense<0.000000e+00> : vector<64xf32>
    %reduce_sum3A_38 = vector.multi_reduction <add>, %convert_element_type3A_35, %reduce_sum3A [1] : vector<64x2000xf32> to vector<64xf32>
    %broadcast_in_dim3A_39 = vector.shape_cast %reduce_sum3A_38 : vector<64xf32> to vector<64x1xf32>
    %broadcast_in_dim3A_40 = vector.shape_cast %broadcast_in_dim3A_39 : vector<64x1xf32> to vector<64x1xf32>
    %broadcast_in_dim3A_41 = vector.broadcast %broadcast_in_dim3A_40 : vector<64x1xf32> to vector<64x128xf32>
    %eq3A_42 = arith.constant 0 : i32
    %eq3A_43 = arith.cmpi eq, %arg0, %eq3A_42 : i32
    %convert_element_type3A_44 = arith.extui %eq3A_43 : i1 to i32
    %cond3A = arith.constant 0 : i32
    %cond3A_45 = arith.cmpi ne, %convert_element_type3A_44, %cond3A : i32
    scf.if %cond3A_45 {
      %swap3A_55 = arith.constant 0 : index
      %swap3A_56 = arith.constant 0 : index
      %swap3A_57 = vector.load %arg10[%swap3A_55, %swap3A_56] : memref<64x128xf32, #tpu.memory_space<vmem>>, vector<64x128xf32>
      tpu.vector_store %arg10[%swap3A_55, %swap3A_56], %dot_general3A_37 {strides = array<i32>} : memref<64x128xf32, #tpu.memory_space<vmem>>, vector<64x128xf32>,
      %swap3A_58 = arith.constant 0 : index
      %swap3A_59 = arith.constant 0 : index
      %swap3A_60 = vector.load %arg11[%swap3A_58, %swap3A_59] : memref<64x128xf32, #tpu.memory_space<vmem>>, vector<64x128xf32>
      tpu.vector_store %arg11[%swap3A_58, %swap3A_59], %broadcast_in_dim3A_41 {strides = array<i32>} : memref<64x128xf32, #tpu.memory_space<vmem>>, vector<64x128xf32>,
    } else {
    }
    %gt3A = arith.constant 0 : i32
    %gt3A_46 = arith.cmpi sgt, %arg0, %gt3A : i32
    %convert_element_type3A_47 = arith.extui %gt3A_46 : i1 to i32
    %cond3A_48 = arith.constant 0 : i32
    %cond3A_49 = arith.cmpi ne, %convert_element_type3A_47, %cond3A_48 : i32
    scf.if %cond3A_49 {
      %get3A_55 = arith.constant 0 : index
      %get3A_56 = arith.constant 0 : index
      %get3A_57 = vector.load %arg10[%get3A_55, %get3A_56] : memref<64x128xf32, #tpu.memory_space<vmem>>, vector<64x128xf32>
      %add3A_58 = arith.addf %get3A_57, %dot_general3A_37 : vector<64x128xf32>
      %swap3A_59 = arith.constant 0 : index
      %swap3A_60 = arith.constant 0 : index
      %swap3A_61 = vector.load %arg10[%swap3A_59, %swap3A_60] : memref<64x128xf32, #tpu.memory_space<vmem>>, vector<64x128xf32>
      tpu.vector_store %arg10[%swap3A_59, %swap3A_60], %add3A_58 {strides = array<i32>} : memref<64x128xf32, #tpu.memory_space<vmem>>, vector<64x128xf32>,
      %get3A_62 = arith.constant 0 : index
      %get3A_63 = arith.constant 0 : index
      %get3A_64 = vector.load %arg11[%get3A_62, %get3A_63] : memref<64x128xf32, #tpu.memory_space<vmem>>, vector<64x128xf32>
      %add3A_65 = arith.addf %get3A_64, %broadcast_in_dim3A_41 : vector<64x128xf32>
      %swap3A_66 = arith.constant 0 : index
      %swap3A_67 = arith.constant 0 : index
      %swap3A_68 = vector.load %arg11[%swap3A_66, %swap3A_67] : memref<64x128xf32, #tpu.memory_space<vmem>>, vector<64x128xf32>
      tpu.vector_store %arg11[%swap3A_66, %swap3A_67], %add3A_65 {strides = array<i32>} : memref<64x128xf32, #tpu.memory_space<vmem>>, vector<64x128xf32>,
    } else {
    }
    %eq3A_50 = arith.constant 4 : i32
    %eq3A_51 = arith.cmpi eq, %arg0, %eq3A_50 : i32
    %convert_element_type3A_52 = arith.extui %eq3A_51 : i1 to i32
    %cond3A_53 = arith.constant 0 : i32
    %cond3A_54 = arith.cmpi ne, %convert_element_type3A_52, %cond3A_53 : i32
    scf.if %cond3A_54 {
      %get3A_55 = arith.constant 0 : index
      %get3A_56 = arith.constant 0 : index
      %get3A_57 = vector.load %arg10[%get3A_55, %get3A_56] : memref<64x128xf32, #tpu.memory_space<vmem>>, vector<64x128xf32>
      %get3A_58 = arith.constant 0 : index
      %get3A_59 = arith.constant 0 : index
      %get3A_60 = vector.load %arg11[%get3A_58, %get3A_59] : memref<64x128xf32, #tpu.memory_space<vmem>>, vector<64x128xf32>
      %max3A = arith.constant 1.000000e+00 : f32
      %max3A_61 = vector.broadcast %max3A : f32 to vector<64x128xf32>
      %max3A_62 = arith.maximumf %get3A_60, %max3A_61 : vector<64x128xf32>
      %div3A = arith.divf %get3A_57, %max3A_62 : vector<64x128xf32>
      %get3A_63 = arith.constant 0 : index
      %get3A_64 = arith.constant 0 : index
      %get3A_65 = vector.load %arg6[%get3A_63, %get3A_64] : memref<128x128xf32, #tpu.memory_space<vmem>>, vector<128x128xf32>
      %dot_general3A_66 = arith.constant dense<0.000000e+00> : vector<64x128xf32>
      %dot_general3A_67 = tpu.matmul %div3A, %get3A_65, %dot_general3A_66 {dimension_numbers = #tpu.dot_dimension_numbers<[1], [0], [0], [1], [0, 0, 1, 1], [], []>, transpose_lhs_hint = false} : vector<64x128xf32>, vector<128x128xf32>, vector<64x128xf32> -> vector<64x128xf32>
      %get3A_68 = arith.constant 0 : index
      %get3A_69 = arith.constant 0 : index
      %get3A_70 = vector.load %arg7[%get3A_68, %get3A_69] : memref<1x128xf32, #tpu.memory_space<vmem>>, vector<1x128xf32>
      %add3A_71 = vector.broadcast %get3A_70 : vector<1x128xf32> to vector<64x128xf32>
      %add3A_72 = arith.addf %dot_general3A_67, %add3A_71 : vector<64x128xf32>
      %swap3A_73 = arith.constant 0 : index
      %swap3A_74 = arith.constant 0 : index
      %swap3A_75 = vector.load %arg9[%swap3A_73, %swap3A_74] : memref<64x128xf32, #tpu.memory_space<vmem>>, vector<64x128xf32>
      tpu.vector_store %arg9[%swap3A_73, %swap3A_74], %add3A_72 {strides = array<i32>} : memref<64x128xf32, #tpu.memory_space<vmem>>, vector<64x128xf32>,
    } else {
    }
    return
  }
  func.func @transform_0(%arg0: i32) -> (i32, i32, i32) {
    %c0_i32 = arith.constant 0 : i32
    %c0_i32_0 = arith.constant 0 : i32
    %c0_i32_1 = arith.constant 0 : i32
    return %c0_i32, %arg0, %c0_i32_0 : i32, i32, i32
  }
  func.func @transform_1(%arg0: i32) -> (i32, i32) {
    %c0_i32 = arith.constant 0 : i32
    %c0_i32_0 = arith.constant 0 : i32
    return %arg0, %c0_i32 : i32, i32
  }
  func.func @transform_2(%arg0: i32) -> (i32, i32) {
    %c0_i32 = arith.constant 0 : i32
    %c0_i32_0 = arith.constant 0 : i32
    return %arg0, %c0_i32 : i32, i32
  }
  func.func @transform_3(%arg0: i32) -> (i32, i32) {
    %c0_i32 = arith.constant 0 : i32
    %c0_i32_0 = arith.constant 0 : i32
    %c0_i32_1 = arith.constant 0 : i32
    return %c0_i32, %c0_i32_0 : i32, i32
  }
  func.func @transform_4(%arg0: i32) -> (i32, i32, i32) {
    %c0_i32 = arith.constant 0 : i32
    %c0_i32_0 = arith.constant 0 : i32
    %c0_i32_1 = arith.constant 0 : i32
    return %arg0, %c0_i32, %c0_i32_0 : i32, i32, i32
  }
  func.func @transform_5(%arg0: i32) -> (i32, i32) {
    %c0_i32 = arith.constant 0 : i32
    %c0_i32_0 = arith.constant 0 : i32
    %c0_i32_1 = arith.constant 0 : i32
    return %c0_i32, %c0_i32_0 : i32, i32
  }
  func.func @transform_6(%arg0: i32) -> (i32, i32) {
    %c0_i32 = arith.constant 0 : i32
    %c0_i32_0 = arith.constant 0 : i32
    %c0_i32_1 = arith.constant 0 : i32
    return %c0_i32, %c0_i32_0 : i32, i32
  }
  func.func @transform_7(%arg0: i32) -> (i32, i32) {
    %c0_i32 = arith.constant 0 : i32
    %c0_i32_0 = arith.constant 0 : i32
    return %arg0, %c0_i32 : i32, i32
  }
  func.func @transform_8(%arg0: i32) -> (i32, i32) {
    %c0_i32 = arith.constant 0 : i32
    %c0_i32_0 = arith.constant 0 : i32
    %c0_i32_1 = arith.constant 0 : i32
    return %c0_i32, %c0_i32_0 : i32, i32
  }
}

</mosaic_0001>

<sc_bundles>
// kernel: kernel.12.cloned.1.call-start
scs
__scs_entry_jumppad:
0x0: {  	(pc) =	sbr.rel $0x88, $3  }
0x1: {  	(tag) =	ssettag $0x0;
	lr =	simm.s32 $0x1  }
0x2: {  	[smem:$0x3F94] =	sst lr;
	_ =	strace $0xD0000000  }
0x3: {  	_ = 	snop  }
0x4: {  	_ = 	snop  }
0x5: {  	_ = 	snop  }
0x6: {  	_ = 	snop  }
0x7: {  	_ = 	snop  }
__scs_overlays_trampoline_lowered:
0x8: {  	[smem:$0x3FA3] =	sst s0  }
0x9: {  	[smem:$0x3FA4] =	sst s1  }
0xa: {  	[smem:$0x3FA5] =	sst s2  }
0xb: {  	[smem:$0x3FA6] =	sst s3  }
0xc: {  	[smem:$0x3FA7] =	sst s4  }
0xd: {  	[smem:$0x3FA8] =	sst s5  }
0xe: {  	[smem:$0x3FA9] =	sst s6  }
0xf: {  	[smem:$0x3FAA] =	sst s7  }
0x10: {  	[smem:$0x3FAB] =	sst s8  }
0x11: {  	[smem:$0x3FAC] =	sst s9;
	s0 =	simm.s32 @!p0 $0x0  }
0x12: {  	s1 =	sld [smem:$0x3F92];
	s0 =	simm.s32 @p0 $0x1  }
0x13: {  	[smem:$0x3FAD] =	sst s0;
	s0 =	simm.s32 @!p1 $0x0  }
0x14: {  	s2 =	sld [smem:$0x3F91];
	s0 =	simm.s32 @p1 $0x1  }
0x15: {  	[smem:$0x3FAE] =	sst s0;
	s0 =	simm.s32 @!p2 $0x0  }
0x16: {  	s3 =	sld [smem:$0x3FDB];
	s0 =	simm.s32 @p2 $0x1  }
0x17: {  	s4 =	simm.s32 $0x1BF5;
	[smem:$0x3FB0] =	sst s0  }
0x18: {  	s0 =	sld [smem:$0x3F93];
	_ =	swait.ge [sflag:s4], $0x0  }
0x19: {  	s7 =	sld [smem:$0x3F94]  }
0x1a: {  	s8 =	sadd.s32 $0xFFFFE003, lr  }
0x1b: {  	s9 =	sadd.s32 $0xFFFFFEF7, lr;
	s5 =	simm.s32 $0xFFFFFFFF;
	p2 =	slt.u32 s8, $0xFFFFF086  }
0x1c: {  	p1 =	slt.u32 s9, $0xF7A;
	s5 =	simm.s32 @!p2 $0x0  }
0x1d: {  	s5 =	simm.s32 @p1 $0x1;
	p0 =	seq.s32 s7, s2  }
0x1e: {  	s7 =	smul.u32 @!p0 $0xF7A, s2;
	p2 =	seq.s32 @!p0 s5, $0x0  }
0x1f: {  	s9 =	smul.u32 $0xF7A, s1;
	s8 =	simm.s32 @!p0 $0x1BF5;
	p2 =	por !p2, p0  }
0x20: {  	[sflag:s8] =	ssyncset.s32 @!p0 $0xFFFFF086;
	s6 =	sadd.s32 @!p0 s3, s7;
	s7 =	simm.s32 @!p0 $0x108  }
0x21: {  	s3 =	sadd.s32 s3, s9;
	s6 =	sadd.s32 @!p0 $0x88, s6;
	s7 =	simm.s32 @p2 $0x1082  }
0x22: {  	[simem:s7], [sflag:s8] =	dma.local @!p0 [hbm:s6], $0xF7A  }
0x23: {  	s9 =	sor.u32 $0xD0000000, s2;
	s6 =	simm.s32 $0x108;
	_ =	swait.ge @!p0 [sflag:s8], $0x0  }
0x24: {  	s3 =	sadd.s32 $0x88, s3;
	s6 =	simm.s32 @!p1 $0x1082;
	[sflag:s4] =	ssyncset.s32 $0xFFFFF086  }
0x25: {  	[simem:s6], [sflag:s4] =	dma.local [hbm:s3], $0xF7A  }
0x26: {  	[smem:$0x3F94] =	sst s1;
	(tag) =	ssettag s2;
	_ =	strace s9  }
0x27: {  	s1 =	sld [smem:$0x3FA4]  }
0x28: {  	s2 =	sld [smem:$0x3FA5]  }
0x29: {  	s4 =	sld [smem:$0x3FA7]  }
0x2a: {  	p0 =	seq.s32 s5, $0x0;
	s5 =	sld [smem:$0x3FA8]  }
0x2b: {  	s6 =	sld [smem:$0x3FA9]  }
0x2c: {  	s7 =	sld [smem:$0x3FAA]  }
0x2d: {  	s3 =	simm.s32 $0x108;
	s8 =	sld [smem:$0x3FAB]  }
0x2e: {  	s3 =	simm.s32 @!p0 $0x1082;
	s9 =	sld [smem:$0x3FAC]  }
0x2f: {  	lr =	sadd.s32 s0, s3;
	s0 =	sld [smem:$0x3FA3]  }
0x30: {  	s3 =	sld [smem:$0x3FA6]  }
0x31: {  	[smem:$0x3FAF] =	sst s10  }
0x32: {  	s10 =	sld [smem:$0x3FAD];
	_ =	sdelay $0x3  }
0x33: {  	p0 =	seq.s32 s10, $0x1;
	s10 =	sld [smem:$0x3FAF];
	_ =	sdelay $0x3  }
0x34: {  	[smem:$0x3FAF] =	sst s10  }
0x35: {  	s10 =	sld [smem:$0x3FAE];
	_ =	sdelay $0x3  }
0x36: {  	p1 =	seq.s32 s10, $0x1;
	s10 =	sld [smem:$0x3FAF];
	_ =	sdelay $0x3  }
0x37: {  	[smem:$0x3FAF] =	sst s10  }
0x38: {  	s10 =	sld [smem:$0x3FB0]  }
0x39: {  	_ = 	snop;
	(pc) =	sbr.ind lr, $3  }
0x3a: {  	_ = 	snop  }
0x3b: {  	_ = 	snop  }
0x3c: {  	p2 =	seq.s32 s10, $0x1;
	s10 =	sld [smem:$0x3FAF]  }
0x3d: {  	_ =	shalt  }
0x3e: {  	_ =	shalt  }
0x3f: {  	_ =	shalt  }
0x40: {  	_ =	shalt  }
0x41: {  	_ =	shalt  }
0x42: {  	_ =	shalt  }
0x43: {  	_ =	shalt  }
0x44: {  	_ =	shalt  }
0x45: {  	_ =	shalt  }
0x46: {  	_ =	shalt  }
0x47: {  	_ =	shalt  }
0x48: {  	_ =	shalt  }
0x49: {  	_ =	shalt  }
0x4a: {  	_ =	shalt  }
0x4b: {  	_ =	shalt  }
0x4c: {  	_ =	shalt  }
0x4d: {  	_ =	shalt  }
0x4e: {  	_ =	shalt  }
0x4f: {  	_ =	shalt  }
0x50: {  	_ =	shalt  }
0x51: {  	_ =	shalt  }
0x52: {  	_ =	shalt  }
0x53: {  	_ =	shalt  }
0x54: {  	_ =	shalt  }
0x55: {  	_ =	shalt  }
0x56: {  	_ =	shalt  }
0x57: {  	_ =	shalt  }
0x58: {  	_ =	shalt  }
0x59: {  	_ =	shalt  }
0x5a: {  	_ =	shalt  }
0x5b: {  	_ =	shalt  }
0x5c: {  	_ =	shalt  }
0x5d: {  	_ =	shalt  }
0x5e: {  	_ =	shalt  }
0x5f: {  	_ =	shalt  }
0x60: {  	_ =	shalt  }
0x61: {  	_ =	shalt  }
0x62: {  	_ =	shalt  }
0x63: {  	_ =	shalt  }
0x64: {  	_ =	shalt  }
0x65: {  	_ =	shalt  }
0x66: {  	_ =	shalt  }
0x67: {  	_ =	shalt  }
0x68: {  	_ =	shalt  }
0x69: {  	_ =	shalt  }
0x6a: {  	_ =	shalt  }
0x6b: {  	_ =	shalt  }
0x6c: {  	_ =	shalt  }
0x6d: {  	_ =	shalt  }
0x6e: {  	_ =	shalt  }
0x6f: {  	_ =	shalt  }
0x70: {  	_ =	shalt  }
0x71: {  	_ =	shalt  }
0x72: {  	_ =	shalt  }
0x73: {  	_ =	shalt  }
0x74: {  	_ =	shalt  }
0x75: {  	_ =	shalt  }
0x76: {  	_ =	shalt  }
0x77: {  	_ =	shalt  }
0x78: {  	_ =	shalt  }
0x79: {  	_ =	shalt  }
0x7a: {  	_ =	shalt  }
0x7b: {  	_ =	shalt  }
0x7c: {  	_ =	shalt  }
0x7d: {  	_ =	shalt  }
0x7e: {  	_ =	shalt  }
0x7f: {  	_ =	shalt  }
0x80: {  	_ =	shalt  }
0x81: {  	_ =	shalt  }
0x82: {  	_ =	shalt  }
0x83: {  	_ =	shalt  }
0x84: {  	_ =	shalt  }
0x85: {  	_ =	shalt  }
0x86: {  	_ =	shalt  }
0x87: {  	_ =	shalt  }
.Lfunc_end0:
.L_simem_size_0:
called_computation.1_lowered:
.L_overlay_start_0:
0x88: {  	s2 =	sld [smem:$0x3FD9]  }
0x89: {  	s3 =	sld [smem:$0x3FFE];
	_ =	sdelay $0x1  }
0x8a: {  	s1 =	srdreg.scid  }
0x8b: {  	s0 =	sand.u32 $0x1, s1  }
0x8c: {  	s14 =	sshll.u32 s0, $0xA;
	s2 =	sadd.s32 s3, s2  }
0x8d: {  	s2 =	sadd.s32 s2, s14  }
0x8e: {  	[smem:$0x3FBB] =	sst s2  }
0x8f: {  	_ = 	snop  }
0x90: {  	s2 =	sld [smem:$0x3FD0];
	_ =	sdelay $0x2  }
0x91: {  	s15 =	simm.s32 $0xA;
	s4 =	simm.s32 $0x10  }
0x92: {  	[smem:s4], [sflag:s15] =	dma.local [hbm:s2], $0x1  }
0x93: {  	_ =	swait.eq [sflag:s15], $0x1  }
0x94: {  	[sflag:s15] =	ssyncset.done $0x0  }
0x95: {  	[sflag:s15] =	ssyncadd.s32 $0xFFFFFFFF  }
0x96: {  	s16 =	sld [smem:$0x11];
	(tm) =	ssettm $0x1  }
0x97: {  	s17 =	sld [smem:$0x3FFB];
	_ =	sdelay $0x3  }
0x98: {  	_ =	strace s17  }
0x99: {  	s3 =	sld [smem:$0x3FFC];
	_ =	sdelay $0x3  }
0x9a: {  	_ =	strace s3  }
0x9b: {  	s3 =	sld [smem:$0x3FFD];
	_ =	sdelay $0x3  }
0x9c: {  	_ =	strace s3  }
0x9d: {  	_ =	strace $0x8FFFFFFF  }
0x9e: {  	s18 =	sld [smem:$0x3FDB];
	_ =	sdelay $0x1  }
0x9f: {  	s19 =	simm.s32 $_scs_section_size  }
0xa0: {  	s5 =	simm.s32 $_size__tile_overlayer_lowered;
	s6 =	simm.s32 $_tile_overlayer_lowered  }
0xa1: {  	s22 =	simm.s32 $0x1BFF;
	s21 =	sshll.u32 s6, $0x1;
	s3 =	sadd.s32 s19, s18  }
0xa2: {  	s7 =	simm.s32 $0x0;
	s20 =	sshll.u32 s5, $0x1;
	s5 =	sadd.s32 s21, s3  }
0xa3: {  	[timem:s7], [sflag:s22] =	dma.local [hbm:s5], s20  }
0xa4: {  	_ =	swait.ge [sflag:s22], s20  }
0xa5: {  	s4 =	ssub.s32 $0x0, s20;
	[sflag:s22] =	ssyncset.done $0x0  }
0xa6: {  	[sflag:s22] =	ssyncadd.s32 s4;
	_ =	sdelay $0x1  }
0xa7: {  	s23 =	simm.s32 $0x1B8B  }
0xa8: {  	_ =	swait.ge [sflag:s23], $0x1  }
0xa9: {  	[sflag:s23] =	ssyncset.done $0x0  }
0xaa: {  	s25 =	simm.s32 $0x1B8E;
	s24 =	sld [smem:$0x3FFE];
	[sflag:s23] =	ssyncadd.s32 $0xFFFFFFFF  }
0xab: {  	s26 =	simm.s32 $execute0_lowered;
	[smem:$0x3FD2] =	sst s25  }
0xac: {  	s5 =	sshll.u32 s26, $0x1;
	_ =	strace $0x80000049;
	[dreg:$0x1] =	wrdreg $0xFFFFFFFF  }
0xad: {  	s28 =	simm.s32 $_size_execute0_lowered;
	s3 =	sadd.s32 s3, s5;
	[dreg:$0x0] =	wrdreg $0x0  }
0xae: {  	s5 =	sshll.u32 s28, $0x1;
	[dreg:$0x2] =	wrdreg s3  }
0xaf: {  	[dreg:$0x3] =	wrdreg s5  }
0xb0: {  	[dreg:$0x4] =	wrdreg $0xC0  }
0xb1: {  	_ =	task [dreg:s7], $0x5FFFF  }
0xb2: {  	[dreg:$0x1] =	wrdreg $0xFFFFFFFF  }
0xb3: {  	[dreg:$0x0] =	wrdreg $0x60  }
0xb4: {  	[dreg:$0x2] =	wrdreg s16  }
0xb5: {  	[dreg:$0x3] =	wrdreg s24  }
0xb6: {  	[dreg:$0x4] =	wrdreg $0xA4000  }
0xb7: {  	[dreg:$0x5] =	wrdreg $0x9  }
0xb8: {  	_ =	task.clear_ibuf [dreg:s7], $0x6FFFF;
	_ =	strace $0x90000049  }
0xb9: {  	s29 =	simm.s32 $0x9;
	_ =	strace $0x8000004B  }
0xba: {  	_ =	swait.ge [sflag:s29], $0x1  }
0xbb: {  	[sflag:s29] =	ssyncadd.s32 $0xFFFFFFFF  }
0xbc: {  	_ =	strace $0x9000004B  }
0xbd: {  	_ =	sfence  }
0xbe: {  	s30 =	sld [smem:$0x0];
	_ =	sdelay $0x2  }
0xbf: {  	s31 =	sshll.u32 s1, $0xD;
	s1 =	sshrl.u32 s1, $0x2  }
0xc0: {  	s3 =	sand.u32 $0x4000, s31;
	s1 =	sadd.s32 s1, s30  }
0xc1: {  	s0 =	sor.u32 s3, s0;
	s1 =	sshll.u32 s1, $0x11  }
0xc2: {  	s0 =	sor.u32 s1, s0  }
0xc3: {  	s0 =	sadd.s32 $0x8F2B, s0  }
0xc4: {  	[sflag:s0] =	ssyncadd.remote.s32 $0x1  }
0xc5: {  	_ =	sfence.sel $0xFFFF  }
0xc6: {  	[dreg:$0x0] =	wrdreg $0xFFFFFFFF;
	(pc) =	sbr.abs _section_cstart, $3  }
0xc7: {  	[dreg:$0x1] =	wrdreg $0xFFFFFFFF  }
0xc8: {  	_ =	task.clear_ibuf [dreg:s7], $0x2FFFF;
	_ =	strace $0x9FFFFFFF  }
0xc9: {  	(tm) =	ssettm $0x7FFFFFFF  }
tec
execute0_lowered:
.L_overlay_start_1:
0x0: {  	(tag) =	ssettag $0x1  }
0x1: {  	s1 =	rddreg [dreg:$0x0]  }
0x2: {  	s0 =	rddreg [dreg:$0x1]  }
0x3: {  	s2 =	rddreg [dreg:$0x2];
	s3 =	simm.s32 $0x0;
	s14 =	srdreg.scid  }
0x4: {  	s6 =	stileid.u32;
	s28 =	simm.s32 $0x50;
	s31 =	simm.s32 $0x100  }
0x5: {  	[smem:$0x7FF] =	sst s3;
	s26 =	sadd.s32 $0x3400, s0;
	s25 =	sadd.s32 $0xD200, s0  }
0x6: {  	s4 =	sadd.s32 $0x17000, s0;
	s5 =	sshll.u32 s6, $0x1;
	s7 =	smul.u32 $0x4E000, s6  }
0x7: {  	s0 =	sadd.s32 $0x19800, s0;
	s15 =	sshll.u32 s6, $0x6;
	s16 =	smul.u32 $0x4E20, s6  }
0x8: {  	s17 =	sadd.s32 $0x138000, s2;
	s22 =	smul.u32 $0x13800, s6;
	p0 =	sne.s32 s6, $0xF  }
0x9: {  	_ =	strace $0x8000004A;
	[dreg:$0xa] =	wrdreg s4;
	s4 =	sand.u32 $0x1, s14  }
0xa: {  	s29 =	sor.u32 $0x1C0D, s15;
	[dreg:$0xd] =	wrdreg s17;
	s8 =	ssub.s32 $0x2, s4  }
0xb: {  	s5 =	sor.u32 s4, s5;
	s7 =	sshrl.u32 s7, $0x2;
	s10 =	smul.u32 $0x2710, s4  }
0xc: {  	s4 =	smul.u32 $0x138800, s4;
	[dreg:$0xc] =	wrdreg s29;
	s9 =	sshrl.u32 s8, $0x1  }
0xd: {  	s5 =	smul.u32 $0x2710, s5;
	s7 =	sadd.s32 s7, s2;
	s8 =	ssub.s32 s8, s9  }
0xe: {  	[dreg:$0xb] =	wrdreg s7;
	s7 =	sadd.s32 s10, s16;
	s10 =	sadd.s32 s22, s4  }
0xf: {  	s4 =	sshrl.u32 s4, $0x3;
	s5 =	sshrl.u32 s5, $0x3;
	s23 =	sadd.s32 $0x230, s7  }
0x10: {  	s10 =	sshrl.u32 s10, $0x3;
	s14 =	sadd.s32 $0x1E0, s7;
	s11 =	sadd.s32 s26, s5  }
0x11: {  	s17 =	sadd.s32 $0x190, s7;
	s19 =	sadd.s32 s25, s5;
	[dreg:$0xe] =	wrdreg s11  }
0x12: {  	s18 =	sadd.s32 $0xA, s5;
	s10 =	sadd.s32 s0, s10;
	[dreg:$0xf] =	wrdreg s19  }
0x13: {  	s21 =	sadd.s32 $0x14, s5;
	s20 =	sadd.s32 s26, s18;
	[dreg:$0x14] =	wrdreg s10  }
0x14: {  	s24 =	sshrl.u32 s23, $0x3;
	s9 =	sadd.s32 s25, s18;
	[dreg:$0x10] =	wrdreg s20  }
0x15: {  	s30 =	sadd.s32 $0x1E, s5;
	s12 =	sadd.s32 s26, s21;
	[dreg:$0x11] =	wrdreg s9  }
0x16: {  	s15 =	sshrl.u32 s14, $0x3;
	s13 =	sadd.s32 s24, s25;
	[dreg:$0x12] =	wrdreg s12  }
0x17: {  	s0 =	sadd.s32 s0, s4;
	s16 =	sadd.s32 s15, s25;
	[dreg:$0x4] =	wrdreg s13  }
0x18: {  	s4 =	sshrl.u32 s17, $0x3;
	s18 =	sadd.s32 s26, s30;
	[dreg:$0x6] =	wrdreg s16  }
0x19: {  	s5 =	sadd.s32 $0x4D8, s5;
	s19 =	sadd.s32 s15, s26;
	[dreg:$0x15] =	wrdreg s18  }
0x1a: {  	s17 =	simm.s32 $0x4;
	s22 =	sadd.s32 s26, s5;
	[dreg:$0x7] =	wrdreg s19  }
0x1b: {  	s14 =	simm.s32 $0x380;
	s5 =	sadd.s32 s25, s5;
	[dreg:$0x17] =	wrdreg s22  }
0x1c: {  	s0 =	sadd.s32 $0x27000, s0;
	s23 =	sadd.s32 s4, s26;
	[dreg:$0x18] =	wrdreg s5  }
0x1d: {  	s15 =	simm.s32 $0x2;
	s9 =	sadd.s32 s25, s21;
	[dreg:$0x19] =	wrdreg s0  }
0x1e: {  	s20 =	sadd.s32 s4, s25;
	s21 =	sadd.s32 s25, s30;
	[dreg:$0x9] =	wrdreg s23  }
0x1f: {  	s30 =	sadd.s32 $0x140, s7;
	s16 =	simm.s32 $0x3;
	s18 =	simm.s32 $0x5  }
0x20: {  	s19 =	simm.s32 $0x9;
	s22 =	simm.s32 $0x7;
	[dreg:$0x13] =	wrdreg s9  }
0x21: {  	s23 =	simm.s32 $0xB;
	s7 =	simm.s32 $0x8;
	[dreg:$0x16] =	wrdreg s21  }
0x22: {  	s0 =	simm.s32 $0x0;
	s9 =	sadd.s32 s24, s26;
	[dreg:$0x8] =	wrdreg s20  }
0x23: {  	s24 =	smax.u32 s8, $0x1;
	[dreg:$0x1b] =	wrdreg s30;
	s8 =	simm.s32 $0x200  }
0x24: {  	s20 =	simm.s32 $0x6;
	s21 =	simm.s32 $0xA;
	[dreg:$0x5] =	wrdreg s9  }
0x25: {  	[dreg:$0x1a] =	wrdreg s24;
	s9 =	simm.s32 $0xD;
	s24 =	simm.s32 $0xC  }
.LBB2_1:
0x26: {  	[dreg:$0x1c] =	wrdreg s0  }
0x27: {  	s5 =	rddreg [dreg:$0xb]  }
0x28: {  	s13 =	sshrl.u32 s5, $0x3;
	s5 =	rddreg [dreg:$0xa]  }
0x29: {  	[dreg:$0x1d] =	wrdreg s13  }
0x2a: {  	[spmem:s13], [sflag:s29] =	dma.local [hbm:s5], $0x2700  }
0x2b: {  	_ =	swait.ge [sflag:s9], $0x2700  }
0x2c: {  	s6 =	rddreg [dreg:$0xd]  }
0x2d: {  	[sflag:s9] =	ssyncset.done $0x0;
	s0 =	sshrl.u32 @!p0 s6, $0x3  }
0x2e: {  	[sflag:s9] =	ssyncadd.s32 $0xFFFFD900;
	[dreg:$0x1e] =	wrdreg s0  }
0x2f: {  	[spmem:s0], [sflag:s29] =	dma.local @!p0 [hbm:s5], $0x100  }
0x30: {  	s5 =	simm.s32 @!p0 $0xD  }
0x31: {  	_ =	swait.ge @!p0 [sflag:s5], $0x100  }
0x32: {  	[sflag:s5] =	ssyncset.done @!p0 $0x0  }
0x33: {  	[sflag:s5] =	ssyncadd.s32 @!p0 $0xFFFFFF00  }
0x34: {  	[bflag:$0x0] =	sbarrier.arrive $0xFFFF  }
0x35: {  	s0 =	rddreg [dreg:$0xe]  }
0x36: {  	[tilespmem:s3], [sflag:$0xD] =	stream.linear.gather [hbm4b:s0+s3], $0x50, $0x38;
	[tilespmem:$0x1DC80] =	vst v63  }
0x37: {  	_ =	swait.ge [sflag:s9], $0x50  }
0x38: {  	[sflag:s9] =	ssyncset.done $0x0  }
0x39: {  	s29 =	simm.s32 $0x80;
	s4 =	rddreg [dreg:$0xf];
	[sflag:s9] =	ssyncadd.s32 $0xFFFFFFB0  }
0x3a: {  	[tilespmem:s29], [sflag:$0xD] =	stream.linear.gather [hbm4b:s4+s3], $0x50, $0x38;
	[tilespmem:$0x1DC80] =	vst v63  }
0x3b: {  	_ =	swait.ge [sflag:s9], $0x50  }
0x3c: {  	[sflag:s9] =	ssyncset.done $0x0  }
0x3d: {  	s30 =	simm.s32 $0x400;
	[sflag:s9] =	ssyncadd.s32 $0xFFFFFFB0  }
0x3e: {  	[tilespmem:s30], [sflag:$0x1] =	stream.indirect.gather [hbm4b:s1+s28], $0x80, s3, s28, $0xb8;
	[tilespmem:$0x1DC80] =	vst v63  }
0x3f: {  	s6 =	rddreg [dreg:$0x10]  }
0x40: {  	[tilespmem:s31], [sflag:$0xD] =	stream.linear.gather [hbm4b:s6+s3], $0x50, $0x38;
	[tilespmem:$0x1DC80] =	vst v63  }
0x41: {  	_ =	swait.ge [sflag:s9], $0x50  }
0x42: {  	[sflag:s9] =	ssyncset.done $0x0  }
0x43: {  	s0 =	simm.s32 $0x180;
	s10 =	rddreg [dreg:$0x11];
	[sflag:s9] =	ssyncadd.s32 $0xFFFFFFB0  }
0x44: {  	[tilespmem:s0], [sflag:$0xD] =	stream.linear.gather [hbm4b:s10+s3], $0x50, $0x38;
	[tilespmem:$0x1DC80] =	vst v63  }
0x45: {  	_ =	swait.ge [sflag:s9], $0x50  }
0x46: {  	[sflag:s9] =	ssyncset.done $0x0  }
0x47: {  	s4 =	simm.s32 $0x2C00;
	[sflag:s9] =	ssyncadd.s32 $0xFFFFFFB0  }
0x48: {  	[tilespmem:s4], [sflag:$0x2] =	stream.indirect.gather [hbm4b:s1+s28], $0x80, s31, s28, $0xb8;
	[tilespmem:$0x1DC80] =	vst v63  }
0x49: {  	s11 =	rddreg [dreg:$0x12]  }
0x4a: {  	[tilespmem:s8], [sflag:$0xD] =	stream.linear.gather [hbm4b:s11+s3], $0x50, $0x38;
	[tilespmem:$0x1DC80] =	vst v63  }
0x4b: {  	_ =	swait.ge [sflag:s9], $0x50  }
0x4c: {  	[sflag:s9] =	ssyncset.done $0x0  }
0x4d: {  	s10 =	simm.s32 $0x280;
	s12 =	rddreg [dreg:$0x13];
	[sflag:s9] =	ssyncadd.s32 $0xFFFFFFB0  }
0x4e: {  	[tilespmem:s10], [sflag:$0xD] =	stream.linear.gather [hbm4b:s12+s3], $0x50, $0x38;
	[tilespmem:$0x1DC80] =	vst v63  }
0x4f: {  	_ =	swait.ge [sflag:s9], $0x50  }
0x50: {  	[sflag:s9] =	ssyncset.done $0x0  }
0x51: {  	s11 =	simm.s32 $0x5400;
	[sflag:s9] =	ssyncadd.s32 $0xFFFFFFB0  }
0x52: {  	[tilespmem:s11], [sflag:$0x3] =	stream.indirect.gather [hbm4b:s1+s28], $0x80, s8, s28, $0xb8;
	[tilespmem:$0x1DC80] =	vst v63  }
0x53: {  	s12 =	simm.s32 $0x300;
	s13 =	rddreg [dreg:$0x15]  }
0x54: {  	[tilespmem:s12], [sflag:$0xD] =	stream.linear.gather [hbm4b:s13+s3], $0x50, $0x38;
	[tilespmem:$0x1DC80] =	vst v63  }
0x55: {  	_ =	swait.ge [sflag:s9], $0x50  }
0x56: {  	[sflag:s9] =	ssyncset.done $0x0  }
0x57: {  	s13 =	simm.s32 $0x380;
	s6 =	rddreg [dreg:$0x16];
	[sflag:s9] =	ssyncadd.s32 $0xFFFFFFB0  }
0x58: {  	[tilespmem:s13], [sflag:$0xD] =	stream.linear.gather [hbm4b:s6+s3], $0x50, $0x38;
	[tilespmem:$0x1DC80] =	vst v63  }
0x59: {  	_ =	swait.ge [sflag:s9], $0x50  }
0x5a: {  	[sflag:s9] =	ssyncset.done $0x0  }
0x5b: {  	s5 =	simm.s32 $0x7C00;
	[sflag:s9] =	ssyncadd.s32 $0xFFFFFFB0;
	s9 =	simm.s32 $0x1  }
0x5c: {  	[tilespmem:s5], [sflag:$0x4] =	stream.indirect.gather [hbm4b:s1+s28], $0x80, s12, s28, $0xb8;
	[tilespmem:$0x1DC80] =	vst v63  }
0x5d: {  	_ =	swait.ge [sflag:s9], $0x2800  }
0x5e: {  	[sflag:s9] =	ssyncset.done $0x0  }
0x5f: {  	[sflag:s9] =	ssyncadd.s32 $0xFFFFD800  }
0x60: {  	[spmem:s2] =	stream.indirect.scatter.add.f32 [tilespmem:s30], [sflag:$0x5], $0x80, s29, s28, $0xb8;
	[tilespmem:$0x1DC80] =	vst v63  }
0x61: {  	_ =	swait.ge [sflag:s15], $0x2800  }
0x62: {  	[sflag:s15] =	ssyncset.done $0x0  }
0x63: {  	[sflag:s15] =	ssyncadd.s32 $0xFFFFD800  }
0x64: {  	[spmem:s2] =	stream.indirect.scatter.add.f32 [tilespmem:s4], [sflag:$0x6], $0x80, s0, s28, $0xb8;
	[tilespmem:$0x1DC80] =	vst v63  }
0x65: {  	_ =	swait.ge [sflag:s16], $0x2800  }
0x66: {  	[sflag:s16] =	ssyncset.done $0x0  }
0x67: {  	[sflag:s16] =	ssyncadd.s32 $0xFFFFD800  }
0x68: {  	[spmem:s2] =	stream.indirect.scatter.add.f32 [tilespmem:s11], [sflag:$0x7], $0x80, s10, s28, $0xb8;
	[tilespmem:$0x1DC80] =	vst v63  }
0x69: {  	_ =	swait.ge [sflag:s17], $0x2800  }
0x6a: {  	[sflag:s17] =	ssyncset.done $0x0  }
0x6b: {  	[sflag:s17] =	ssyncadd.s32 $0xFFFFD800  }
0x6c: {  	[spmem:s2] =	stream.indirect.scatter.add.f32 [tilespmem:s5], [sflag:$0x8], $0x80, s13, s28, $0xb8;
	[tilespmem:$0x1DC80] =	vst v63  }
0x6d: {  	_ =	swait.ge [sflag:s18], $0x2800  }
0x6e: {  	s6 =	rddreg [dreg:$0x1b]  }
0x6f: {  	[sflag:s18] =	ssyncset.done $0x0;
	s5 =	sshrl.u32 s6, $0x3  }
0x70: {  	[sflag:s18] =	ssyncadd.s32 $0xFFFFD800;
	s9 =	sadd.s32 s26, s5  }
0x71: {  	[tilespmem:s3], [sflag:$0x9] =	stream.linear.gather [hbm4b:s9+s3], $0x50, $0x38;
	[tilespmem:$0x1DC80] =	vst v63  }
0x72: {  	s5 =	sadd.s32 s25, s5  }
0x73: {  	[tilespmem:s29], [sflag:$0x9] =	stream.linear.gather [hbm4b:s5+s3], $0x50, $0x38;
	[tilespmem:$0x1DC80] =	vst v63  }
0x74: {  	_ =	swait.ge [sflag:s19], $0x50  }
0x75: {  	[sflag:s19] =	ssyncset.done $0x0  }
0x76: {  	[sflag:s19] =	ssyncadd.s32 $0xFFFFFFB0  }
0x77: {  	_ =	swait.ge [sflag:s19], $0x50  }
0x78: {  	[sflag:s19] =	ssyncset.done $0x0  }
0x79: {  	[sflag:s19] =	ssyncadd.s32 $0xFFFFFFB0  }
0x7a: {  	[tilespmem:s30], [sflag:$0x1] =	stream.indirect.gather [hbm4b:s1+s28], $0x80, s3, s28, $0xb8;
	[tilespmem:$0x1DC80] =	vst v63  }
0x7b: {  	_ =	swait.ge [sflag:s20], $0x2800  }
0x7c: {  	s9 =	rddreg [dreg:$0x9];
	[sflag:s20] =	ssyncset.done $0x0  }
0x7d: {  	s29 =	rddreg [dreg:$0x8];
	[sflag:s20] =	ssyncadd.s32 $0xFFFFD800;
	s5 =	sadd.s32 $0x0, s9  }
0x7e: {  	[tilespmem:s31], [sflag:$0xA] =	stream.linear.gather [hbm4b:s5+s3], $0x50, $0x38;
	[tilespmem:$0x1DC80] =	vst v63  }
0x7f: {  	s29 =	sadd.s32 $0x0, s29  }
0x80: {  	[tilespmem:s0], [sflag:$0xA] =	stream.linear.gather [hbm4b:s29+s3], $0x50, $0x38;
	[tilespmem:$0x1DC80] =	vst v63  }
0x81: {  	_ =	swait.ge [sflag:s21], $0x50  }
0x82: {  	[sflag:s21] =	ssyncset.done $0x0  }
0x83: {  	[sflag:s21] =	ssyncadd.s32 $0xFFFFFFB0  }
0x84: {  	_ =	swait.ge [sflag:s21], $0x50  }
0x85: {  	[sflag:s21] =	ssyncset.done $0x0  }
0x86: {  	[sflag:s21] =	ssyncadd.s32 $0xFFFFFFB0  }
0x87: {  	[tilespmem:s4], [sflag:$0x2] =	stream.indirect.gather [hbm4b:s1+s28], $0x80, s31, s28, $0xb8;
	[tilespmem:$0x1DC80] =	vst v63  }
0x88: {  	_ =	swait.ge [sflag:s22], $0x2800  }
0x89: {  	s0 =	rddreg [dreg:$0x7];
	[sflag:s22] =	ssyncset.done $0x0  }
0x8a: {  	s4 =	rddreg [dreg:$0x6];
	[sflag:s22] =	ssyncadd.s32 $0xFFFFD800;
	s5 =	sadd.s32 $0x0, s0  }
0x8b: {  	[tilespmem:s8], [sflag:$0xB] =	stream.linear.gather [hbm4b:s5+s3], $0x50, $0x38;
	[tilespmem:$0x1DC80] =	vst v63  }
0x8c: {  	s9 =	sadd.s32 $0x0, s4  }
0x8d: {  	[tilespmem:s10], [sflag:$0xB] =	stream.linear.gather [hbm4b:s9+s3], $0x50, $0x38;
	[tilespmem:$0x1DC80] =	vst v63  }
0x8e: {  	_ =	swait.ge [sflag:s23], $0x50  }
0x8f: {  	[sflag:s23] =	ssyncset.done $0x0  }
0x90: {  	[sflag:s23] =	ssyncadd.s32 $0xFFFFFFB0  }
0x91: {  	_ =	swait.ge [sflag:s23], $0x50  }
0x92: {  	[sflag:s23] =	ssyncset.done $0x0  }
0x93: {  	[sflag:s23] =	ssyncadd.s32 $0xFFFFFFB0  }
0x94: {  	[tilespmem:s11], [sflag:$0x3] =	stream.indirect.gather [hbm4b:s1+s28], $0x80, s8, s28, $0xb8;
	[tilespmem:$0x1DC80] =	vst v63  }
0x95: {  	_ =	swait.ge [sflag:s7], $0x2800  }
0x96: {  	s11 =	rddreg [dreg:$0x5];
	[sflag:s7] =	ssyncset.done $0x0  }
0x97: {  	s29 =	rddreg [dreg:$0x4];
	[sflag:s7] =	ssyncadd.s32 $0xFFFFD800;
	s5 =	sadd.s32 $0x0, s11  }
0x98: {  	[tilespmem:s12], [sflag:$0xC] =	stream.linear.gather [hbm4b:s5+s3], $0x50, $0x38;
	[tilespmem:$0x1DC80] =	vst v63  }
0x99: {  	s31 =	sadd.s32 $0x0, s29  }
0x9a: {  	[tilespmem:s13], [sflag:$0xC] =	stream.linear.gather [hbm4b:s31+s3], $0x50, $0x38;
	[tilespmem:$0x1DC80] =	vst v63  }
0x9b: {  	_ =	swait.ge [sflag:s24], $0x50  }
0x9c: {  	[sflag:s24] =	ssyncset.done $0x0  }
0x9d: {  	[sflag:s24] =	ssyncadd.s32 $0xFFFFFFB0  }
0x9e: {  	_ =	swait.ge [sflag:s24], $0x50  }
0x9f: {  	s30 =	smov.u32 s25;
	s25 =	sadd.s32 $0x140, s6;
	[sflag:s24] =	ssyncset.done $0x0  }
0xa0: {  	s9 =	simm.s32 $0x28;
	s10 =	simm.s32 $0x200;
	[sflag:s24] =	ssyncadd.s32 $0xFFFFFFB0  }
.LBB2_2:
0xa1: {  	s13 =	simm.s32 $0x300;
	s6 =	simm.s32 $0x7C00;
	s0 =	simm.s32 $0x1  }
0xa2: {  	[tilespmem:s6], [sflag:$0x4] =	stream.indirect.gather [hbm4b:s1+s28], $0x80, s13, s28, $0xb8;
	[tilespmem:$0x1DC80] =	vst v63  }
0xa3: {  	_ =	swait.ge [sflag:s0], $0x2800  }
0xa4: {  	[sflag:s0] =	ssyncset.done $0x0  }
0xa5: {  	s31 =	simm.s32 $0x80;
	[sflag:s0] =	ssyncadd.s32 $0xFFFFD800;
	s0 =	simm.s32 $0x400  }
0xa6: {  	[spmem:s2] =	stream.indirect.scatter.add.f32 [tilespmem:s0], [sflag:$0x5], $0x80, s31, s28, $0xb8;
	[tilespmem:$0x1DC80] =	vst v63  }
0xa7: {  	_ =	swait.ge [sflag:s15], $0x2800  }
0xa8: {  	[sflag:s15] =	ssyncset.done $0x0  }
0xa9: {  	s4 =	simm.s32 $0x180;
	s8 =	simm.s32 $0x2C00;
	[sflag:s15] =	ssyncadd.s32 $0xFFFFD800  }
0xaa: {  	[spmem:s2] =	stream.indirect.scatter.add.f32 [tilespmem:s8], [sflag:$0x6], $0x80, s4, s28, $0xb8;
	[tilespmem:$0x1DC80] =	vst v63  }
0xab: {  	_ =	swait.ge [sflag:s16], $0x2800  }
0xac: {  	[sflag:s16] =	ssyncset.done $0x0  }
0xad: {  	s11 =	simm.s32 $0x280;
	s12 =	simm.s32 $0x5400;
	[sflag:s16] =	ssyncadd.s32 $0xFFFFD800  }
0xae: {  	[spmem:s2] =	stream.indirect.scatter.add.f32 [tilespmem:s12], [sflag:$0x7], $0x80, s11, s28, $0xb8;
	[tilespmem:$0x1DC80] =	vst v63  }
0xaf: {  	_ =	swait.ge [sflag:s17], $0x2800  }
0xb0: {  	[sflag:s17] =	ssyncset.done $0x0  }
0xb1: {  	[sflag:s17] =	ssyncadd.s32 $0xFFFFD800  }
0xb2: {  	[spmem:s2] =	stream.indirect.scatter.add.f32 [tilespmem:s6], [sflag:$0x8], $0x80, s14, s28, $0xb8;
	[tilespmem:$0x1DC80] =	vst v63  }
0xb3: {  	_ =	swait.ge [sflag:s18], $0x2800  }
0xb4: {  	s6 =	sshrl.u32 s25, $0x3;
	[sflag:s18] =	ssyncset.done $0x0  }
0xb5: {  	s29 =	smov.u32 s26;
	s26 =	sadd.s32 s26, s6;
	[sflag:s18] =	ssyncadd.s32 $0xFFFFD800  }
0xb6: {  	[tilespmem:s3], [sflag:$0x9] =	stream.linear.gather [hbm4b:s26+s3], $0x50, $0x38;
	[tilespmem:$0x1DC80] =	vst v63  }
0xb7: {  	s6 =	sadd.s32 s30, s6  }
0xb8: {  	[tilespmem:s31], [sflag:$0x9] =	stream.linear.gather [hbm4b:s6+s3], $0x50, $0x38;
	[tilespmem:$0x1DC80] =	vst v63  }
0xb9: {  	_ =	swait.ge [sflag:s19], $0x50  }
0xba: {  	[sflag:s19] =	ssyncset.done $0x0  }
0xbb: {  	[sflag:s19] =	ssyncadd.s32 $0xFFFFFFB0  }
0xbc: {  	_ =	swait.ge [sflag:s19], $0x50  }
0xbd: {  	[sflag:s19] =	ssyncset.done $0x0  }
0xbe: {  	[sflag:s19] =	ssyncadd.s32 $0xFFFFFFB0  }
0xbf: {  	[tilespmem:s0], [sflag:$0x1] =	stream.indirect.gather [hbm4b:s1+s28], $0x80, s3, s28, $0xb8;
	[tilespmem:$0x1DC80] =	vst v63  }
0xc0: {  	s5 =	smov.u32 s9;
	_ =	swait.ge [sflag:s20], $0x2800  }
0xc1: {  	s31 =	simm.s32 $0x100;
	s26 =	rddreg [dreg:$0x9];
	[sflag:s20] =	ssyncset.done $0x0  }
0xc2: {  	s0 =	rddreg [dreg:$0x8];
	[sflag:s20] =	ssyncadd.s32 $0xFFFFD800;
	s6 =	sadd.s32 s5, s26  }
0xc3: {  	[tilespmem:s31], [sflag:$0xA] =	stream.linear.gather [hbm4b:s6+s3], $0x50, $0x38;
	[tilespmem:$0x1DC80] =	vst v63  }
0xc4: {  	s26 =	sadd.s32 s5, s0  }
0xc5: {  	[tilespmem:s4], [sflag:$0xA] =	stream.linear.gather [hbm4b:s26+s3], $0x50, $0x38;
	[tilespmem:$0x1DC80] =	vst v63  }
0xc6: {  	_ =	swait.ge [sflag:s21], $0x50  }
0xc7: {  	[sflag:s21] =	ssyncset.done $0x0  }
0xc8: {  	[sflag:s21] =	ssyncadd.s32 $0xFFFFFFB0  }
0xc9: {  	_ =	swait.ge [sflag:s21], $0x50  }
0xca: {  	[sflag:s21] =	ssyncset.done $0x0  }
0xcb: {  	[sflag:s21] =	ssyncadd.s32 $0xFFFFFFB0  }
0xcc: {  	[tilespmem:s8], [sflag:$0x2] =	stream.indirect.gather [hbm4b:s1+s28], $0x80, s31, s28, $0xb8;
	[tilespmem:$0x1DC80] =	vst v63  }
0xcd: {  	_ =	swait.ge [sflag:s22], $0x2800  }
0xce: {  	s26 =	rddreg [dreg:$0x7];
	[sflag:s22] =	ssyncset.done $0x0  }
0xcf: {  	s8 =	rddreg [dreg:$0x6];
	[sflag:s22] =	ssyncadd.s32 $0xFFFFD800;
	s6 =	sadd.s32 s5, s26  }
0xd0: {  	[tilespmem:s10], [sflag:$0xB] =	stream.linear.gather [hbm4b:s6+s3], $0x50, $0x38;
	[tilespmem:$0x1DC80] =	vst v63  }
0xd1: {  	s26 =	sadd.s32 s5, s8  }
0xd2: {  	[tilespmem:s11], [sflag:$0xB] =	stream.linear.gather [hbm4b:s26+s3], $0x50, $0x38;
	[tilespmem:$0x1DC80] =	vst v63  }
0xd3: {  	_ =	swait.ge [sflag:s23], $0x50  }
0xd4: {  	[sflag:s23] =	ssyncset.done $0x0  }
0xd5: {  	[sflag:s23] =	ssyncadd.s32 $0xFFFFFFB0  }
0xd6: {  	_ =	swait.ge [sflag:s23], $0x50  }
0xd7: {  	[sflag:s23] =	ssyncset.done $0x0  }
0xd8: {  	[sflag:s23] =	ssyncadd.s32 $0xFFFFFFB0  }
0xd9: {  	[tilespmem:s12], [sflag:$0x3] =	stream.indirect.gather [hbm4b:s1+s28], $0x80, s10, s28, $0xb8;
	[tilespmem:$0x1DC80] =	vst v63  }
0xda: {  	_ =	swait.ge [sflag:s7], $0x2800  }
0xdb: {  	s12 =	rddreg [dreg:$0x5];
	[sflag:s7] =	ssyncset.done $0x0  }
0xdc: {  	s26 =	rddreg [dreg:$0x4];
	[sflag:s7] =	ssyncadd.s32 $0xFFFFD800;
	s6 =	sadd.s32 s5, s12  }
0xdd: {  	[tilespmem:s13], [sflag:$0xC] =	stream.linear.gather [hbm4b:s6+s3], $0x50, $0x38;
	[tilespmem:$0x1DC80] =	vst v63  }
0xde: {  	s5 =	sadd.s32 s5, s26  }
0xdf: {  	[tilespmem:s14], [sflag:$0xC] =	stream.linear.gather [hbm4b:s5+s3], $0x50, $0x38;
	[tilespmem:$0x1DC80] =	vst v63  }
0xe0: {  	p1 =	sne.s32 s9, $0x488;
	_ =	swait.ge [sflag:s24], $0x50  }
.Ltmp0:
0xe1: {  	s9 =	sadd.s32 $0x28, s9;
	[sflag:s24] =	ssyncset.done $0x0;
	(pc) =	sbr.rel @p1 .LBB2_2-.Ltmp0, $4  }
0xe2: {  	s25 =	sadd.s32 $0x140, s25;
	s0 =	simm.s32 $0x180;
	[sflag:s24] =	ssyncadd.s32 $0xFFFFFFB0  }
0xe3: {  	s4 =	simm.s32 $0x2C00;
	s8 =	simm.s32 $0x280;
	_ =	swait.ge [sflag:s24], $0x50  }
0xe4: {  	s11 =	simm.s32 $0x5400;
	s12 =	simm.s32 $0x300;
	[sflag:s24] =	ssyncset.done $0x0  }
0xe5: {  	s26 =	smov.u32 s29;
	s13 =	simm.s32 $0x380;
	[sflag:s24] =	ssyncadd.s32 $0xFFFFFFB0  }
0xe6: {  	s5 =	simm.s32 $0x7C00;
	s25 =	simm.s32 $0x1  }
0xe7: {  	[tilespmem:s5], [sflag:$0x4] =	stream.indirect.gather [hbm4b:s1+s28], $0x80, s12, s28, $0xb8;
	[tilespmem:$0x1DC80] =	vst v63  }
0xe8: {  	_ =	swait.ge [sflag:s25], $0x2800  }
0xe9: {  	[sflag:s25] =	ssyncset.done $0x0  }
0xea: {  	s6 =	simm.s32 $0x80;
	s10 =	simm.s32 $0x400;
	[sflag:s25] =	ssyncadd.s32 $0xFFFFD800  }
0xeb: {  	[spmem:s2] =	stream.indirect.scatter.add.f32 [tilespmem:s10], [sflag:$0x5], $0x80, s6, s28, $0xb8;
	[tilespmem:$0x1DC80] =	vst v63  }
0xec: {  	_ =	swait.ge [sflag:s15], $0x2800  }
0xed: {  	[sflag:s15] =	ssyncset.done $0x0  }
0xee: {  	[sflag:s15] =	ssyncadd.s32 $0xFFFFD800  }
0xef: {  	[spmem:s2] =	stream.indirect.scatter.add.f32 [tilespmem:s4], [sflag:$0x6], $0x80, s0, s28, $0xb8;
	[tilespmem:$0x1DC80] =	vst v63  }
0xf0: {  	_ =	swait.ge [sflag:s16], $0x2800  }
0xf1: {  	[sflag:s16] =	ssyncset.done $0x0  }
0xf2: {  	[sflag:s16] =	ssyncadd.s32 $0xFFFFD800  }
0xf3: {  	[spmem:s2] =	stream.indirect.scatter.add.f32 [tilespmem:s11], [sflag:$0x7], $0x80, s8, s28, $0xb8;
	[tilespmem:$0x1DC80] =	vst v63  }
0xf4: {  	_ =	swait.ge [sflag:s17], $0x2800  }
0xf5: {  	[sflag:s17] =	ssyncset.done $0x0  }
0xf6: {  	[sflag:s17] =	ssyncadd.s32 $0xFFFFD800  }
0xf7: {  	[spmem:s2] =	stream.indirect.scatter.add.f32 [tilespmem:s5], [sflag:$0x8], $0x80, s13, s28, $0xb8;
	[tilespmem:$0x1DC80] =	vst v63  }
0xf8: {  	_ =	swait.ge [sflag:s18], $0x2800  }
0xf9: {  	[sflag:s18] =	ssyncset.done $0x0  }
0xfa: {  	s9 =	simm.s32 $0xD;
	s4 =	rddreg [dreg:$0x17];
	[sflag:s18] =	ssyncadd.s32 $0xFFFFD800  }
0xfb: {  	[tilespmem:s3], [sflag:$0xD] =	stream.linear.gather [hbm4b:s4+s3], $0x50, $0x38;
	[tilespmem:$0x1DC80] =	vst v63  }
0xfc: {  	_ =	swait.ge [sflag:s9], $0x50  }
0xfd: {  	[sflag:s9] =	ssyncset.done $0x0  }
0xfe: {  	s8 =	rddreg [dreg:$0x18];
	[sflag:s9] =	ssyncadd.s32 $0xFFFFFFB0  }
0xff: {  	[tilespmem:s6], [sflag:$0xD] =	stream.linear.gather [hbm4b:s8+s3], $0x50, $0x38;
	[tilespmem:$0x1DC80] =	vst v63  }
0x100: {  	_ =	swait.ge [sflag:s9], $0x50  }
0x101: {  	[sflag:s9] =	ssyncset.done $0x0  }
0x102: {  	[sflag:s9] =	ssyncadd.s32 $0xFFFFFFB0  }
0x103: {  	[tilespmem:s10], [sflag:$0x1] =	stream.indirect.gather [hbm4b:s1+s28], $0x80, s3, s28, $0xb8;
	[tilespmem:$0x1DC80] =	vst v63  }
0x104: {  	_ =	swait.ge [sflag:s25], $0x2800  }
0x105: {  	[sflag:s25] =	ssyncset.done $0x0  }
0x106: {  	[sflag:s25] =	ssyncadd.s32 $0xFFFFD800  }
0x107: {  	[spmem:s2] =	stream.indirect.scatter.add.f32 [tilespmem:s10], [sflag:$0x5], $0x80, s6, s28, $0xb8;
	[tilespmem:$0x1DC80] =	vst v63  }
0x108: {  	_ =	swait.ge [sflag:s18], $0x2800  }
0x109: {  	[sflag:s18] =	ssyncset.done $0x0  }
0x10a: {  	[sflag:s18] =	ssyncadd.s32 $0xFFFFD800  }
0x10b: {  	_ =	swait.ge [sflag:s20], $0x2800  }
0x10c: {  	[sflag:s20] =	ssyncset.done $0x0  }
0x10d: {  	[sflag:s20] =	ssyncadd.s32 $0xFFFFD800  }
0x10e: {  	_ =	swait.ge [sflag:s22], $0x2800  }
0x10f: {  	[sflag:s22] =	ssyncset.done $0x0  }
0x110: {  	[sflag:s22] =	ssyncadd.s32 $0xFFFFD800  }
0x111: {  	_ =	swait.ge [sflag:s7], $0x2800  }
0x112: {  	[sflag:s7] =	ssyncset.done $0x0  }
0x113: {  	[sflag:s7] =	ssyncadd.s32 $0xFFFFD800  }
0x114: {  	[bflag:$0x0] =	sbarrier.arrive $0xFFFF  }
0x115: {  	s29 =	rddreg [dreg:$0xc]  }
0x116: {  	s11 =	rddreg [dreg:$0x14]  }
0x117: {  	s12 =	rddreg [dreg:$0x1d]  }
0x118: {  	[hbm:s11], [sflag:s29] =	dma.local [spmem:s12], $0x2700  }
0x119: {  	_ =	swait.ge [sflag:s9], $0x2700  }
0x11a: {  	[sflag:s9] =	ssyncset.done $0x0;
	s5 =	rddreg [dreg:$0x19]  }
0x11b: {  	s0 =	rddreg [dreg:$0x1e];
	[sflag:s9] =	ssyncadd.s32 $0xFFFFD900  }
0x11c: {  	[hbm:s5], [sflag:s29] =	dma.local @!p0 [spmem:s0], $0x100  }
0x11d: {  	s5 =	simm.s32 @!p0 $0xD  }
0x11e: {  	_ =	swait.ge @!p0 [sflag:s5], $0x100  }
0x11f: {  	s13 =	rddreg [dreg:$0x1c]  }
0x120: {  	s25 =	rddreg [dreg:$0x1a];
	s0 =	sadd.s32 $0x1, s13  }
0x121: {  	p1 =	sne.s32 s0, s25  }
.Ltmp1:
0x122: {  	_ = 	snop;
	(pc) =	sbr.rel @p1 .LBB2_1-.Ltmp1, $3  }
0x123: {  	_ =	sdelay $0x1  }
0x124: {  	[sflag:s5] =	ssyncset.done @!p0 $0x0  }
0x125: {  	s8 =	simm.s32 $0x200;
	[sflag:s5] =	ssyncadd.s32 @!p0 $0xFFFFFF00;
	s25 =	smov.u32 s30  }
0x126: {  	_ =	sfence.sel $0x180000  }
0x127: {  	[bflag:$0x0] =	sbarrier.arrive $0xFFFF  }
0x128: {  	_ =	strace $0x9000004A  }
0x129: {  	s0 =	stileid.u32;
	[bflag:$0x2] =	sbarrier.arrive $0xFFFF  }
0x12a: {  	p0 =	sne.s32 s0, $0x0;
	s0 =	rddreg [dreg:$0x3]  }
0x12b: {  	s0 =	sadd.s32 @!p0 $0x100000, s0  }
0x12c: {  	[sflag:s0] =	ssyncadd.tile.s32 @!p0 $0x1;
	_ =	shalt  }
.Lfunc_end2:
_tile_overlayer_lowered:
.L_overlay_start_2:
0x12d: {  	(tag) =	ssettag $0x2  }
0x12e: {  	s0 =	rddreg [dreg:$0x0];
	s2 =	stileid.u32  }
0x12f: {  	s1 =	rddreg [dreg:$0x1];
	p0 =	sne.s32 s2, $0x0  }
0x130: {  	s3 =	rddreg [dreg:$0x2];
	[bflag:$0x3] =	sbarrier.arrive $0xFFFF;
	s2 =	simm.s32 @!p0 $0x1C0D  }
0x131: {  	[timem:s3], [sflag:s2] =	dma.local @!p0 [hbm:s0], s1  }
0x132: {  	s0 =	simm.s32 @!p0 $0xD  }
0x133: {  	_ =	swait.ge @!p0 [sflag:s0], s1  }
0x134: {  	s1 =	ssub.s32 @!p0 $0x0, s1;
	[sflag:s0] =	ssyncset.done @!p0 $0x0  }
0x135: {  	[sflag:s0] =	ssyncadd.s32 @!p0 s1  }
0x136: {  	[bflag:$0x3] =	sbarrier.arrive $0xFFFF  }
0x137: {  	_ =	shalt  }

// kernel: kernel.15.cloned.1.call-start
scs
__scs_entry_jumppad:
0x0: {  	(pc) =	sbr.rel $0x88, $3  }
0x1: {  	(tag) =	ssettag $0x0;
	lr =	simm.s32 $0x1  }
0x2: {  	[smem:$0x3F94] =	sst lr;
	_ =	strace $0xD0000000  }
0x3: {  	_ = 	snop  }
0x4: {  	_ = 	snop  }
0x5: {  	_ = 	snop  }
0x6: {  	_ = 	snop  }
0x7: {  	_ = 	snop  }
__scs_overlays_trampoline_lowered:
0x8: {  	[smem:$0x3FA3] =	sst s0  }
0x9: {  	[smem:$0x3FA4] =	sst s1  }
0xa: {  	[smem:$0x3FA5] =	sst s2  }
0xb: {  	[smem:$0x3FA6] =	sst s3  }
0xc: {  	[smem:$0x3FA7] =	sst s4  }
0xd: {  	[smem:$0x3FA8] =	sst s5  }
0xe: {  	[smem:$0x3FA9] =	sst s6  }
0xf: {  	[smem:$0x3FAA] =	sst s7  }
0x10: {  	[smem:$0x3FAB] =	sst s8  }
0x11: {  	[smem:$0x3FAC] =	sst s9;
	s0 =	simm.s32 @!p0 $0x0  }
0x12: {  	s1 =	sld [smem:$0x3F92];
	s0 =	simm.s32 @p0 $0x1  }
0x13: {  	[smem:$0x3FAD] =	sst s0;
	s0 =	simm.s32 @!p1 $0x0  }
0x14: {  	s2 =	sld [smem:$0x3F91];
	s0 =	simm.s32 @p1 $0x1  }
0x15: {  	[smem:$0x3FAE] =	sst s0;
	s0 =	simm.s32 @!p2 $0x0  }
0x16: {  	s3 =	sld [smem:$0x3FDB];
	s0 =	simm.s32 @p2 $0x1  }
0x17: {  	s4 =	simm.s32 $0x1BF5;
	[smem:$0x3FB0] =	sst s0  }
0x18: {  	s0 =	sld [smem:$0x3F93];
	_ =	swait.ge [sflag:s4], $0x0  }
0x19: {  	s7 =	sld [smem:$0x3F94]  }
0x1a: {  	s8 =	sadd.s32 $0xFFFFE003, lr  }
0x1b: {  	s9 =	sadd.s32 $0xFFFFFEF7, lr;
	s5 =	simm.s32 $0xFFFFFFFF;
	p2 =	slt.u32 s8, $0xFFFFF086  }
0x1c: {  	p1 =	slt.u32 s9, $0xF7A;
	s5 =	simm.s32 @!p2 $0x0  }
0x1d: {  	s5 =	simm.s32 @p1 $0x1;
	p0 =	seq.s32 s7, s2  }
0x1e: {  	s7 =	smul.u32 @!p0 $0xF7A, s2;
	p2 =	seq.s32 @!p0 s5, $0x0  }
0x1f: {  	s9 =	smul.u32 $0xF7A, s1;
	s8 =	simm.s32 @!p0 $0x1BF5;
	p2 =	por !p2, p0  }
0x20: {  	[sflag:s8] =	ssyncset.s32 @!p0 $0xFFFFF086;
	s6 =	sadd.s32 @!p0 s3, s7;
	s7 =	simm.s32 @!p0 $0x108  }
0x21: {  	s3 =	sadd.s32 s3, s9;
	s6 =	sadd.s32 @!p0 $0x88, s6;
	s7 =	simm.s32 @p2 $0x1082  }
0x22: {  	[simem:s7], [sflag:s8] =	dma.local @!p0 [hbm:s6], $0xF7A  }
0x23: {  	s9 =	sor.u32 $0xD0000000, s2;
	s6 =	simm.s32 $0x108;
	_ =	swait.ge @!p0 [sflag:s8], $0x0  }
0x24: {  	s3 =	sadd.s32 $0x88, s3;
	s6 =	simm.s32 @!p1 $0x1082;
	[sflag:s4] =	ssyncset.s32 $0xFFFFF086  }
0x25: {  	[simem:s6], [sflag:s4] =	dma.local [hbm:s3], $0xF7A  }
0x26: {  	[smem:$0x3F94] =	sst s1;
	(tag) =	ssettag s2;
	_ =	strace s9  }
0x27: {  	s1 =	sld [smem:$0x3FA4]  }
0x28: {  	s2 =	sld [smem:$0x3FA5]  }
0x29: {  	s4 =	sld [smem:$0x3FA7]  }
0x2a: {  	p0 =	seq.s32 s5, $0x0;
	s5 =	sld [smem:$0x3FA8]  }
0x2b: {  	s6 =	sld [smem:$0x3FA9]  }
0x2c: {  	s7 =	sld [smem:$0x3FAA]  }
0x2d: {  	s3 =	simm.s32 $0x108;
	s8 =	sld [smem:$0x3FAB]  }
0x2e: {  	s3 =	simm.s32 @!p0 $0x1082;
	s9 =	sld [smem:$0x3FAC]  }
0x2f: {  	lr =	sadd.s32 s0, s3;
	s0 =	sld [smem:$0x3FA3]  }
0x30: {  	s3 =	sld [smem:$0x3FA6]  }
0x31: {  	[smem:$0x3FAF] =	sst s10  }
0x32: {  	s10 =	sld [smem:$0x3FAD];
	_ =	sdelay $0x3  }
0x33: {  	p0 =	seq.s32 s10, $0x1;
	s10 =	sld [smem:$0x3FAF];
	_ =	sdelay $0x3  }
0x34: {  	[smem:$0x3FAF] =	sst s10  }
0x35: {  	s10 =	sld [smem:$0x3FAE];
	_ =	sdelay $0x3  }
0x36: {  	p1 =	seq.s32 s10, $0x1;
	s10 =	sld [smem:$0x3FAF];
	_ =	sdelay $0x3  }
0x37: {  	[smem:$0x3FAF] =	sst s10  }
0x38: {  	s10 =	sld [smem:$0x3FB0]  }
0x39: {  	_ = 	snop;
	(pc) =	sbr.ind lr, $3  }
0x3a: {  	_ = 	snop  }
0x3b: {  	_ = 	snop  }
0x3c: {  	p2 =	seq.s32 s10, $0x1;
	s10 =	sld [smem:$0x3FAF]  }
0x3d: {  	_ =	shalt  }
0x3e: {  	_ =	shalt  }
0x3f: {  	_ =	shalt  }
0x40: {  	_ =	shalt  }
0x41: {  	_ =	shalt  }
0x42: {  	_ =	shalt  }
0x43: {  	_ =	shalt  }
0x44: {  	_ =	shalt  }
0x45: {  	_ =	shalt  }
0x46: {  	_ =	shalt  }
0x47: {  	_ =	shalt  }
0x48: {  	_ =	shalt  }
0x49: {  	_ =	shalt  }
0x4a: {  	_ =	shalt  }
0x4b: {  	_ =	shalt  }
0x4c: {  	_ =	shalt  }
0x4d: {  	_ =	shalt  }
0x4e: {  	_ =	shalt  }
0x4f: {  	_ =	shalt  }
0x50: {  	_ =	shalt  }
0x51: {  	_ =	shalt  }
0x52: {  	_ =	shalt  }
0x53: {  	_ =	shalt  }
0x54: {  	_ =	shalt  }
0x55: {  	_ =	shalt  }
0x56: {  	_ =	shalt  }
0x57: {  	_ =	shalt  }
0x58: {  	_ =	shalt  }
0x59: {  	_ =	shalt  }
0x5a: {  	_ =	shalt  }
0x5b: {  	_ =	shalt  }
0x5c: {  	_ =	shalt  }
0x5d: {  	_ =	shalt  }
0x5e: {  	_ =	shalt  }
0x5f: {  	_ =	shalt  }
0x60: {  	_ =	shalt  }
0x61: {  	_ =	shalt  }
0x62: {  	_ =	shalt  }
0x63: {  	_ =	shalt  }
0x64: {  	_ =	shalt  }
0x65: {  	_ =	shalt  }
0x66: {  	_ =	shalt  }
0x67: {  	_ =	shalt  }
0x68: {  	_ =	shalt  }
0x69: {  	_ =	shalt  }
0x6a: {  	_ =	shalt  }
0x6b: {  	_ =	shalt  }
0x6c: {  	_ =	shalt  }
0x6d: {  	_ =	shalt  }
0x6e: {  	_ =	shalt  }
0x6f: {  	_ =	shalt  }
0x70: {  	_ =	shalt  }
0x71: {  	_ =	shalt  }
0x72: {  	_ =	shalt  }
0x73: {  	_ =	shalt  }
0x74: {  	_ =	shalt  }
0x75: {  	_ =	shalt  }
0x76: {  	_ =	shalt  }
0x77: {  	_ =	shalt  }
0x78: {  	_ =	shalt  }
0x79: {  	_ =	shalt  }
0x7a: {  	_ =	shalt  }
0x7b: {  	_ =	shalt  }
0x7c: {  	_ =	shalt  }
0x7d: {  	_ =	shalt  }
0x7e: {  	_ =	shalt  }
0x7f: {  	_ =	shalt  }
0x80: {  	_ =	shalt  }
0x81: {  	_ =	shalt  }
0x82: {  	_ =	shalt  }
0x83: {  	_ =	shalt  }
0x84: {  	_ =	shalt  }
0x85: {  	_ =	shalt  }
0x86: {  	_ =	shalt  }
0x87: {  	_ =	shalt  }
.Lfunc_end0:
.L_simem_size_0:
called_computation.2_lowered:
.L_overlay_start_0:
0x88: {  	s2 =	sld [smem:$0x3FD9]  }
0x89: {  	s3 =	sld [smem:$0x3FFE];
	_ =	sdelay $0x1  }
0x8a: {  	s1 =	srdreg.scid  }
0x8b: {  	s0 =	sand.u32 $0x1, s1  }
0x8c: {  	s14 =	sshll.u32 s0, $0xA;
	s2 =	sadd.s32 s3, s2  }
0x8d: {  	s2 =	sadd.s32 s2, s14  }
0x8e: {  	[smem:$0x3FBB] =	sst s2  }
0x8f: {  	_ = 	snop  }
0x90: {  	s2 =	sld [smem:$0x3FD0];
	_ =	sdelay $0x2  }
0x91: {  	s15 =	simm.s32 $0xA;
	s4 =	simm.s32 $0x10  }
0x92: {  	[smem:s4], [sflag:s15] =	dma.local [hbm:s2], $0x1  }
0x93: {  	_ =	swait.eq [sflag:s15], $0x1  }
0x94: {  	[sflag:s15] =	ssyncset.done $0x0  }
0x95: {  	[sflag:s15] =	ssyncadd.s32 $0xFFFFFFFF  }
0x96: {  	s16 =	sld [smem:$0x11];
	(tm) =	ssettm $0x1  }
0x97: {  	s17 =	sld [smem:$0x3FFB];
	_ =	sdelay $0x3  }
0x98: {  	_ =	strace s17  }
0x99: {  	s3 =	sld [smem:$0x3FFC];
	_ =	sdelay $0x3  }
0x9a: {  	_ =	strace s3  }
0x9b: {  	s3 =	sld [smem:$0x3FFD];
	_ =	sdelay $0x3  }
0x9c: {  	_ =	strace s3  }
0x9d: {  	_ =	strace $0x8FFFFFFF  }
0x9e: {  	s18 =	sld [smem:$0x3FDB];
	_ =	sdelay $0x1  }
0x9f: {  	s19 =	simm.s32 $_scs_section_size  }
0xa0: {  	s5 =	simm.s32 $_size__tile_overlayer_lowered;
	s6 =	simm.s32 $_tile_overlayer_lowered  }
0xa1: {  	s22 =	simm.s32 $0x1BFF;
	s21 =	sshll.u32 s6, $0x1;
	s3 =	sadd.s32 s19, s18  }
0xa2: {  	s7 =	simm.s32 $0x0;
	s20 =	sshll.u32 s5, $0x1;
	s5 =	sadd.s32 s21, s3  }
0xa3: {  	[timem:s7], [sflag:s22] =	dma.local [hbm:s5], s20  }
0xa4: {  	_ =	swait.ge [sflag:s22], s20  }
0xa5: {  	s4 =	ssub.s32 $0x0, s20;
	[sflag:s22] =	ssyncset.done $0x0  }
0xa6: {  	[sflag:s22] =	ssyncadd.s32 s4;
	_ =	sdelay $0x1  }
0xa7: {  	s23 =	simm.s32 $0x1B8B  }
0xa8: {  	_ =	swait.ge [sflag:s23], $0x1  }
0xa9: {  	[sflag:s23] =	ssyncset.done $0x0  }
0xaa: {  	s25 =	simm.s32 $0x1B8E;
	s24 =	sld [smem:$0x3FFE];
	[sflag:s23] =	ssyncadd.s32 $0xFFFFFFFF  }
0xab: {  	s26 =	simm.s32 $execute0_lowered;
	[smem:$0x3FD2] =	sst s25  }
0xac: {  	s5 =	sshll.u32 s26, $0x1;
	_ =	strace $0x8000004C;
	[dreg:$0x1] =	wrdreg $0xFFFFFFFF  }
0xad: {  	s28 =	simm.s32 $_size_execute0_lowered;
	s3 =	sadd.s32 s3, s5;
	[dreg:$0x0] =	wrdreg $0x0  }
0xae: {  	s5 =	sshll.u32 s28, $0x1;
	[dreg:$0x2] =	wrdreg s3  }
0xaf: {  	[dreg:$0x3] =	wrdreg s5  }
0xb0: {  	[dreg:$0x4] =	wrdreg $0xC0  }
0xb1: {  	_ =	task [dreg:s7], $0x5FFFF  }
0xb2: {  	[dreg:$0x1] =	wrdreg $0xFFFFFFFF  }
0xb3: {  	[dreg:$0x0] =	wrdreg $0x60  }
0xb4: {  	[dreg:$0x2] =	wrdreg s16  }
0xb5: {  	[dreg:$0x3] =	wrdreg s24  }
0xb6: {  	[dreg:$0x4] =	wrdreg $0xA4000  }
0xb7: {  	[dreg:$0x5] =	wrdreg $0x9  }
0xb8: {  	_ =	task.clear_ibuf [dreg:s7], $0x6FFFF;
	_ =	strace $0x9000004C  }
0xb9: {  	s29 =	simm.s32 $0x9;
	_ =	strace $0x8000004E  }
0xba: {  	_ =	swait.ge [sflag:s29], $0x1  }
0xbb: {  	[sflag:s29] =	ssyncadd.s32 $0xFFFFFFFF  }
0xbc: {  	_ =	strace $0x9000004E  }
0xbd: {  	_ =	sfence  }
0xbe: {  	s30 =	sld [smem:$0x0];
	_ =	sdelay $0x2  }
0xbf: {  	s31 =	sshll.u32 s1, $0xD;
	s1 =	sshrl.u32 s1, $0x2  }
0xc0: {  	s3 =	sand.u32 $0x4000, s31;
	s1 =	sadd.s32 s1, s30  }
0xc1: {  	s0 =	sor.u32 s3, s0;
	s1 =	sshll.u32 s1, $0x11  }
0xc2: {  	s0 =	sor.u32 s1, s0  }
0xc3: {  	s0 =	sadd.s32 $0x8F2B, s0  }
0xc4: {  	[sflag:s0] =	ssyncadd.remote.s32 $0x1  }
0xc5: {  	_ =	sfence.sel $0xFFFF  }
0xc6: {  	[dreg:$0x0] =	wrdreg $0xFFFFFFFF;
	(pc) =	sbr.abs _section_cstart, $3  }
0xc7: {  	[dreg:$0x1] =	wrdreg $0xFFFFFFFF  }
0xc8: {  	_ =	task.clear_ibuf [dreg:s7], $0x2FFFF;
	_ =	strace $0x9FFFFFFF  }
0xc9: {  	(tm) =	ssettm $0x7FFFFFFF  }
tec
execute0_lowered:
.L_overlay_start_1:
0x0: {  	(tag) =	ssettag $0x1  }
0x1: {  	s1 =	rddreg [dreg:$0x0]  }
0x2: {  	s0 =	rddreg [dreg:$0x1]  }
0x3: {  	s2 =	rddreg [dreg:$0x2];
	s3 =	simm.s32 $0x0;
	s14 =	srdreg.scid  }
0x4: {  	s6 =	stileid.u32;
	s28 =	simm.s32 $0x50;
	s31 =	simm.s32 $0x100  }
0x5: {  	[smem:$0x7FF] =	sst s3;
	s26 =	sadd.s32 $0x3400, s0;
	s25 =	sadd.s32 $0xD200, s0  }
0x6: {  	s4 =	sadd.s32 $0x17000, s0;
	s5 =	sshll.u32 s6, $0x1;
	s7 =	smul.u32 $0x4E000, s6  }
0x7: {  	s0 =	sadd.s32 $0x19800, s0;
	s15 =	sshll.u32 s6, $0x6;
	s16 =	smul.u32 $0x4E20, s6  }
0x8: {  	s17 =	sadd.s32 $0x138000, s2;
	s22 =	smul.u32 $0x13800, s6;
	p0 =	sne.s32 s6, $0xF  }
0x9: {  	_ =	strace $0x8000004D;
	[dreg:$0xa] =	wrdreg s4;
	s4 =	sand.u32 $0x1, s14  }
0xa: {  	s29 =	sor.u32 $0x1C0D, s15;
	[dreg:$0xd] =	wrdreg s17;
	s8 =	ssub.s32 $0x2, s4  }
0xb: {  	s5 =	sor.u32 s4, s5;
	s7 =	sshrl.u32 s7, $0x2;
	s10 =	smul.u32 $0x2710, s4  }
0xc: {  	s4 =	smul.u32 $0x138800, s4;
	[dreg:$0xc] =	wrdreg s29;
	s9 =	sshrl.u32 s8, $0x1  }
0xd: {  	s5 =	smul.u32 $0x2710, s5;
	s7 =	sadd.s32 s7, s2;
	s8 =	ssub.s32 s8, s9  }
0xe: {  	[dreg:$0xb] =	wrdreg s7;
	s7 =	sadd.s32 s10, s16;
	s10 =	sadd.s32 s22, s4  }
0xf: {  	s4 =	sshrl.u32 s4, $0x3;
	s5 =	sshrl.u32 s5, $0x3;
	s23 =	sadd.s32 $0x230, s7  }
0x10: {  	s10 =	sshrl.u32 s10, $0x3;
	s14 =	sadd.s32 $0x1E0, s7;
	s11 =	sadd.s32 s26, s5  }
0x11: {  	s17 =	sadd.s32 $0x190, s7;
	s19 =	sadd.s32 s25, s5;
	[dreg:$0xe] =	wrdreg s11  }
0x12: {  	s18 =	sadd.s32 $0xA, s5;
	s10 =	sadd.s32 s0, s10;
	[dreg:$0xf] =	wrdreg s19  }
0x13: {  	s21 =	sadd.s32 $0x14, s5;
	s20 =	sadd.s32 s26, s18;
	[dreg:$0x14] =	wrdreg s10  }
0x14: {  	s24 =	sshrl.u32 s23, $0x3;
	s9 =	sadd.s32 s25, s18;
	[dreg:$0x10] =	wrdreg s20  }
0x15: {  	s30 =	sadd.s32 $0x1E, s5;
	s12 =	sadd.s32 s26, s21;
	[dreg:$0x11] =	wrdreg s9  }
0x16: {  	s15 =	sshrl.u32 s14, $0x3;
	s13 =	sadd.s32 s24, s25;
	[dreg:$0x12] =	wrdreg s12  }
0x17: {  	s0 =	sadd.s32 s0, s4;
	s16 =	sadd.s32 s15, s25;
	[dreg:$0x4] =	wrdreg s13  }
0x18: {  	s4 =	sshrl.u32 s17, $0x3;
	s18 =	sadd.s32 s26, s30;
	[dreg:$0x6] =	wrdreg s16  }
0x19: {  	s5 =	sadd.s32 $0x4D8, s5;
	s19 =	sadd.s32 s15, s26;
	[dreg:$0x15] =	wrdreg s18  }
0x1a: {  	s17 =	simm.s32 $0x4;
	s22 =	sadd.s32 s26, s5;
	[dreg:$0x7] =	wrdreg s19  }
0x1b: {  	s14 =	simm.s32 $0x380;
	s5 =	sadd.s32 s25, s5;
	[dreg:$0x17] =	wrdreg s22  }
0x1c: {  	s0 =	sadd.s32 $0x27000, s0;
	s23 =	sadd.s32 s4, s26;
	[dreg:$0x18] =	wrdreg s5  }
0x1d: {  	s15 =	simm.s32 $0x2;
	s9 =	sadd.s32 s25, s21;
	[dreg:$0x19] =	wrdreg s0  }
0x1e: {  	s20 =	sadd.s32 s4, s25;
	s21 =	sadd.s32 s25, s30;
	[dreg:$0x9] =	wrdreg s23  }
0x1f: {  	s30 =	sadd.s32 $0x140, s7;
	s16 =	simm.s32 $0x3;
	s18 =	simm.s32 $0x5  }
0x20: {  	s19 =	simm.s32 $0x9;
	s22 =	simm.s32 $0x7;
	[dreg:$0x13] =	wrdreg s9  }
0x21: {  	s23 =	simm.s32 $0xB;
	s7 =	simm.s32 $0x8;
	[dreg:$0x16] =	wrdreg s21  }
0x22: {  	s0 =	simm.s32 $0x0;
	s9 =	sadd.s32 s24, s26;
	[dreg:$0x8] =	wrdreg s20  }
0x23: {  	s24 =	smax.u32 s8, $0x1;
	[dreg:$0x1b] =	wrdreg s30;
	s8 =	simm.s32 $0x200  }
0x24: {  	s20 =	simm.s32 $0x6;
	s21 =	simm.s32 $0xA;
	[dreg:$0x5] =	wrdreg s9  }
0x25: {  	[dreg:$0x1a] =	wrdreg s24;
	s9 =	simm.s32 $0xD;
	s24 =	simm.s32 $0xC  }
.LBB2_1:
0x26: {  	[dreg:$0x1c] =	wrdreg s0  }
0x27: {  	s5 =	rddreg [dreg:$0xb]  }
0x28: {  	s13 =	sshrl.u32 s5, $0x3;
	s5 =	rddreg [dreg:$0xa]  }
0x29: {  	[dreg:$0x1d] =	wrdreg s13  }
0x2a: {  	[spmem:s13], [sflag:s29] =	dma.local [hbm:s5], $0x2700  }
0x2b: {  	_ =	swait.ge [sflag:s9], $0x2700  }
0x2c: {  	s6 =	rddreg [dreg:$0xd]  }
0x2d: {  	[sflag:s9] =	ssyncset.done $0x0;
	s0 =	sshrl.u32 @!p0 s6, $0x3  }
0x2e: {  	[sflag:s9] =	ssyncadd.s32 $0xFFFFD900;
	[dreg:$0x1e] =	wrdreg s0  }
0x2f: {  	[spmem:s0], [sflag:s29] =	dma.local @!p0 [hbm:s5], $0x100  }
0x30: {  	s5 =	simm.s32 @!p0 $0xD  }
0x31: {  	_ =	swait.ge @!p0 [sflag:s5], $0x100  }
0x32: {  	[sflag:s5] =	ssyncset.done @!p0 $0x0  }
0x33: {  	[sflag:s5] =	ssyncadd.s32 @!p0 $0xFFFFFF00  }
0x34: {  	[bflag:$0x0] =	sbarrier.arrive $0xFFFF  }
0x35: {  	s0 =	rddreg [dreg:$0xe]  }
0x36: {  	[tilespmem:s3], [sflag:$0xD] =	stream.linear.gather [hbm4b:s0+s3], $0x50, $0x38;
	[tilespmem:$0x1DC80] =	vst v63  }
0x37: {  	_ =	swait.ge [sflag:s9], $0x50  }
0x38: {  	[sflag:s9] =	ssyncset.done $0x0  }
0x39: {  	s29 =	simm.s32 $0x80;
	s4 =	rddreg [dreg:$0xf];
	[sflag:s9] =	ssyncadd.s32 $0xFFFFFFB0  }
0x3a: {  	[tilespmem:s29], [sflag:$0xD] =	stream.linear.gather [hbm4b:s4+s3], $0x50, $0x38;
	[tilespmem:$0x1DC80] =	vst v63  }
0x3b: {  	_ =	swait.ge [sflag:s9], $0x50  }
0x3c: {  	[sflag:s9] =	ssyncset.done $0x0  }
0x3d: {  	s30 =	simm.s32 $0x400;
	[sflag:s9] =	ssyncadd.s32 $0xFFFFFFB0  }
0x3e: {  	[tilespmem:s30], [sflag:$0x1] =	stream.indirect.gather [hbm4b:s1+s28], $0x80, s3, s28, $0xb8;
	[tilespmem:$0x1DC80] =	vst v63  }
0x3f: {  	s6 =	rddreg [dreg:$0x10]  }
0x40: {  	[tilespmem:s31], [sflag:$0xD] =	stream.linear.gather [hbm4b:s6+s3], $0x50, $0x38;
	[tilespmem:$0x1DC80] =	vst v63  }
0x41: {  	_ =	swait.ge [sflag:s9], $0x50  }
0x42: {  	[sflag:s9] =	ssyncset.done $0x0  }
0x43: {  	s0 =	simm.s32 $0x180;
	s10 =	rddreg [dreg:$0x11];
	[sflag:s9] =	ssyncadd.s32 $0xFFFFFFB0  }
0x44: {  	[tilespmem:s0], [sflag:$0xD] =	stream.linear.gather [hbm4b:s10+s3], $0x50, $0x38;
	[tilespmem:$0x1DC80] =	vst v63  }
0x45: {  	_ =	swait.ge [sflag:s9], $0x50  }
0x46: {  	[sflag:s9] =	ssyncset.done $0x0  }
0x47: {  	s4 =	simm.s32 $0x2C00;
	[sflag:s9] =	ssyncadd.s32 $0xFFFFFFB0  }
0x48: {  	[tilespmem:s4], [sflag:$0x2] =	stream.indirect.gather [hbm4b:s1+s28], $0x80, s31, s28, $0xb8;
	[tilespmem:$0x1DC80] =	vst v63  }
0x49: {  	s11 =	rddreg [dreg:$0x12]  }
0x4a: {  	[tilespmem:s8], [sflag:$0xD] =	stream.linear.gather [hbm4b:s11+s3], $0x50, $0x38;
	[tilespmem:$0x1DC80] =	vst v63  }
0x4b: {  	_ =	swait.ge [sflag:s9], $0x50  }
0x4c: {  	[sflag:s9] =	ssyncset.done $0x0  }
0x4d: {  	s10 =	simm.s32 $0x280;
	s12 =	rddreg [dreg:$0x13];
	[sflag:s9] =	ssyncadd.s32 $0xFFFFFFB0  }
0x4e: {  	[tilespmem:s10], [sflag:$0xD] =	stream.linear.gather [hbm4b:s12+s3], $0x50, $0x38;
	[tilespmem:$0x1DC80] =	vst v63  }
0x4f: {  	_ =	swait.ge [sflag:s9], $0x50  }
0x50: {  	[sflag:s9] =	ssyncset.done $0x0  }
0x51: {  	s11 =	simm.s32 $0x5400;
	[sflag:s9] =	ssyncadd.s32 $0xFFFFFFB0  }
0x52: {  	[tilespmem:s11], [sflag:$0x3] =	stream.indirect.gather [hbm4b:s1+s28], $0x80, s8, s28, $0xb8;
	[tilespmem:$0x1DC80] =	vst v63  }
0x53: {  	s12 =	simm.s32 $0x300;
	s13 =	rddreg [dreg:$0x15]  }
0x54: {  	[tilespmem:s12], [sflag:$0xD] =	stream.linear.gather [hbm4b:s13+s3], $0x50, $0x38;
	[tilespmem:$0x1DC80] =	vst v63  }
0x55: {  	_ =	swait.ge [sflag:s9], $0x50  }
0x56: {  	[sflag:s9] =	ssyncset.done $0x0  }
0x57: {  	s13 =	simm.s32 $0x380;
	s6 =	rddreg [dreg:$0x16];
	[sflag:s9] =	ssyncadd.s32 $0xFFFFFFB0  }
0x58: {  	[tilespmem:s13], [sflag:$0xD] =	stream.linear.gather [hbm4b:s6+s3], $0x50, $0x38;
	[tilespmem:$0x1DC80] =	vst v63  }
0x59: {  	_ =	swait.ge [sflag:s9], $0x50  }
0x5a: {  	[sflag:s9] =	ssyncset.done $0x0  }
0x5b: {  	s5 =	simm.s32 $0x7C00;
	[sflag:s9] =	ssyncadd.s32 $0xFFFFFFB0;
	s9 =	simm.s32 $0x1  }
0x5c: {  	[tilespmem:s5], [sflag:$0x4] =	stream.indirect.gather [hbm4b:s1+s28], $0x80, s12, s28, $0xb8;
	[tilespmem:$0x1DC80] =	vst v63  }
0x5d: {  	_ =	swait.ge [sflag:s9], $0x2800  }
0x5e: {  	[sflag:s9] =	ssyncset.done $0x0  }
0x5f: {  	[sflag:s9] =	ssyncadd.s32 $0xFFFFD800  }
0x60: {  	[spmem:s2] =	stream.indirect.scatter.add.f32 [tilespmem:s30], [sflag:$0x5], $0x80, s29, s28, $0xb8;
	[tilespmem:$0x1DC80] =	vst v63  }
0x61: {  	_ =	swait.ge [sflag:s15], $0x2800  }
0x62: {  	[sflag:s15] =	ssyncset.done $0x0  }
0x63: {  	[sflag:s15] =	ssyncadd.s32 $0xFFFFD800  }
0x64: {  	[spmem:s2] =	stream.indirect.scatter.add.f32 [tilespmem:s4], [sflag:$0x6], $0x80, s0, s28, $0xb8;
	[tilespmem:$0x1DC80] =	vst v63  }
0x65: {  	_ =	swait.ge [sflag:s16], $0x2800  }
0x66: {  	[sflag:s16] =	ssyncset.done $0x0  }
0x67: {  	[sflag:s16] =	ssyncadd.s32 $0xFFFFD800  }
0x68: {  	[spmem:s2] =	stream.indirect.scatter.add.f32 [tilespmem:s11], [sflag:$0x7], $0x80, s10, s28, $0xb8;
	[tilespmem:$0x1DC80] =	vst v63  }
0x69: {  	_ =	swait.ge [sflag:s17], $0x2800  }
0x6a: {  	[sflag:s17] =	ssyncset.done $0x0  }
0x6b: {  	[sflag:s17] =	ssyncadd.s32 $0xFFFFD800  }
0x6c: {  	[spmem:s2] =	stream.indirect.scatter.add.f32 [tilespmem:s5], [sflag:$0x8], $0x80, s13, s28, $0xb8;
	[tilespmem:$0x1DC80] =	vst v63  }
0x6d: {  	_ =	swait.ge [sflag:s18], $0x2800  }
0x6e: {  	s6 =	rddreg [dreg:$0x1b]  }
0x6f: {  	[sflag:s18] =	ssyncset.done $0x0;
	s5 =	sshrl.u32 s6, $0x3  }
0x70: {  	[sflag:s18] =	ssyncadd.s32 $0xFFFFD800;
	s9 =	sadd.s32 s26, s5  }
0x71: {  	[tilespmem:s3], [sflag:$0x9] =	stream.linear.gather [hbm4b:s9+s3], $0x50, $0x38;
	[tilespmem:$0x1DC80] =	vst v63  }
0x72: {  	s5 =	sadd.s32 s25, s5  }
0x73: {  	[tilespmem:s29], [sflag:$0x9] =	stream.linear.gather [hbm4b:s5+s3], $0x50, $0x38;
	[tilespmem:$0x1DC80] =	vst v63  }
0x74: {  	_ =	swait.ge [sflag:s19], $0x50  }
0x75: {  	[sflag:s19] =	ssyncset.done $0x0  }
0x76: {  	[sflag:s19] =	ssyncadd.s32 $0xFFFFFFB0  }
0x77: {  	_ =	swait.ge [sflag:s19], $0x50  }
0x78: {  	[sflag:s19] =	ssyncset.done $0x0  }
0x79: {  	[sflag:s19] =	ssyncadd.s32 $0xFFFFFFB0  }
0x7a: {  	[tilespmem:s30], [sflag:$0x1] =	stream.indirect.gather [hbm4b:s1+s28], $0x80, s3, s28, $0xb8;
	[tilespmem:$0x1DC80] =	vst v63  }
0x7b: {  	_ =	swait.ge [sflag:s20], $0x2800  }
0x7c: {  	s9 =	rddreg [dreg:$0x9];
	[sflag:s20] =	ssyncset.done $0x0  }
0x7d: {  	s29 =	rddreg [dreg:$0x8];
	[sflag:s20] =	ssyncadd.s32 $0xFFFFD800;
	s5 =	sadd.s32 $0x0, s9  }
0x7e: {  	[tilespmem:s31], [sflag:$0xA] =	stream.linear.gather [hbm4b:s5+s3], $0x50, $0x38;
	[tilespmem:$0x1DC80] =	vst v63  }
0x7f: {  	s29 =	sadd.s32 $0x0, s29  }
0x80: {  	[tilespmem:s0], [sflag:$0xA] =	stream.linear.gather [hbm4b:s29+s3], $0x50, $0x38;
	[tilespmem:$0x1DC80] =	vst v63  }
0x81: {  	_ =	swait.ge [sflag:s21], $0x50  }
0x82: {  	[sflag:s21] =	ssyncset.done $0x0  }
0x83: {  	[sflag:s21] =	ssyncadd.s32 $0xFFFFFFB0  }
0x84: {  	_ =	swait.ge [sflag:s21], $0x50  }
0x85: {  	[sflag:s21] =	ssyncset.done $0x0  }
0x86: {  	[sflag:s21] =	ssyncadd.s32 $0xFFFFFFB0  }
0x87: {  	[tilespmem:s4], [sflag:$0x2] =	stream.indirect.gather [hbm4b:s1+s28], $0x80, s31, s28, $0xb8;
	[tilespmem:$0x1DC80] =	vst v63  }
0x88: {  	_ =	swait.ge [sflag:s22], $0x2800  }
0x89: {  	s0 =	rddreg [dreg:$0x7];
	[sflag:s22] =	ssyncset.done $0x0  }
0x8a: {  	s4 =	rddreg [dreg:$0x6];
	[sflag:s22] =	ssyncadd.s32 $0xFFFFD800;
	s5 =	sadd.s32 $0x0, s0  }
0x8b: {  	[tilespmem:s8], [sflag:$0xB] =	stream.linear.gather [hbm4b:s5+s3], $0x50, $0x38;
	[tilespmem:$0x1DC80] =	vst v63  }
0x8c: {  	s9 =	sadd.s32 $0x0, s4  }
0x8d: {  	[tilespmem:s10], [sflag:$0xB] =	stream.linear.gather [hbm4b:s9+s3], $0x50, $0x38;
	[tilespmem:$0x1DC80] =	vst v63  }
0x8e: {  	_ =	swait.ge [sflag:s23], $0x50  }
0x8f: {  	[sflag:s23] =	ssyncset.done $0x0  }
0x90: {  	[sflag:s23] =	ssyncadd.s32 $0xFFFFFFB0  }
0x91: {  	_ =	swait.ge [sflag:s23], $0x50  }
0x92: {  	[sflag:s23] =	ssyncset.done $0x0  }
0x93: {  	[sflag:s23] =	ssyncadd.s32 $0xFFFFFFB0  }
0x94: {  	[tilespmem:s11], [sflag:$0x3] =	stream.indirect.gather [hbm4b:s1+s28], $0x80, s8, s28, $0xb8;
	[tilespmem:$0x1DC80] =	vst v63  }
0x95: {  	_ =	swait.ge [sflag:s7], $0x2800  }
0x96: {  	s11 =	rddreg [dreg:$0x5];
	[sflag:s7] =	ssyncset.done $0x0  }
0x97: {  	s29 =	rddreg [dreg:$0x4];
	[sflag:s7] =	ssyncadd.s32 $0xFFFFD800;
	s5 =	sadd.s32 $0x0, s11  }
0x98: {  	[tilespmem:s12], [sflag:$0xC] =	stream.linear.gather [hbm4b:s5+s3], $0x50, $0x38;
	[tilespmem:$0x1DC80] =	vst v63  }
0x99: {  	s31 =	sadd.s32 $0x0, s29  }
0x9a: {  	[tilespmem:s13], [sflag:$0xC] =	stream.linear.gather [hbm4b:s31+s3], $0x50, $0x38;
	[tilespmem:$0x1DC80] =	vst v63  }
0x9b: {  	_ =	swait.ge [sflag:s24], $0x50  }
0x9c: {  	[sflag:s24] =	ssyncset.done $0x0  }
0x9d: {  	[sflag:s24] =	ssyncadd.s32 $0xFFFFFFB0  }
0x9e: {  	_ =	swait.ge [sflag:s24], $0x50  }
0x9f: {  	s30 =	smov.u32 s25;
	s25 =	sadd.s32 $0x140, s6;
	[sflag:s24] =	ssyncset.done $0x0  }
0xa0: {  	s9 =	simm.s32 $0x28;
	s10 =	simm.s32 $0x200;
	[sflag:s24] =	ssyncadd.s32 $0xFFFFFFB0  }
.LBB2_2:
0xa1: {  	s13 =	simm.s32 $0x300;
	s6 =	simm.s32 $0x7C00;
	s0 =	simm.s32 $0x1  }
0xa2: {  	[tilespmem:s6], [sflag:$0x4] =	stream.indirect.gather [hbm4b:s1+s28], $0x80, s13, s28, $0xb8;
	[tilespmem:$0x1DC80] =	vst v63  }
0xa3: {  	_ =	swait.ge [sflag:s0], $0x2800  }
0xa4: {  	[sflag:s0] =	ssyncset.done $0x0  }
0xa5: {  	s31 =	simm.s32 $0x80;
	[sflag:s0] =	ssyncadd.s32 $0xFFFFD800;
	s0 =	simm.s32 $0x400  }
0xa6: {  	[spmem:s2] =	stream.indirect.scatter.add.f32 [tilespmem:s0], [sflag:$0x5], $0x80, s31, s28, $0xb8;
	[tilespmem:$0x1DC80] =	vst v63  }
0xa7: {  	_ =	swait.ge [sflag:s15], $0x2800  }
0xa8: {  	[sflag:s15] =	ssyncset.done $0x0  }
0xa9: {  	s4 =	simm.s32 $0x180;
	s8 =	simm.s32 $0x2C00;
	[sflag:s15] =	ssyncadd.s32 $0xFFFFD800  }
0xaa: {  	[spmem:s2] =	stream.indirect.scatter.add.f32 [tilespmem:s8], [sflag:$0x6], $0x80, s4, s28, $0xb8;
	[tilespmem:$0x1DC80] =	vst v63  }
0xab: {  	_ =	swait.ge [sflag:s16], $0x2800  }
0xac: {  	[sflag:s16] =	ssyncset.done $0x0  }
0xad: {  	s11 =	simm.s32 $0x280;
	s12 =	simm.s32 $0x5400;
	[sflag:s16] =	ssyncadd.s32 $0xFFFFD800  }
0xae: {  	[spmem:s2] =	stream.indirect.scatter.add.f32 [tilespmem:s12], [sflag:$0x7], $0x80, s11, s28, $0xb8;
	[tilespmem:$0x1DC80] =	vst v63  }
0xaf: {  	_ =	swait.ge [sflag:s17], $0x2800  }
0xb0: {  	[sflag:s17] =	ssyncset.done $0x0  }
0xb1: {  	[sflag:s17] =	ssyncadd.s32 $0xFFFFD800  }
0xb2: {  	[spmem:s2] =	stream.indirect.scatter.add.f32 [tilespmem:s6], [sflag:$0x8], $0x80, s14, s28, $0xb8;
	[tilespmem:$0x1DC80] =	vst v63  }
0xb3: {  	_ =	swait.ge [sflag:s18], $0x2800  }
0xb4: {  	s6 =	sshrl.u32 s25, $0x3;
	[sflag:s18] =	ssyncset.done $0x0  }
0xb5: {  	s29 =	smov.u32 s26;
	s26 =	sadd.s32 s26, s6;
	[sflag:s18] =	ssyncadd.s32 $0xFFFFD800  }
0xb6: {  	[tilespmem:s3], [sflag:$0x9] =	stream.linear.gather [hbm4b:s26+s3], $0x50, $0x38;
	[tilespmem:$0x1DC80] =	vst v63  }
0xb7: {  	s6 =	sadd.s32 s30, s6  }
0xb8: {  	[tilespmem:s31], [sflag:$0x9] =	stream.linear.gather [hbm4b:s6+s3], $0x50, $0x38;
	[tilespmem:$0x1DC80] =	vst v63  }
0xb9: {  	_ =	swait.ge [sflag:s19], $0x50  }
0xba: {  	[sflag:s19] =	ssyncset.done $0x0  }
0xbb: {  	[sflag:s19] =	ssyncadd.s32 $0xFFFFFFB0  }
0xbc: {  	_ =	swait.ge [sflag:s19], $0x50  }
0xbd: {  	[sflag:s19] =	ssyncset.done $0x0  }
0xbe: {  	[sflag:s19] =	ssyncadd.s32 $0xFFFFFFB0  }
0xbf: {  	[tilespmem:s0], [sflag:$0x1] =	stream.indirect.gather [hbm4b:s1+s28], $0x80, s3, s28, $0xb8;
	[tilespmem:$0x1DC80] =	vst v63  }
0xc0: {  	s5 =	smov.u32 s9;
	_ =	swait.ge [sflag:s20], $0x2800  }
0xc1: {  	s31 =	simm.s32 $0x100;
	s26 =	rddreg [dreg:$0x9];
	[sflag:s20] =	ssyncset.done $0x0  }
0xc2: {  	s0 =	rddreg [dreg:$0x8];
	[sflag:s20] =	ssyncadd.s32 $0xFFFFD800;
	s6 =	sadd.s32 s5, s26  }
0xc3: {  	[tilespmem:s31], [sflag:$0xA] =	stream.linear.gather [hbm4b:s6+s3], $0x50, $0x38;
	[tilespmem:$0x1DC80] =	vst v63  }
0xc4: {  	s26 =	sadd.s32 s5, s0  }
0xc5: {  	[tilespmem:s4], [sflag:$0xA] =	stream.linear.gather [hbm4b:s26+s3], $0x50, $0x38;
	[tilespmem:$0x1DC80] =	vst v63  }
0xc6: {  	_ =	swait.ge [sflag:s21], $0x50  }
0xc7: {  	[sflag:s21] =	ssyncset.done $0x0  }
0xc8: {  	[sflag:s21] =	ssyncadd.s32 $0xFFFFFFB0  }
0xc9: {  	_ =	swait.ge [sflag:s21], $0x50  }
0xca: {  	[sflag:s21] =	ssyncset.done $0x0  }
0xcb: {  	[sflag:s21] =	ssyncadd.s32 $0xFFFFFFB0  }
0xcc: {  	[tilespmem:s8], [sflag:$0x2] =	stream.indirect.gather [hbm4b:s1+s28], $0x80, s31, s28, $0xb8;
	[tilespmem:$0x1DC80] =	vst v63  }
0xcd: {  	_ =	swait.ge [sflag:s22], $0x2800  }
0xce: {  	s26 =	rddreg [dreg:$0x7];
	[sflag:s22] =	ssyncset.done $0x0  }
0xcf: {  	s8 =	rddreg [dreg:$0x6];
	[sflag:s22] =	ssyncadd.s32 $0xFFFFD800;
	s6 =	sadd.s32 s5, s26  }
0xd0: {  	[tilespmem:s10], [sflag:$0xB] =	stream.linear.gather [hbm4b:s6+s3], $0x50, $0x38;
	[tilespmem:$0x1DC80] =	vst v63  }
0xd1: {  	s26 =	sadd.s32 s5, s8  }
0xd2: {  	[tilespmem:s11], [sflag:$0xB] =	stream.linear.gather [hbm4b:s26+s3], $0x50, $0x38;
	[tilespmem:$0x1DC80] =	vst v63  }
0xd3: {  	_ =	swait.ge [sflag:s23], $0x50  }
0xd4: {  	[sflag:s23] =	ssyncset.done $0x0  }
0xd5: {  	[sflag:s23] =	ssyncadd.s32 $0xFFFFFFB0  }
0xd6: {  	_ =	swait.ge [sflag:s23], $0x50  }
0xd7: {  	[sflag:s23] =	ssyncset.done $0x0  }
0xd8: {  	[sflag:s23] =	ssyncadd.s32 $0xFFFFFFB0  }
0xd9: {  	[tilespmem:s12], [sflag:$0x3] =	stream.indirect.gather [hbm4b:s1+s28], $0x80, s10, s28, $0xb8;
	[tilespmem:$0x1DC80] =	vst v63  }
0xda: {  	_ =	swait.ge [sflag:s7], $0x2800  }
0xdb: {  	s12 =	rddreg [dreg:$0x5];
	[sflag:s7] =	ssyncset.done $0x0  }
0xdc: {  	s26 =	rddreg [dreg:$0x4];
	[sflag:s7] =	ssyncadd.s32 $0xFFFFD800;
	s6 =	sadd.s32 s5, s12  }
0xdd: {  	[tilespmem:s13], [sflag:$0xC] =	stream.linear.gather [hbm4b:s6+s3], $0x50, $0x38;
	[tilespmem:$0x1DC80] =	vst v63  }
0xde: {  	s5 =	sadd.s32 s5, s26  }
0xdf: {  	[tilespmem:s14], [sflag:$0xC] =	stream.linear.gather [hbm4b:s5+s3], $0x50, $0x38;
	[tilespmem:$0x1DC80] =	vst v63  }
0xe0: {  	p1 =	sne.s32 s9, $0x488;
	_ =	swait.ge [sflag:s24], $0x50  }
.Ltmp0:
0xe1: {  	s9 =	sadd.s32 $0x28, s9;
	[sflag:s24] =	ssyncset.done $0x0;
	(pc) =	sbr.rel @p1 .LBB2_2-.Ltmp0, $4  }
0xe2: {  	s25 =	sadd.s32 $0x140, s25;
	s0 =	simm.s32 $0x180;
	[sflag:s24] =	ssyncadd.s32 $0xFFFFFFB0  }
0xe3: {  	s4 =	simm.s32 $0x2C00;
	s8 =	simm.s32 $0x280;
	_ =	swait.ge [sflag:s24], $0x50  }
0xe4: {  	s11 =	simm.s32 $0x5400;
	s12 =	simm.s32 $0x300;
	[sflag:s24] =	ssyncset.done $0x0  }
0xe5: {  	s26 =	smov.u32 s29;
	s13 =	simm.s32 $0x380;
	[sflag:s24] =	ssyncadd.s32 $0xFFFFFFB0  }
0xe6: {  	s5 =	simm.s32 $0x7C00;
	s25 =	simm.s32 $0x1  }
0xe7: {  	[tilespmem:s5], [sflag:$0x4] =	stream.indirect.gather [hbm4b:s1+s28], $0x80, s12, s28, $0xb8;
	[tilespmem:$0x1DC80] =	vst v63  }
0xe8: {  	_ =	swait.ge [sflag:s25], $0x2800  }
0xe9: {  	[sflag:s25] =	ssyncset.done $0x0  }
0xea: {  	s6 =	simm.s32 $0x80;
	s10 =	simm.s32 $0x400;
	[sflag:s25] =	ssyncadd.s32 $0xFFFFD800  }
0xeb: {  	[spmem:s2] =	stream.indirect.scatter.add.f32 [tilespmem:s10], [sflag:$0x5], $0x80, s6, s28, $0xb8;
	[tilespmem:$0x1DC80] =	vst v63  }
0xec: {  	_ =	swait.ge [sflag:s15], $0x2800  }
0xed: {  	[sflag:s15] =	ssyncset.done $0x0  }
0xee: {  	[sflag:s15] =	ssyncadd.s32 $0xFFFFD800  }
0xef: {  	[spmem:s2] =	stream.indirect.scatter.add.f32 [tilespmem:s4], [sflag:$0x6], $0x80, s0, s28, $0xb8;
	[tilespmem:$0x1DC80] =	vst v63  }
0xf0: {  	_ =	swait.ge [sflag:s16], $0x2800  }
0xf1: {  	[sflag:s16] =	ssyncset.done $0x0  }
0xf2: {  	[sflag:s16] =	ssyncadd.s32 $0xFFFFD800  }
0xf3: {  	[spmem:s2] =	stream.indirect.scatter.add.f32 [tilespmem:s11], [sflag:$0x7], $0x80, s8, s28, $0xb8;
	[tilespmem:$0x1DC80] =	vst v63  }
0xf4: {  	_ =	swait.ge [sflag:s17], $0x2800  }
0xf5: {  	[sflag:s17] =	ssyncset.done $0x0  }
0xf6: {  	[sflag:s17] =	ssyncadd.s32 $0xFFFFD800  }
0xf7: {  	[spmem:s2] =	stream.indirect.scatter.add.f32 [tilespmem:s5], [sflag:$0x8], $0x80, s13, s28, $0xb8;
	[tilespmem:$0x1DC80] =	vst v63  }
0xf8: {  	_ =	swait.ge [sflag:s18], $0x2800  }
0xf9: {  	[sflag:s18] =	ssyncset.done $0x0  }
0xfa: {  	s9 =	simm.s32 $0xD;
	s4 =	rddreg [dreg:$0x17];
	[sflag:s18] =	ssyncadd.s32 $0xFFFFD800  }
0xfb: {  	[tilespmem:s3], [sflag:$0xD] =	stream.linear.gather [hbm4b:s4+s3], $0x50, $0x38;
	[tilespmem:$0x1DC80] =	vst v63  }
0xfc: {  	_ =	swait.ge [sflag:s9], $0x50  }
0xfd: {  	[sflag:s9] =	ssyncset.done $0x0  }
0xfe: {  	s8 =	rddreg [dreg:$0x18];
	[sflag:s9] =	ssyncadd.s32 $0xFFFFFFB0  }
0xff: {  	[tilespmem:s6], [sflag:$0xD] =	stream.linear.gather [hbm4b:s8+s3], $0x50, $0x38;
	[tilespmem:$0x1DC80] =	vst v63  }
0x100: {  	_ =	swait.ge [sflag:s9], $0x50  }
0x101: {  	[sflag:s9] =	ssyncset.done $0x0  }
0x102: {  	[sflag:s9] =	ssyncadd.s32 $0xFFFFFFB0  }
0x103: {  	[tilespmem:s10], [sflag:$0x1] =	stream.indirect.gather [hbm4b:s1+s28], $0x80, s3, s28, $0xb8;
	[tilespmem:$0x1DC80] =	vst v63  }
0x104: {  	_ =	swait.ge [sflag:s25], $0x2800  }
0x105: {  	[sflag:s25] =	ssyncset.done $0x0  }
0x106: {  	[sflag:s25] =	ssyncadd.s32 $0xFFFFD800  }
0x107: {  	[spmem:s2] =	stream.indirect.scatter.add.f32 [tilespmem:s10], [sflag:$0x5], $0x80, s6, s28, $0xb8;
	[tilespmem:$0x1DC80] =	vst v63  }
0x108: {  	_ =	swait.ge [sflag:s18], $0x2800  }
0x109: {  	[sflag:s18] =	ssyncset.done $0x0  }
0x10a: {  	[sflag:s18] =	ssyncadd.s32 $0xFFFFD800  }
0x10b: {  	_ =	swait.ge [sflag:s20], $0x2800  }
0x10c: {  	[sflag:s20] =	ssyncset.done $0x0  }
0x10d: {  	[sflag:s20] =	ssyncadd.s32 $0xFFFFD800  }
0x10e: {  	_ =	swait.ge [sflag:s22], $0x2800  }
0x10f: {  	[sflag:s22] =	ssyncset.done $0x0  }
0x110: {  	[sflag:s22] =	ssyncadd.s32 $0xFFFFD800  }
0x111: {  	_ =	swait.ge [sflag:s7], $0x2800  }
0x112: {  	[sflag:s7] =	ssyncset.done $0x0  }
0x113: {  	[sflag:s7] =	ssyncadd.s32 $0xFFFFD800  }
0x114: {  	[bflag:$0x0] =	sbarrier.arrive $0xFFFF  }
0x115: {  	s29 =	rddreg [dreg:$0xc]  }
0x116: {  	s11 =	rddreg [dreg:$0x14]  }
0x117: {  	s12 =	rddreg [dreg:$0x1d]  }
0x118: {  	[hbm:s11], [sflag:s29] =	dma.local [spmem:s12], $0x2700  }
0x119: {  	_ =	swait.ge [sflag:s9], $0x2700  }
0x11a: {  	[sflag:s9] =	ssyncset.done $0x0;
	s5 =	rddreg [dreg:$0x19]  }
0x11b: {  	s0 =	rddreg [dreg:$0x1e];
	[sflag:s9] =	ssyncadd.s32 $0xFFFFD900  }
0x11c: {  	[hbm:s5], [sflag:s29] =	dma.local @!p0 [spmem:s0], $0x100  }
0x11d: {  	s5 =	simm.s32 @!p0 $0xD  }
0x11e: {  	_ =	swait.ge @!p0 [sflag:s5], $0x100  }
0x11f: {  	s13 =	rddreg [dreg:$0x1c]  }
0x120: {  	s25 =	rddreg [dreg:$0x1a];
	s0 =	sadd.s32 $0x1, s13  }
0x121: {  	p1 =	sne.s32 s0, s25  }
.Ltmp1:
0x122: {  	_ = 	snop;
	(pc) =	sbr.rel @p1 .LBB2_1-.Ltmp1, $3  }
0x123: {  	_ =	sdelay $0x1  }
0x124: {  	[sflag:s5] =	ssyncset.done @!p0 $0x0  }
0x125: {  	s8 =	simm.s32 $0x200;
	[sflag:s5] =	ssyncadd.s32 @!p0 $0xFFFFFF00;
	s25 =	smov.u32 s30  }
0x126: {  	_ =	sfence.sel $0x180000  }
0x127: {  	[bflag:$0x0] =	sbarrier.arrive $0xFFFF  }
0x128: {  	_ =	strace $0x9000004D  }
0x129: {  	s0 =	stileid.u32;
	[bflag:$0x2] =	sbarrier.arrive $0xFFFF  }
0x12a: {  	p0 =	sne.s32 s0, $0x0;
	s0 =	rddreg [dreg:$0x3]  }
0x12b: {  	s0 =	sadd.s32 @!p0 $0x100000, s0  }
0x12c: {  	[sflag:s0] =	ssyncadd.tile.s32 @!p0 $0x1;
	_ =	shalt  }
.Lfunc_end2:
_tile_overlayer_lowered:
.L_overlay_start_2:
0x12d: {  	(tag) =	ssettag $0x2  }
0x12e: {  	s0 =	rddreg [dreg:$0x0];
	s2 =	stileid.u32  }
0x12f: {  	s1 =	rddreg [dreg:$0x1];
	p0 =	sne.s32 s2, $0x0  }
0x130: {  	s3 =	rddreg [dreg:$0x2];
	[bflag:$0x3] =	sbarrier.arrive $0xFFFF;
	s2 =	simm.s32 @!p0 $0x1C0D  }
0x131: {  	[timem:s3], [sflag:s2] =	dma.local @!p0 [hbm:s0], s1  }
0x132: {  	s0 =	simm.s32 @!p0 $0xD  }
0x133: {  	_ =	swait.ge @!p0 [sflag:s0], s1  }
0x134: {  	s1 =	ssub.s32 @!p0 $0x0, s1;
	[sflag:s0] =	ssyncset.done @!p0 $0x0  }
0x135: {  	[sflag:s0] =	ssyncadd.s32 @!p0 s1  }
0x136: {  	[bflag:$0x3] =	sbarrier.arrive $0xFFFF  }
0x137: {  	_ =	shalt  }

// kernel: kernel.9.cloned.1.call-start
scs
__scs_entry_jumppad:
0x0: {  	(pc) =	sbr.rel $0x88, $3  }
0x1: {  	(tag) =	ssettag $0x0;
	lr =	simm.s32 $0x1  }
0x2: {  	[smem:$0x3F94] =	sst lr;
	_ =	strace $0xD0000000  }
0x3: {  	_ = 	snop  }
0x4: {  	_ = 	snop  }
0x5: {  	_ = 	snop  }
0x6: {  	_ = 	snop  }
0x7: {  	_ = 	snop  }
__scs_overlays_trampoline_lowered:
0x8: {  	[smem:$0x3FA3] =	sst s0  }
0x9: {  	[smem:$0x3FA4] =	sst s1  }
0xa: {  	[smem:$0x3FA5] =	sst s2  }
0xb: {  	[smem:$0x3FA6] =	sst s3  }
0xc: {  	[smem:$0x3FA7] =	sst s4  }
0xd: {  	[smem:$0x3FA8] =	sst s5  }
0xe: {  	[smem:$0x3FA9] =	sst s6  }
0xf: {  	[smem:$0x3FAA] =	sst s7  }
0x10: {  	[smem:$0x3FAB] =	sst s8  }
0x11: {  	[smem:$0x3FAC] =	sst s9;
	s0 =	simm.s32 @!p0 $0x0  }
0x12: {  	s1 =	sld [smem:$0x3F92];
	s0 =	simm.s32 @p0 $0x1  }
0x13: {  	[smem:$0x3FAD] =	sst s0;
	s0 =	simm.s32 @!p1 $0x0  }
0x14: {  	s2 =	sld [smem:$0x3F91];
	s0 =	simm.s32 @p1 $0x1  }
0x15: {  	[smem:$0x3FAE] =	sst s0;
	s0 =	simm.s32 @!p2 $0x0  }
0x16: {  	s3 =	sld [smem:$0x3FDB];
	s0 =	simm.s32 @p2 $0x1  }
0x17: {  	s4 =	simm.s32 $0x1BF5;
	[smem:$0x3FB0] =	sst s0  }
0x18: {  	s0 =	sld [smem:$0x3F93];
	_ =	swait.ge [sflag:s4], $0x0  }
0x19: {  	s7 =	sld [smem:$0x3F94]  }
0x1a: {  	s8 =	sadd.s32 $0xFFFFE003, lr  }
0x1b: {  	s9 =	sadd.s32 $0xFFFFFEF7, lr;
	s5 =	simm.s32 $0xFFFFFFFF;
	p2 =	slt.u32 s8, $0xFFFFF086  }
0x1c: {  	p1 =	slt.u32 s9, $0xF7A;
	s5 =	simm.s32 @!p2 $0x0  }
0x1d: {  	s5 =	simm.s32 @p1 $0x1;
	p0 =	seq.s32 s7, s2  }
0x1e: {  	s7 =	smul.u32 @!p0 $0xF7A, s2;
	p2 =	seq.s32 @!p0 s5, $0x0  }
0x1f: {  	s9 =	smul.u32 $0xF7A, s1;
	s8 =	simm.s32 @!p0 $0x1BF5;
	p2 =	por !p2, p0  }
0x20: {  	[sflag:s8] =	ssyncset.s32 @!p0 $0xFFFFF086;
	s6 =	sadd.s32 @!p0 s3, s7;
	s7 =	simm.s32 @!p0 $0x108  }
0x21: {  	s3 =	sadd.s32 s3, s9;
	s6 =	sadd.s32 @!p0 $0x88, s6;
	s7 =	simm.s32 @p2 $0x1082  }
0x22: {  	[simem:s7], [sflag:s8] =	dma.local @!p0 [hbm:s6], $0xF7A  }
0x23: {  	s9 =	sor.u32 $0xD0000000, s2;
	s6 =	simm.s32 $0x108;
	_ =	swait.ge @!p0 [sflag:s8], $0x0  }
0x24: {  	s3 =	sadd.s32 $0x88, s3;
	s6 =	simm.s32 @!p1 $0x1082;
	[sflag:s4] =	ssyncset.s32 $0xFFFFF086  }
0x25: {  	[simem:s6], [sflag:s4] =	dma.local [hbm:s3], $0xF7A  }
0x26: {  	[smem:$0x3F94] =	sst s1;
	(tag) =	ssettag s2;
	_ =	strace s9  }
0x27: {  	s1 =	sld [smem:$0x3FA4]  }
0x28: {  	s2 =	sld [smem:$0x3FA5]  }
0x29: {  	s4 =	sld [smem:$0x3FA7]  }
0x2a: {  	p0 =	seq.s32 s5, $0x0;
	s5 =	sld [smem:$0x3FA8]  }
0x2b: {  	s6 =	sld [smem:$0x3FA9]  }
0x2c: {  	s7 =	sld [smem:$0x3FAA]  }
0x2d: {  	s3 =	simm.s32 $0x108;
	s8 =	sld [smem:$0x3FAB]  }
0x2e: {  	s3 =	simm.s32 @!p0 $0x1082;
	s9 =	sld [smem:$0x3FAC]  }
0x2f: {  	lr =	sadd.s32 s0, s3;
	s0 =	sld [smem:$0x3FA3]  }
0x30: {  	s3 =	sld [smem:$0x3FA6]  }
0x31: {  	[smem:$0x3FAF] =	sst s10  }
0x32: {  	s10 =	sld [smem:$0x3FAD];
	_ =	sdelay $0x3  }
0x33: {  	p0 =	seq.s32 s10, $0x1;
	s10 =	sld [smem:$0x3FAF];
	_ =	sdelay $0x3  }
0x34: {  	[smem:$0x3FAF] =	sst s10  }
0x35: {  	s10 =	sld [smem:$0x3FAE];
	_ =	sdelay $0x3  }
0x36: {  	p1 =	seq.s32 s10, $0x1;
	s10 =	sld [smem:$0x3FAF];
	_ =	sdelay $0x3  }
0x37: {  	[smem:$0x3FAF] =	sst s10  }
0x38: {  	s10 =	sld [smem:$0x3FB0]  }
0x39: {  	_ = 	snop;
	(pc) =	sbr.ind lr, $3  }
0x3a: {  	_ = 	snop  }
0x3b: {  	_ = 	snop  }
0x3c: {  	p2 =	seq.s32 s10, $0x1;
	s10 =	sld [smem:$0x3FAF]  }
0x3d: {  	_ =	shalt  }
0x3e: {  	_ =	shalt  }
0x3f: {  	_ =	shalt  }
0x40: {  	_ =	shalt  }
0x41: {  	_ =	shalt  }
0x42: {  	_ =	shalt  }
0x43: {  	_ =	shalt  }
0x44: {  	_ =	shalt  }
0x45: {  	_ =	shalt  }
0x46: {  	_ =	shalt  }
0x47: {  	_ =	shalt  }
0x48: {  	_ =	shalt  }
0x49: {  	_ =	shalt  }
0x4a: {  	_ =	shalt  }
0x4b: {  	_ =	shalt  }
0x4c: {  	_ =	shalt  }
0x4d: {  	_ =	shalt  }
0x4e: {  	_ =	shalt  }
0x4f: {  	_ =	shalt  }
0x50: {  	_ =	shalt  }
0x51: {  	_ =	shalt  }
0x52: {  	_ =	shalt  }
0x53: {  	_ =	shalt  }
0x54: {  	_ =	shalt  }
0x55: {  	_ =	shalt  }
0x56: {  	_ =	shalt  }
0x57: {  	_ =	shalt  }
0x58: {  	_ =	shalt  }
0x59: {  	_ =	shalt  }
0x5a: {  	_ =	shalt  }
0x5b: {  	_ =	shalt  }
0x5c: {  	_ =	shalt  }
0x5d: {  	_ =	shalt  }
0x5e: {  	_ =	shalt  }
0x5f: {  	_ =	shalt  }
0x60: {  	_ =	shalt  }
0x61: {  	_ =	shalt  }
0x62: {  	_ =	shalt  }
0x63: {  	_ =	shalt  }
0x64: {  	_ =	shalt  }
0x65: {  	_ =	shalt  }
0x66: {  	_ =	shalt  }
0x67: {  	_ =	shalt  }
0x68: {  	_ =	shalt  }
0x69: {  	_ =	shalt  }
0x6a: {  	_ =	shalt  }
0x6b: {  	_ =	shalt  }
0x6c: {  	_ =	shalt  }
0x6d: {  	_ =	shalt  }
0x6e: {  	_ =	shalt  }
0x6f: {  	_ =	shalt  }
0x70: {  	_ =	shalt  }
0x71: {  	_ =	shalt  }
0x72: {  	_ =	shalt  }
0x73: {  	_ =	shalt  }
0x74: {  	_ =	shalt  }
0x75: {  	_ =	shalt  }
0x76: {  	_ =	shalt  }
0x77: {  	_ =	shalt  }
0x78: {  	_ =	shalt  }
0x79: {  	_ =	shalt  }
0x7a: {  	_ =	shalt  }
0x7b: {  	_ =	shalt  }
0x7c: {  	_ =	shalt  }
0x7d: {  	_ =	shalt  }
0x7e: {  	_ =	shalt  }
0x7f: {  	_ =	shalt  }
0x80: {  	_ =	shalt  }
0x81: {  	_ =	shalt  }
0x82: {  	_ =	shalt  }
0x83: {  	_ =	shalt  }
0x84: {  	_ =	shalt  }
0x85: {  	_ =	shalt  }
0x86: {  	_ =	shalt  }
0x87: {  	_ =	shalt  }
.Lfunc_end0:
.L_simem_size_0:
called_computation_lowered:
.L_overlay_start_0:
0x88: {  	s2 =	sld [smem:$0x3FD9]  }
0x89: {  	s3 =	sld [smem:$0x3FFE];
	_ =	sdelay $0x1  }
0x8a: {  	s1 =	srdreg.scid  }
0x8b: {  	s0 =	sand.u32 $0x1, s1  }
0x8c: {  	s14 =	sshll.u32 s0, $0xA;
	s2 =	sadd.s32 s3, s2  }
0x8d: {  	s2 =	sadd.s32 s2, s14  }
0x8e: {  	[smem:$0x3FBB] =	sst s2  }
0x8f: {  	_ = 	snop  }
0x90: {  	s2 =	sld [smem:$0x3FD0];
	_ =	sdelay $0x2  }
0x91: {  	s15 =	simm.s32 $0xA;
	s4 =	simm.s32 $0x10  }
0x92: {  	[smem:s4], [sflag:s15] =	dma.local [hbm:s2], $0x1  }
0x93: {  	_ =	swait.eq [sflag:s15], $0x1  }
0x94: {  	[sflag:s15] =	ssyncset.done $0x0  }
0x95: {  	[sflag:s15] =	ssyncadd.s32 $0xFFFFFFFF  }
0x96: {  	s16 =	sld [smem:$0x11];
	(tm) =	ssettm $0x1  }
0x97: {  	s17 =	sld [smem:$0x3FFB];
	_ =	sdelay $0x3  }
0x98: {  	_ =	strace s17  }
0x99: {  	s3 =	sld [smem:$0x3FFC];
	_ =	sdelay $0x3  }
0x9a: {  	_ =	strace s3  }
0x9b: {  	s3 =	sld [smem:$0x3FFD];
	_ =	sdelay $0x3  }
0x9c: {  	_ =	strace s3  }
0x9d: {  	_ =	strace $0x8FFFFFFF  }
0x9e: {  	s18 =	sld [smem:$0x3FDB];
	_ =	sdelay $0x1  }
0x9f: {  	s19 =	simm.s32 $_scs_section_size  }
0xa0: {  	s5 =	simm.s32 $_size__tile_overlayer_lowered;
	s6 =	simm.s32 $_tile_overlayer_lowered  }
0xa1: {  	s22 =	simm.s32 $0x1BFF;
	s21 =	sshll.u32 s6, $0x1;
	s3 =	sadd.s32 s19, s18  }
0xa2: {  	s7 =	simm.s32 $0x0;
	s20 =	sshll.u32 s5, $0x1;
	s5 =	sadd.s32 s21, s3  }
0xa3: {  	[timem:s7], [sflag:s22] =	dma.local [hbm:s5], s20  }
0xa4: {  	_ =	swait.ge [sflag:s22], s20  }
0xa5: {  	s4 =	ssub.s32 $0x0, s20;
	[sflag:s22] =	ssyncset.done $0x0  }
0xa6: {  	[sflag:s22] =	ssyncadd.s32 s4;
	_ =	sdelay $0x1  }
0xa7: {  	s23 =	simm.s32 $0x1B8B  }
0xa8: {  	_ =	swait.ge [sflag:s23], $0x1  }
0xa9: {  	[sflag:s23] =	ssyncset.done $0x0  }
0xaa: {  	s25 =	simm.s32 $0x1B8E;
	s24 =	sld [smem:$0x3FFE];
	[sflag:s23] =	ssyncadd.s32 $0xFFFFFFFF  }
0xab: {  	s26 =	simm.s32 $execute0_lowered;
	[smem:$0x3FD2] =	sst s25  }
0xac: {  	s5 =	sshll.u32 s26, $0x1;
	_ =	strace $0x80000046;
	[dreg:$0x1] =	wrdreg $0xFFFFFFFF  }
0xad: {  	s28 =	simm.s32 $_size_execute0_lowered;
	s3 =	sadd.s32 s3, s5;
	[dreg:$0x0] =	wrdreg $0x0  }
0xae: {  	s5 =	sshll.u32 s28, $0x1;
	[dreg:$0x2] =	wrdreg s3  }
0xaf: {  	[dreg:$0x3] =	wrdreg s5  }
0xb0: {  	[dreg:$0x4] =	wrdreg $0xC0  }
0xb1: {  	_ =	task [dreg:s7], $0x5FFFF  }
0xb2: {  	[dreg:$0x1] =	wrdreg $0xFFFFFFFF  }
0xb3: {  	[dreg:$0x0] =	wrdreg $0x60  }
0xb4: {  	[dreg:$0x2] =	wrdreg s24  }
0xb5: {  	[dreg:$0x3] =	wrdreg s16  }
0xb6: {  	[dreg:$0x4] =	wrdreg $0x9  }
0xb7: {  	_ =	task.clear_ibuf [dreg:s7], $0x5FFFF;
	_ =	strace $0x90000046  }
0xb8: {  	s29 =	simm.s32 $0x9;
	_ =	strace $0x80000048  }
0xb9: {  	_ =	swait.ge [sflag:s29], $0x1  }
0xba: {  	[sflag:s29] =	ssyncadd.s32 $0xFFFFFFFF  }
0xbb: {  	_ =	strace $0x90000048  }
0xbc: {  	_ =	sfence  }
0xbd: {  	s30 =	sld [smem:$0x0];
	_ =	sdelay $0x2  }
0xbe: {  	s31 =	sshll.u32 s1, $0xD;
	s1 =	sshrl.u32 s1, $0x2  }
0xbf: {  	s3 =	sand.u32 $0x4000, s31;
	s1 =	sadd.s32 s1, s30  }
0xc0: {  	s0 =	sor.u32 s3, s0;
	s1 =	sshll.u32 s1, $0x11  }
0xc1: {  	s0 =	sor.u32 s1, s0  }
0xc2: {  	s0 =	sadd.s32 $0x8F2B, s0  }
0xc3: {  	[sflag:s0] =	ssyncadd.remote.s32 $0x1  }
0xc4: {  	_ =	sfence.sel $0xFFFF  }
0xc5: {  	[dreg:$0x0] =	wrdreg $0xFFFFFFFF;
	(pc) =	sbr.abs _section_cstart, $3  }
0xc6: {  	[dreg:$0x1] =	wrdreg $0xFFFFFFFF  }
0xc7: {  	_ =	task.clear_ibuf [dreg:s7], $0x2FFFF;
	_ =	strace $0x9FFFFFFF  }
0xc8: {  	(tm) =	ssettm $0x7FFFFFFF  }
0xc9: {  	_ =	shalt  }
tec
execute0_lowered:
.L_overlay_start_1:
0x0: {  	(tag) =	ssettag $0x1  }
0x1: {  	s3 =	rddreg [dreg:$0x0]  }
0x2: {  	s1 =	srdreg.scid;
	s0 =	stileid.u32  }
0x3: {  	s6 =	rddreg [dreg:$0x1];
	s2 =	simm.s32 $0x0;
	s13 =	simm.s32 $0x180  }
0x4: {  	s14 =	simm.s32 $0x2;
	s15 =	simm.s32 $0x1;
	s16 =	simm.s32 $0x400  }
0x5: {  	s17 =	simm.s32 $0x0;
	s4 =	sand.u32 $0x1, s1;
	s1 =	rddreg [dreg:$0x2]  }
0x6: {  	s5 =	sshll.u32 s0, $0x1;
	[smem:$0x7FF] =	sst s2;
	s8 =	sshrl.u32 s0, $0x2  }
0x7: {  	s3 =	sadd.s32 $0xD200, s3;
	s10 =	smul.u32 $0x4E20, s0;
	s5 =	sor.u32 s4, s5  }
0x8: {  	_ =	strace $0x80000047;
	s9 =	ssub.s32 $0x2, s4;
	s12 =	smul.u32 $0x2710, s4  }
0x9: {  	s7 =	smul.u32 $0x2710, s5;
	s5 =	sshll.u32 s5, $0x7;
	s11 =	sshrl.u32 s9, $0x1  }
0xa: {  	s8 =	smul.u32 $0x13C00, s8;
	s5 =	sand.u32 $0x380, s5;
	s9 =	ssub.s32 s9, s11  }
0xb: {  	s10 =	sadd.s32 s12, s10;
	s12 =	simm.s32 $0x80;
	s29 =	sshrl.u32 s7, $0x3  }
0xc: {  	s5 =	sor.u32 s8, s5;
	s31 =	sadd.s32 $0xF0, s10;
	s7 =	smax.u32 s9, $0x1  }
0xd: {  	s9 =	sadd.s32 $0xA0, s10;
	s4 =	sadd.s32 s3, s29;
	s30 =	sshrl.u32 s5, $0x3  }
0xe: {  	s11 =	sshrl.u32 s31, $0x3;
	s5 =	sadd.s32 $0xA, s4;
	s6 =	sadd.s32 s6, s30  }
0xf: {  	v0 =	vimm.f32 $1.000000000e+00;
	v1 =	vimm.f32 $0.0e+00;
	s8 =	sadd.s32 $0x4D8, s4;
	s10 =	sadd.s32 s11, s3;
	s11 =	simm.s32 $0x3  }
.LBB2_1:
0x10: {  	[tilespmem:$0x100] =	vst v0;
	s18 =	simm.s32 $0x40;
	s19 =	simm.s32 $0x0  }
.LBB2_2:
0x11: {  	p0 =	sne.s32 s18, $0x9C00;
	[tilespmem:s19+$0x180] =	vst v1;
	s19 =	smov.u32 s18;
	s18 =	sadd.s32 $0x40, s18  }
.Ltmp0:
0x12: {  	(pc) =	sbr.rel @p0 .LBB2_2-.Ltmp0, $2  }
0x13: {  	_ =	sdelay $0x2  }
0x14: {  	s19 =	sshra.s32 s19, $0x2  }
0x15: {  	[tilespmem:s19+$0x180] =	vst v1;
	s18 =	simm.s32 $0x0  }
0x16: {  	[tilespmem:s18], [sflag:$0x3] =	stream.linear.gather [hbm4b:s4+s18], $0x50, $0x38;
	[tilespmem:$0x2900] =	vst v63  }
0x17: {  	_ =	swait.ge [sflag:s11], $0x50  }
0x18: {  	[sflag:s11] =	ssyncset.done $0x0  }
0x19: {  	s19 =	smov.u32 s9;
	[sflag:s11] =	ssyncadd.s32 $0xFFFFFFB0  }
0x1a: {  	[tilespmem:s12], [sflag:$0x2] =	stream.linear.gather [hbm4b:s5+s18], $0x50, $0x38;
	[tilespmem:$0x2900] =	vst v63  }
.LBB2_4:
0x1b: {  	v2 =	vld [tilespmem:$0x0];
	_ =	sdelay $0x2  }
0x1c: {  	v3 =	vld [tilespmem:$0x100];
	_ =	sdelay $0x4  }
0x1d: {  	[tilespmem:v2+s13+$0x0] =	vst.idx.add.f32.msk $0xffff, v3  }
0x1e: {  	v2 =	vld [tilespmem:$0x10];
	_ =	sdelay $0x7  }
0x1f: {  	[tilespmem:v2+s13+$0x0] =	vst.idx.add.f32.msk $0xffff, v3  }
0x20: {  	v2 =	vld [tilespmem:$0x20];
	_ =	sdelay $0x7  }
0x21: {  	[tilespmem:v2+s13+$0x0] =	vst.idx.add.f32.msk $0xffff, v3  }
0x22: {  	v2 =	vld [tilespmem:$0x30];
	_ =	sdelay $0x7  }
0x23: {  	[tilespmem:v2+s13+$0x0] =	vst.idx.add.f32.msk $0xffff, v3  }
0x24: {  	v2 =	vld [tilespmem:$0x40];
	_ =	sdelay $0x6  }
0x25: {  	s20 =	sshrl.u32 s19, $0x3  }
0x26: {  	s20 =	sadd.s32 s3, s20;
	[tilespmem:v2+s13+$0x0] =	vst.idx.add.f32.msk $0xffff, v3  }
0x27: {  	[tilespmem:s2], [sflag:$0x1] =	stream.linear.gather [hbm4b:s20+s2], $0x50, $0x38;
	[tilespmem:$0x2900] =	vst v63  }
0x28: {  	_ =	swait.ge [sflag:s14], $0x50  }
0x29: {  	[sflag:s14] =	ssyncset.done $0x0  }
0x2a: {  	[sflag:s14] =	ssyncadd.s32 $0xFFFFFFB0  }
0x2b: {  	v2 =	vld [tilespmem:$0x80];
	_ =	sdelay $0x2  }
0x2c: {  	v3 =	vld [tilespmem:$0x100];
	_ =	sdelay $0x4  }
0x2d: {  	[tilespmem:v2+s13+$0x0] =	vst.idx.add.f32.msk $0xffff, v3  }
0x2e: {  	v2 =	vld [tilespmem:$0x90];
	_ =	sdelay $0x7  }
0x2f: {  	[tilespmem:v2+s13+$0x0] =	vst.idx.add.f32.msk $0xffff, v3  }
0x30: {  	v2 =	vld [tilespmem:$0xA0];
	_ =	sdelay $0x7  }
0x31: {  	[tilespmem:v2+s13+$0x0] =	vst.idx.add.f32.msk $0xffff, v3  }
0x32: {  	v2 =	vld [tilespmem:$0xB0];
	_ =	sdelay $0x7  }
0x33: {  	[tilespmem:v2+s13+$0x0] =	vst.idx.add.f32.msk $0xffff, v3  }
0x34: {  	v2 =	vld [tilespmem:$0xC0];
	_ =	sdelay $0x6  }
0x35: {  	p0 =	sne.s32 s18, $0x4B0  }
.Ltmp1:
0x36: {  	s31 =	sadd.s32 s18, s10;
	[tilespmem:v2+s13+$0x0] =	vst.idx.add.f32.msk $0xffff, v3;
	(pc) =	sbr.rel @p0 .LBB2_4-.Ltmp1, $4  }
0x37: {  	[tilespmem:s12], [sflag:$0x2] =	stream.linear.gather [hbm4b:s31+s2], $0x50, $0x38;
	[tilespmem:$0x2900] =	vst v63  }
0x38: {  	_ =	swait.ge [sflag:s15], $0x50  }
0x39: {  	[sflag:s15] =	ssyncset.done $0x0  }
0x3a: {  	s19 =	sadd.s32 $0xA0, s19;
	s18 =	sadd.s32 $0x14, s18;
	[sflag:s15] =	ssyncadd.s32 $0xFFFFFFB0  }
0x3b: {  	v2 =	vld [tilespmem:$0x0];
	_ =	sdelay $0x2  }
0x3c: {  	v3 =	vld [tilespmem:$0x100];
	_ =	sdelay $0x4  }
0x3d: {  	[tilespmem:v2+s13+$0x0] =	vst.idx.add.f32.msk $0xffff, v3  }
0x3e: {  	v2 =	vld [tilespmem:$0x10];
	_ =	sdelay $0x7  }
0x3f: {  	[tilespmem:v2+s13+$0x0] =	vst.idx.add.f32.msk $0xffff, v3  }
0x40: {  	v2 =	vld [tilespmem:$0x20];
	_ =	sdelay $0x7  }
0x41: {  	[tilespmem:v2+s13+$0x0] =	vst.idx.add.f32.msk $0xffff, v3  }
0x42: {  	v2 =	vld [tilespmem:$0x30];
	_ =	sdelay $0x7  }
0x43: {  	[tilespmem:v2+s13+$0x0] =	vst.idx.add.f32.msk $0xffff, v3  }
0x44: {  	v2 =	vld [tilespmem:$0x40];
	_ =	sdelay $0x7  }
0x45: {  	[tilespmem:v2+s13+$0x0] =	vst.idx.add.f32.msk $0xffff, v3  }
0x46: {  	[tilespmem:s2], [sflag:$0x1] =	stream.linear.gather [hbm4b:s8+s2], $0x50, $0x38;
	[tilespmem:$0x2900] =	vst v63  }
0x47: {  	_ =	swait.ge [sflag:s14], $0x50  }
0x48: {  	[sflag:s14] =	ssyncset.done $0x0  }
0x49: {  	[sflag:s14] =	ssyncadd.s32 $0xFFFFFFB0  }
0x4a: {  	v2 =	vld [tilespmem:$0x80];
	_ =	sdelay $0x2  }
0x4b: {  	v3 =	vld [tilespmem:$0x100];
	_ =	sdelay $0x4  }
0x4c: {  	[tilespmem:v2+s13+$0x0] =	vst.idx.add.f32.msk $0xffff, v3  }
0x4d: {  	v2 =	vld [tilespmem:$0x90];
	_ =	sdelay $0x7  }
0x4e: {  	[tilespmem:v2+s13+$0x0] =	vst.idx.add.f32.msk $0xffff, v3  }
0x4f: {  	v2 =	vld [tilespmem:$0xA0];
	_ =	sdelay $0x7  }
0x50: {  	[tilespmem:v2+s13+$0x0] =	vst.idx.add.f32.msk $0xffff, v3  }
0x51: {  	v2 =	vld [tilespmem:$0xB0];
	_ =	sdelay $0x7  }
0x52: {  	[tilespmem:v2+s13+$0x0] =	vst.idx.add.f32.msk $0xffff, v3  }
0x53: {  	v2 =	vld [tilespmem:$0xC0];
	_ =	sdelay $0x7  }
0x54: {  	[tilespmem:v2+s13+$0x0] =	vst.idx.add.f32.msk $0xffff, v3  }
0x55: {  	[tilespmem:s12], [sflag:$0x2] =	stream.linear.gather [hbm4b:s8+s2], $0x50, $0x38;
	[tilespmem:$0x2900] =	vst v63  }
0x56: {  	_ =	swait.ge [sflag:s15], $0x50  }
0x57: {  	[sflag:s15] =	ssyncset.done $0x0  }
0x58: {  	[sflag:s15] =	ssyncadd.s32 $0xFFFFFFB0  }
0x59: {  	_ =	swait.ge [sflag:s14], $0x50  }
0x5a: {  	[sflag:s14] =	ssyncset.done $0x0  }
0x5b: {  	[sflag:s14] =	ssyncadd.s32 $0xFFFFFFB0  }
0x5c: {  	v2 =	vld [tilespmem:$0x0];
	_ =	sdelay $0x2  }
0x5d: {  	v3 =	vld [tilespmem:$0x100];
	_ =	sdelay $0x4  }
0x5e: {  	[tilespmem:v2+s13+$0x0] =	vst.idx.add.f32.msk $0xffff, v3  }
0x5f: {  	v2 =	vld [tilespmem:$0x10];
	_ =	sdelay $0x7  }
0x60: {  	[tilespmem:v2+s13+$0x0] =	vst.idx.add.f32.msk $0xffff, v3  }
0x61: {  	v2 =	vld [tilespmem:$0x20];
	_ =	sdelay $0x7  }
0x62: {  	[tilespmem:v2+s13+$0x0] =	vst.idx.add.f32.msk $0xffff, v3  }
0x63: {  	v2 =	vld [tilespmem:$0x30];
	_ =	sdelay $0x7  }
0x64: {  	[tilespmem:v2+s13+$0x0] =	vst.idx.add.f32.msk $0xffff, v3  }
0x65: {  	v2 =	vld [tilespmem:$0x40];
	_ =	sdelay $0x5  }
0x66: {  	s17 =	sadd.s32 $0x1, s17  }
0x67: {  	p0 =	sne.s32 s17, s7  }
.Ltmp2:
0x68: {  	[tilespmem:v2+s13+$0x0] =	vst.idx.add.f32.msk $0xffff, v3;
	(pc) =	sbr.rel @p0 .LBB2_1-.Ltmp2, $4  }
0x69: {  	[hbm4b:s6+s12] =	stream.strided.scatter [tilespmem:s13], [sflag:$0x3], $0x2780, s16, s12, $0x38;
	[tilespmem:$0x2900] =	vst v63  }
0x6a: {  	_ =	swait.ge [sflag:s11], $0x2780  }
0x6b: {  	[sflag:s11] =	ssyncset.done $0x0  }
0x6c: {  	[sflag:s11] =	ssyncadd.s32 $0xFFFFD880  }
0x6d: {  	_ =	sfence.sel $0x180000  }
0x6e: {  	[bflag:$0x0] =	sbarrier.arrive $0xFFFF  }
0x6f: {  	p0 =	sne.s32 s0, $0x0;
	_ =	strace $0x90000047  }
0x70: {  	s0 =	sadd.s32 @!p0 $0x100000, s1;
	[bflag:$0x2] =	sbarrier.arrive $0xFFFF  }
0x71: {  	[sflag:s0] =	ssyncadd.tile.s32 @!p0 $0x1;
	_ =	shalt  }
.Lfunc_end2:
_tile_overlayer_lowered:
.L_overlay_start_2:
0x72: {  	(tag) =	ssettag $0x2  }
0x73: {  	s0 =	rddreg [dreg:$0x0];
	s2 =	stileid.u32  }
0x74: {  	s1 =	rddreg [dreg:$0x1];
	p0 =	sne.s32 s2, $0x0  }
0x75: {  	s3 =	rddreg [dreg:$0x2];
	[bflag:$0x3] =	sbarrier.arrive $0xFFFF;
	s2 =	simm.s32 @!p0 $0x1C03  }
0x76: {  	[timem:s3], [sflag:s2] =	dma.local @!p0 [hbm:s0], s1  }
0x77: {  	s0 =	simm.s32 @!p0 $0x3  }
0x78: {  	_ =	swait.ge @!p0 [sflag:s0], s1  }
0x79: {  	s1 =	ssub.s32 @!p0 $0x0, s1;
	[sflag:s0] =	ssyncset.done @!p0 $0x0  }
0x7a: {  	[sflag:s0] =	ssyncadd.s32 @!p0 s1  }
0x7b: {  	[bflag:$0x3] =	sbarrier.arrive $0xFFFF  }
0x7c: {  	_ =	shalt  }

</sc_bundles>
